<compile_context>
chip_gen: v7x
topology: tpu7x:2x2x1
jax: 0.10.2.dev20260603
libtpu: 0.0.44.dev20260713+nightly
codegen_flags: <defaults>
</compile_context>

<pallas_src>
import functools

import jax
import jax.numpy as jnp
from jax import lax
from jax.experimental import pallas as pl
from jax.experimental.pallas import tpu as pltpu
from jax.experimental.pallas import tpu_sc as plsc

_W = 512
_G = 16
_FL = 16


def _make_gather2(B, D, N):
    try:
        info = plsc.get_sparse_core_info()
        NC, NS = info.num_cores, info.num_subcores
    except Exception:
        NC, NS = 2, 16
    NW = NC * NS
    assert B % (8 * NW) == 0
    n_pad = ((N + 127) // 128) * 128
    n_units = (N + _W - 1) // _W
    dma_max = n_pad - _W
    upw = n_units // NW
    rem = n_units - upw * NW
    max_upw = upw + (1 if rem else 0)

    mesh = plsc.VectorSubcoreMesh(core_axis_name="c", subcore_axis_name="s")

    @functools.partial(
        pl.kernel,
        mesh=mesh,
        out_type=[
            jax.ShapeDtypeStruct((B + 8, 128), jnp.float32),
            jax.ShapeDtypeStruct((B + 8, 128), jnp.float32),
        ],
        scratch_types=[
            pltpu.VMEM((B,), jnp.int32),
            pltpu.VMEM((B + _G,), jnp.int32),
            pltpu.VMEM((B + _G,), jnp.int32),
            pltpu.VMEM((2, D, _W), jnp.float32),
            pltpu.VMEM((2 * _FL, 128), jnp.float32),
            pltpu.VMEM((_G,), jnp.int32),
            pltpu.VMEM((_G,), jnp.int32),
            pltpu.SemaphoreType.DMA,
            pltpu.SemaphoreType.DMA,
            pltpu.SemaphoreType.DMA,
        ],
        compiler_params=pltpu.CompilerParams(needs_layout_passes=False),
    )
    def gather2(uidx_hbm, iidx_hbm, u_tab_hbm, v_tab_hbm, u_out_hbm,
                v_out_hbm, idx_all, m_idx, m_pos, blk, flb, st_i, st_p,
                s0, s1, sf):
        wid = lax.axis_index("s") * NC + lax.axis_index("c")
        lanes = lax.iota(jnp.int32, _G)
        rows16 = [lax.iota(jnp.int32, 16) + 16 * g for g in range(D // 16)]
        sems = (s0, s1)
        n_u = upw + (wid < rem).astype(jnp.int32)
        u0 = wid * upw + jnp.minimum(wid, rem)

        def extract(vec, l):
            return jnp.sum(jnp.where(lanes == l, vec, 0))

        def scalar_of(x):
            return extract(x, 0) if getattr(x, "ndim", 0) else x

        for idx_hbm, tab_hbm, out_hbm in (
            (uidx_hbm, u_tab_hbm, u_out_hbm),
            (iidx_hbm, v_tab_hbm, v_out_hbm),
        ):
            def dma_lo(c):
                return jnp.minimum((u0 + c) * _W, dma_max)

            def issue(c, b):
                cb = pl.multiple_of(dma_lo(c), 128)
                pltpu.async_copy(tab_hbm.at[:, pl.ds(cb, _W)],
                                 blk.at[b], sems[b])

            issue(jnp.int32(0), 0)
            issue(jnp.int32(1), 1)

            pltpu.sync_copy(idx_hbm, idx_all)
            lo = u0 * _W
            hi = jnp.minimum((u0 + n_u) * _W, jnp.int32(N))

            def prescan(p, cnt):
                vec = idx_all[pl.ds(p * _G, _G)]
                posv = lanes + p * _G
                m = (vec >= lo) & (vec < hi)
                plsc.store_compressed(m_idx.at[pl.ds(cnt, _G)], vec, mask=m)
                plsc.store_compressed(m_pos.at[pl.ds(cnt, _G)], posv, mask=m)
                pc = scalar_of(plsc.all_reduce_population_count(m))
                return cnt + pc

            cnt = lax.fori_loop(0, B // _G, prescan, jnp.int32(0))
            m_idx[pl.ds(cnt, _G)] = jnp.zeros((_G,), jnp.int32) - 1
            n_pieces = (cnt + _G - 1) >> 4

            def do_chunk(c, b, carry):
                pltpu.make_async_copy(tab_hbm.at[:, pl.ds(0, _W)],
                                      blk.at[b], sems[b]).wait()
                win_lo = (u0 + c) * _W
                col0 = dma_lo(c)

                def piece(p2, carry):
                    mv = m_idx[pl.ds(p2 * _G, _G)]
                    pv = m_pos[pl.ds(p2 * _G, _G)]
                    lm = (mv >= win_lo) & (mv < win_lo + _W)
                    plsc.store_compressed(st_i.at[pl.ds(0, _G)], mv, mask=lm)
                    plsc.store_compressed(st_p.at[pl.ds(0, _G)], pv, mask=lm)
                    mp = scalar_of(plsc.all_reduce_population_count(lm))

                    def hit(t, carry):
                        slot, par, nfl, pos_vec = carry
                        tvec = jnp.zeros((_G,), jnp.int32) + t
                        civ = plsc.load_gather(st_i.at[pl.ds(0, _G)], [tvec])
                        pvv = plsc.load_gather(st_p.at[pl.ds(0, _G)], [tvec])
                        cols = civ - col0
                        row = par * _FL + slot
                        for gg in range(D // 16):
                            v = plsc.load_gather(blk.at[b], [rows16[gg],
                                                             cols])
                            flb[row, pl.ds(16 * gg, 16)] = v
                        pos_vec = jnp.where(lanes == slot, pvv, pos_vec)
                        slot2 = slot + 1
                        full = slot2 == _FL

                        @pl.when(full & (nfl > 0))
                        def _():
                            pltpu.make_async_copy(
                                flb.at[pl.ds(0, _FL)],
                                out_hbm.at[pl.ds(0, _FL)], sf).wait()

                        @pl.when(full)
                        def _():
                            fb = pl.multiple_of(par * _FL, _FL)
                            pltpu.async_copy(flb.at[pl.ds(fb, _FL)],
                                             out_hbm.at[pos_vec], sf)

                        return (lax.select(full, jnp.int32(0), slot2),
                                lax.select(full, 1 - par, par),
                                lax.select(full, nfl + 1, nfl), pos_vec)

                    return lax.fori_loop(0, mp, hit, carry)

                carry = lax.fori_loop(0, n_pieces, piece, carry)

                @pl.when(c + 2 < n_u)
                def _():
                    issue(c + 2, b)

                return carry

            def pair(cp, carry):
                for bb in range(2):
                    cc = cp * 2 + bb

                    def run(carry, cc=cc, bb=bb):
                        return do_chunk(cc, bb, carry)

                    carry = lax.cond(cc < n_u, run, lambda s: s, carry)
                return carry

            carry0 = (jnp.int32(0), jnp.int32(0), jnp.int32(0),
                      jnp.zeros((_G,), jnp.int32) + B)
            slot, par, nfl, pos_vec = lax.fori_loop(0, (max_upw + 1) // 2,
                                                    pair, carry0)

            @pl.when(nfl > 0)
            def _():
                pltpu.make_async_copy(flb.at[pl.ds(0, _FL)],
                                      out_hbm.at[pl.ds(0, _FL)], sf).wait()

            pos_vec = jnp.where(lanes >= slot, jnp.int32(B), pos_vec)
            fb = pl.multiple_of(par * _FL, _FL)
            pltpu.async_copy(flb.at[pl.ds(fb, _FL)], out_hbm.at[pos_vec],
                             sf).wait()

    return gather2


def kernel(users, items, U_e, V_e):
    B = users.shape[0]
    D = U_e.shape[1]
    N = U_e.shape[0]
    fn = _make_gather2(B, D, N)
    u_p, v_p = fn(users.astype(jnp.int32), items.astype(jnp.int32),
                  jnp.swapaxes(U_e, 0, 1), jnp.swapaxes(V_e, 0, 1))
    return (u_p[:B, :D], v_p[:B, :D])

# --- scband reference (transcript-rebuilt; emitter-appended) ---
"""Pipeline reference for scband-high-filter-6665789243896 (READ-ONLY COPY).

The authoritative reference and input builder live on the scoring server;
editing this copy changes nothing except your own understanding.
"""

import jax, jax.numpy as jnp
import numpy as np

NUM_USERS = 1000000
NUM_ITEMS = 1000000
EMB = 64
B = 16384

def setup_inputs(seed: int = 0) -> dict:
    key = jax.random.key(seed)
    k1, k2, k3, k4 = jax.random.split(key, 4)
    users = jax.random.randint(k1, (B,), 0, NUM_USERS, dtype=jnp.int64) if jax.config.jax_enable_x64 else jax.random.randint(k1, (B,), 0, NUM_USERS).astype(jnp.int32)
    items = jax.random.randint(k2, (B,), 0, NUM_ITEMS).astype(users.dtype)
    U_e = jax.random.normal(k3, (NUM_USERS, EMB), dtype=jnp.float32)
    V_e = jax.random.normal(k4, (NUM_ITEMS, EMB), dtype=jnp.float32)
    return {"users": users, "items": items, "U_e": U_e, "V_e": V_e}

def _my_index_select(memory, index):
    # tmp = list(index.size()) + [-1]; flatten; index_select along dim 0; reshape
    tmp = list(index.shape) + [-1]
    flat = index.reshape(-1)
    ans = jnp.take(memory, flat, axis=0)
    return ans.reshape(tmp)

def reference(users, items, U_e, V_e):
    u_e = _my_index_select(U_e, users)
    v_e = _my_index_select(V_e, items)
    return (u_e, v_e)

if __name__ == "__main__":
    import jax
    _d = setup_inputs()
    print(jax.jit(kernel)(*tuple(_d.values())))

</pallas_src>

<mosaic_0001>
#map = affine_map<(d0, d1) -> (0)>
#map1 = affine_map<(d0, d1) -> (0, 0)>
module attributes {stable_mosaic.version = 14 : i64} {
  func.func @gather2(%arg0: i32, %arg1: i32, %arg2: memref<16384xi32, #tpu.memory_space<hbm>>, %arg3: memref<16384xi32, #tpu.memory_space<hbm>>, %arg4: memref<64x1000000xf32, #tpu.memory_space<hbm>>, %arg5: memref<64x1000000xf32, #tpu.memory_space<hbm>>, %arg6: memref<16392x128xf32, #tpu.memory_space<hbm>>, %arg7: memref<16392x128xf32, #tpu.memory_space<hbm>>, %arg8: memref<16384xi32, #tpu.memory_space<vmem>>, %arg9: memref<16400xi32, #tpu.memory_space<vmem>>, %arg10: memref<16400xi32, #tpu.memory_space<vmem>>, %arg11: memref<2x64x512xf32, #tpu.memory_space<vmem>>, %arg12: memref<32x128xf32, #tpu.memory_space<vmem>>, %arg13: memref<16xi32, #tpu.memory_space<vmem>>, %arg14: memref<16xi32, #tpu.memory_space<vmem>>, %arg15: memref<!tpu.dma_semaphore, #tpu.memory_space<semaphore_mem>>, %arg16: memref<!tpu.dma_semaphore, #tpu.memory_space<semaphore_mem>>, %arg17: memref<!tpu.dma_semaphore, #tpu.memory_space<semaphore_mem>>) attributes {dimension_semantics = [#tpu.dimension_semantics<core_parallel>, #tpu.dimension_semantics<subcore_parallel>], iteration_bounds = array<i64: 2, 16>, scalar_prefetch = 0 : i64, scratch_operands = 10 : i64, tpu.core_type = #tpu.core_type<sc_vector_subcore>, window_params = [{transform_indices = #map}, {transform_indices = #map}, {transform_indices = #map1}, {transform_indices = #map1}, {transform_indices = #map1}, {transform_indices = #map1}]} {
    %mul3A = arith.constant 2 : i32
    %mul3A_0 = arith.muli %arg1, %mul3A : i32
    %add3A = arith.addi %mul3A_0, %arg0 : i32
    %iota3A = tpu.iota {dimensions = array<i32: 0>} : vector<16xi32>
    %iota3A_1 = tpu.iota {dimensions = array<i32: 0>} : vector<16xi32>
    %add3A_2 = arith.constant 0 : i32
    %add3A_3 = vector.broadcast %add3A_2 : i32 to vector<16xi32>
    %add3A_4 = arith.addi %iota3A_1, %add3A_3 : vector<16xi32>
    %iota3A_5 = tpu.iota {dimensions = array<i32: 0>} : vector<16xi32>
    %add3A_6 = arith.constant 16 : i32
    %add3A_7 = vector.broadcast %add3A_6 : i32 to vector<16xi32>
    %add3A_8 = arith.addi %iota3A_5, %add3A_7 : vector<16xi32>
    %iota3A_9 = tpu.iota {dimensions = array<i32: 0>} : vector<16xi32>
    %add3A_10 = arith.constant 32 : i32
    %add3A_11 = vector.broadcast %add3A_10 : i32 to vector<16xi32>
    %add3A_12 = arith.addi %iota3A_9, %add3A_11 : vector<16xi32>
    %iota3A_13 = tpu.iota {dimensions = array<i32: 0>} : vector<16xi32>
    %add3A_14 = arith.constant 48 : i32
    %add3A_15 = vector.broadcast %add3A_14 : i32 to vector<16xi32>
    %add3A_16 = arith.addi %iota3A_13, %add3A_15 : vector<16xi32>
    %lt3A = arith.constant 2 : i32
    %lt3A_17 = arith.cmpi slt, %add3A, %lt3A : i32
    %convert_element_type3A = arith.extui %lt3A_17 : i1 to i32
    %add3A_18 = arith.constant 61 : i32
    %add3A_19 = arith.addi %add3A_18, %convert_element_type3A : i32
    %mul3A_20 = arith.constant 61 : i32
    %mul3A_21 = arith.muli %add3A, %mul3A_20 : i32
    %min3A = arith.constant 2 : i32
    %min3A_22 = arith.minsi %add3A, %min3A : i32
    %add3A_23 = arith.addi %mul3A_21, %min3A_22 : i32
    %add3A_24 = arith.constant 0 : i32
    %add3A_25 = arith.addi %add3A_23, %add3A_24 : i32
    %mul3A_26 = arith.constant 512 : i32
    %mul3A_27 = arith.muli %add3A_25, %mul3A_26 : i32
    %min3A_28 = arith.constant 999552 : i32
    %min3A_29 = arith.minsi %mul3A_27, %min3A_28 : i32
    %multiple_of3A = tpu.assume_multiple %min3A_29, 128 : i32
    %dma_start3A = arith.constant 0 : i32
    %dma_start3A_30 = arith.constant 0 : i32
    %dma_start3A_31 = arith.constant 0 : i32
    %dma_start3A_32 = tpu.memref_slice %arg11[%dma_start3A, %dma_start3A_30, %dma_start3A_31] : memref<2x64x512xf32, #tpu.memory_space<vmem>> -> memref<1x64x512xf32, #tpu.memory_space<vmem>>
    %dma_start3A_33 = tpu.memref_squeeze %dma_start3A_32 : memref<1x64x512xf32, #tpu.memory_space<vmem>> -> memref<64x512xf32, #tpu.memory_space<vmem>>
    %dma_start3A_34 = arith.constant 0 : i32
    %dma_start3A_35 = tpu.memref_slice %arg4[%dma_start3A_34, %multiple_of3A] : memref<64x1000000xf32, #tpu.memory_space<hbm>> -> memref<64x512xf32, #tpu.memory_space<hbm>>
    %dma_start3A_36 = arith.constant 0 : i32
    %dma_start3A_37 = arith.constant 0 : i32
    %dma_start3A_38 = tpu.memref_slice %arg11[%dma_start3A, %dma_start3A_36, %dma_start3A_37] : memref<2x64x512xf32, #tpu.memory_space<vmem>> -> memref<1x64x512xf32, #tpu.memory_space<vmem>>
    %dma_start3A_39 = tpu.memref_squeeze %dma_start3A_38 : memref<1x64x512xf32, #tpu.memory_space<vmem>> -> memref<64x512xf32, #tpu.memory_space<vmem>>
    %dma_start3A_40 = arith.constant 0 : i32
    %dma_start3A_41 = tpu.memref_slice %arg4[%dma_start3A_40, %multiple_of3A] : memref<64x1000000xf32, #tpu.memory_space<hbm>> -> memref<64x512xf32, #tpu.memory_space<hbm>>
    tpu.enqueue_dma source(%dma_start3A_41 : memref<64x512xf32, #tpu.memory_space<hbm>>) target(%dma_start3A_39 : memref<64x512xf32, #tpu.memory_space<vmem>>) target_semaphore(%arg15 : memref<!tpu.dma_semaphore, #tpu.memory_space<semaphore_mem>>)
    %add3A_42 = arith.constant 1 : i32
    %add3A_43 = arith.addi %add3A_23, %add3A_42 : i32
    %mul3A_44 = arith.constant 512 : i32
    %mul3A_45 = arith.muli %add3A_43, %mul3A_44 : i32
    %min3A_46 = arith.constant 999552 : i32
    %min3A_47 = arith.minsi %mul3A_45, %min3A_46 : i32
    %multiple_of3A_48 = tpu.assume_multiple %min3A_47, 128 : i32
    %dma_start3A_49 = arith.constant 1 : i32
    %dma_start3A_50 = arith.constant 0 : i32
    %dma_start3A_51 = arith.constant 0 : i32
    %dma_start3A_52 = tpu.memref_slice %arg11[%dma_start3A_49, %dma_start3A_50, %dma_start3A_51] : memref<2x64x512xf32, #tpu.memory_space<vmem>> -> memref<1x64x512xf32, #tpu.memory_space<vmem>>
    %dma_start3A_53 = tpu.memref_squeeze %dma_start3A_52 : memref<1x64x512xf32, #tpu.memory_space<vmem>> -> memref<64x512xf32, #tpu.memory_space<vmem>>
    %dma_start3A_54 = arith.constant 0 : i32
    %dma_start3A_55 = tpu.memref_slice %arg4[%dma_start3A_54, %multiple_of3A_48] : memref<64x1000000xf32, #tpu.memory_space<hbm>> -> memref<64x512xf32, #tpu.memory_space<hbm>>
    %dma_start3A_56 = arith.constant 0 : i32
    %dma_start3A_57 = arith.constant 0 : i32
    %dma_start3A_58 = tpu.memref_slice %arg11[%dma_start3A_49, %dma_start3A_56, %dma_start3A_57] : memref<2x64x512xf32, #tpu.memory_space<vmem>> -> memref<1x64x512xf32, #tpu.memory_space<vmem>>
    %dma_start3A_59 = tpu.memref_squeeze %dma_start3A_58 : memref<1x64x512xf32, #tpu.memory_space<vmem>> -> memref<64x512xf32, #tpu.memory_space<vmem>>
    %dma_start3A_60 = arith.constant 0 : i32
    %dma_start3A_61 = tpu.memref_slice %arg4[%dma_start3A_60, %multiple_of3A_48] : memref<64x1000000xf32, #tpu.memory_space<hbm>> -> memref<64x512xf32, #tpu.memory_space<hbm>>
    tpu.enqueue_dma source(%dma_start3A_61 : memref<64x512xf32, #tpu.memory_space<hbm>>) target(%dma_start3A_59 : memref<64x512xf32, #tpu.memory_space<vmem>>) target_semaphore(%arg16 : memref<!tpu.dma_semaphore, #tpu.memory_space<semaphore_mem>>)
    "tpu.region"() ({
      %run_scoped3A = tpu.sem_alloc : memref<!tpu.dma_semaphore, #tpu.memory_space<semaphore_mem>>
      tpu.enqueue_dma source(%arg2 : memref<16384xi32, #tpu.memory_space<hbm>>) target(%arg8 : memref<16384xi32, #tpu.memory_space<vmem>>) target_semaphore(%run_scoped3A : memref<!tpu.dma_semaphore, #tpu.memory_space<semaphore_mem>>)
      tpu.wait_dma2 semaphore(%run_scoped3A : memref<!tpu.dma_semaphore, #tpu.memory_space<semaphore_mem>>) src(%arg2 : memref<16384xi32, #tpu.memory_space<hbm>>) dst(%arg8 : memref<16384xi32, #tpu.memory_space<vmem>>)
      tpu.yield
    }) : () -> ()
    %mul3A_62 = arith.constant 512 : i32
    %mul3A_63 = arith.muli %add3A_23, %mul3A_62 : i32
    %add3A_64 = arith.addi %add3A_23, %add3A_19 : i32
    %mul3A_65 = arith.constant 512 : i32
    %mul3A_66 = arith.muli %add3A_64, %mul3A_65 : i32
    %min3A_67 = arith.constant 1000000 : i32
    %min3A_68 = arith.minsi %mul3A_66, %min3A_67 : i32
    %scan3A = arith.constant 0 : i32
    %scan3A_69 = arith.constant 0 : i32
    %scan3A_70 = arith.constant 1024 : i32
    %scan3A_71 = arith.addi %scan3A_69, %scan3A_70 : i32
    %scan3A_72 = arith.constant 1 : i32
    %scan3A_73 = scf.for %scan3A_219 = %scan3A_69 to %scan3A_71 step %scan3A_72 iter_args(%scan3A_220 = %scan3A) -> (i32)  : i32 {
      %mul3A_221 = arith.constant 16 : i32
      %mul3A_222 = arith.muli %scan3A_219, %mul3A_221 : i32
      %get3A = arith.index_cast %mul3A_222 : i32 to index
      %get3A_223 = tpu.vector_load %arg8[%get3A] {strides = array<i32>} : memref<16384xi32, #tpu.memory_space<vmem>>, vector<16xi32>,
      %mul3A_224 = arith.constant 16 : i32
      %mul3A_225 = arith.muli %scan3A_219, %mul3A_224 : i32
      %add3A_226 = vector.broadcast %mul3A_225 : i32 to vector<16xi32>
      %add3A_227 = arith.addi %iota3A, %add3A_226 : vector<16xi32>
      %ge3A_228 = vector.broadcast %mul3A_63 : i32 to vector<16xi32>
      %ge3A_229 = arith.cmpi sge, %get3A_223, %ge3A_228 : vector<16xi32>
      %lt3A_230 = vector.broadcast %min3A_68 : i32 to vector<16xi32>
      %lt3A_231 = arith.cmpi slt, %get3A_223, %lt3A_230 : vector<16xi32>
      %and3A = arith.andi %ge3A_229, %lt3A_231 : vector<16xi1>
      %swap3A_232 = arith.index_cast %scan3A_220 : i32 to index
      %swap3A_233 = tpu.vector_load %arg9[%swap3A_232] masked %and3A {strides = array<i32>} : memref<16400xi32, #tpu.memory_space<vmem>>, vector<16xi32>, vector<16xi1>
      tpu.vector_store %arg9[%swap3A_232], %get3A_223 masked %and3A {strides = array<i32>} : memref<16400xi32, #tpu.memory_space<vmem>>, vector<16xi32>, vector<16xi1>
      %swap3A_234 = arith.index_cast %scan3A_220 : i32 to index
      %swap3A_235 = tpu.vector_load %arg10[%swap3A_234] masked %and3A {strides = array<i32>} : memref<16400xi32, #tpu.memory_space<vmem>>, vector<16xi32>, vector<16xi1>
      tpu.vector_store %arg10[%swap3A_234], %add3A_227 masked %and3A {strides = array<i32>} : memref<16400xi32, #tpu.memory_space<vmem>>, vector<16xi32>, vector<16xi1>
      %all_reduce_population_count3A = tpu.all_reduce %and3A {dim = 0 : i64, kind = #tpu.reduction_kind<sum>} : vector<16xi1> -> vector<16xi32>
      %eq3A = arith.constant 0 : i32
      %eq3A_236 = vector.broadcast %eq3A : i32 to vector<16xi32>
      %eq3A_237 = arith.cmpi eq, %iota3A, %eq3A_236 : vector<16xi32>
      %jit3A_238 = arith.constant 0 : i32
      %broadcast_in_dim3A_239 = vector.broadcast %jit3A_238 : i32 to vector<16xi32>
      %select_n3A_240 = arith.select %eq3A_237, %all_reduce_population_count3A, %broadcast_in_dim3A_239 : vector<16xi1>, vector<16xi32>
      %reduce_sum3A = arith.constant true
      %reduce_sum3A_241 = vector.broadcast %reduce_sum3A : i1 to vector<16xi1>
      %reduce_sum3A_242 = tpu.scan <sum>, %select_n3A_240 masked %reduce_sum3A_241 : vector<16xi32>, vector<16xi1> -> vector<16xi32>
      %reduce_sum3A_243 = vector.extract %reduce_sum3A_242[15] : i32 from vector<16xi32>
      %add3A_244 = arith.addi %scan3A_220, %reduce_sum3A_243 : i32
      scf.yield %add3A_244 : i32
    }
    %scan3A_74 = arith.constant 1024 : i32
    %broadcast_in_dim3A = arith.constant 0 : i32
    %broadcast_in_dim3A_75 = vector.broadcast %broadcast_in_dim3A : i32 to vector<16xi32>
    %sub3A = arith.constant 1 : i32
    %sub3A_76 = vector.broadcast %sub3A : i32 to vector<16xi32>
    %sub3A_77 = arith.subi %broadcast_in_dim3A_75, %sub3A_76 : vector<16xi32>
    %swap3A = arith.index_cast %scan3A_73 : i32 to index
    %swap3A_78 = tpu.vector_load %arg9[%swap3A] {strides = array<i32>} : memref<16400xi32, #tpu.memory_space<vmem>>, vector<16xi32>,
    tpu.vector_store %arg9[%swap3A], %sub3A_77 {strides = array<i32>} : memref<16400xi32, #tpu.memory_space<vmem>>, vector<16xi32>,
    %add3A_79 = arith.constant 16 : i32
    %add3A_80 = arith.addi %scan3A_73, %add3A_79 : i32
    %sub3A_81 = arith.constant 1 : i32
    %sub3A_82 = arith.subi %add3A_80, %sub3A_81 : i32
    %shift_right_arithmetic3A = arith.constant 4 : i32
    %shift_right_arithmetic3A_83 = arith.shrsi %sub3A_82, %shift_right_arithmetic3A : i32
    %broadcast_in_dim3A_84 = arith.constant 0 : i32
    %broadcast_in_dim3A_85 = vector.broadcast %broadcast_in_dim3A_84 : i32 to vector<16xi32>
    %add3A_86 = arith.constant 16384 : i32
    %add3A_87 = vector.broadcast %add3A_86 : i32 to vector<16xi32>
    %add3A_88 = arith.addi %broadcast_in_dim3A_85, %add3A_87 : vector<16xi32>
    %scan3A_89 = arith.constant 0 : i32
    %scan3A_90 = arith.constant 0 : i32
    %scan3A_91 = arith.constant 0 : i32
    %scan3A_92 = arith.constant 0 : i32
    %scan3A_93 = arith.constant 31 : i32
    %scan3A_94 = arith.addi %scan3A_92, %scan3A_93 : i32
    %scan3A_95 = arith.constant 1 : i32
    %scan3A_96:4 = scf.for %scan3A_219 = %scan3A_92 to %scan3A_94 step %scan3A_95 iter_args(%scan3A_220 = %scan3A_89, %scan3A_221 = %scan3A_90, %scan3A_222 = %scan3A_91, %scan3A_223 = %add3A_88) -> (i32, i32, i32, vector<16xi32>)  : i32 {
      %mul3A_224 = arith.constant 2 : i32
      %mul3A_225 = arith.muli %scan3A_219, %mul3A_224 : i32
      %add3A_226 = arith.constant 0 : i32
      %add3A_227 = arith.addi %mul3A_225, %add3A_226 : i32
      %lt3A_228 = arith.cmpi slt, %add3A_227, %add3A_19 : i32
      %convert_element_type3A_229 = arith.extui %lt3A_228 : i1 to i32
      %cond3A_230 = arith.constant 0 : i32
      %cond3A_231 = arith.cmpi ne, %convert_element_type3A_229, %cond3A_230 : i32
      %cond3A_232:4 = scf.if %cond3A_231 -> (i32, i32, i32, vector<16xi32>) {
        %dma_wait3A_242 = arith.constant 0 : i32
        %dma_wait3A_243 = arith.constant 0 : i32
        %dma_wait3A_244 = arith.constant 0 : i32
        %dma_wait3A_245 = tpu.memref_slice %arg11[%dma_wait3A_242, %dma_wait3A_243, %dma_wait3A_244] : memref<2x64x512xf32, #tpu.memory_space<vmem>> -> memref<1x64x512xf32, #tpu.memory_space<vmem>>
        %dma_wait3A_246 = tpu.memref_squeeze %dma_wait3A_245 : memref<1x64x512xf32, #tpu.memory_space<vmem>> -> memref<64x512xf32, #tpu.memory_space<vmem>>
        %dma_wait3A_247 = arith.constant 0 : i32
        %dma_wait3A_248 = arith.constant 0 : i32
        %dma_wait3A_249 = tpu.memref_slice %arg4[%dma_wait3A_247, %dma_wait3A_248] : memref<64x1000000xf32, #tpu.memory_space<hbm>> -> memref<64x512xf32, #tpu.memory_space<hbm>>
        %dma_wait3A_250 = arith.constant 0 : i32
        %dma_wait3A_251 = arith.constant 0 : i32
        %dma_wait3A_252 = tpu.memref_slice %arg11[%dma_wait3A_242, %dma_wait3A_250, %dma_wait3A_251] : memref<2x64x512xf32, #tpu.memory_space<vmem>> -> memref<1x64x512xf32, #tpu.memory_space<vmem>>
        %dma_wait3A_253 = tpu.memref_squeeze %dma_wait3A_252 : memref<1x64x512xf32, #tpu.memory_space<vmem>> -> memref<64x512xf32, #tpu.memory_space<vmem>>
        %dma_wait3A_254 = arith.constant 0 : i32
        %dma_wait3A_255 = arith.constant 0 : i32
        %dma_wait3A_256 = tpu.memref_slice %arg4[%dma_wait3A_254, %dma_wait3A_255] : memref<64x1000000xf32, #tpu.memory_space<hbm>> -> memref<64x512xf32, #tpu.memory_space<hbm>>
        tpu.wait_dma2 semaphore(%arg15 : memref<!tpu.dma_semaphore, #tpu.memory_space<semaphore_mem>>) src(%dma_wait3A_256 : memref<64x512xf32, #tpu.memory_space<hbm>>) dst(%dma_wait3A_253 : memref<64x512xf32, #tpu.memory_space<vmem>>)
        %add3A_257 = arith.addi %add3A_23, %add3A_227 : i32
        %mul3A_258 = arith.constant 512 : i32
        %mul3A_259 = arith.muli %add3A_257, %mul3A_258 : i32
        %add3A_260 = arith.addi %add3A_23, %add3A_227 : i32
        %mul3A_261 = arith.constant 512 : i32
        %mul3A_262 = arith.muli %add3A_260, %mul3A_261 : i32
        %min3A_263 = arith.constant 999552 : i32
        %min3A_264 = arith.minsi %mul3A_262, %min3A_263 : i32
        %while3A = arith.constant 0 : i32
        %while3A_265 = arith.subi %shift_right_arithmetic3A_83, %while3A : i32
        %while3A_266 = arith.addi %while3A, %while3A_265 : i32
        %while3A_267 = arith.constant 1 : i32
        %while3A_268 = arith.divsi %while3A_265, %while3A_267 : i32
        %while3A_269 = arith.muli %while3A_268, %while3A_267 : i32
        %while3A_270 = arith.addi %while3A, %while3A_269 : i32
        %while3A_271 = arith.constant 1 : i32
        %while3A_272:4 = scf.for %while3A_281 = %while3A to %while3A_270 step %while3A_271 iter_args(%while3A_282 = %scan3A_220, %while3A_283 = %scan3A_221, %while3A_284 = %scan3A_222, %while3A_285 = %scan3A_223) -> (i32, i32, i32, vector<16xi32>)  : i32 {
          %mul3A_286 = arith.constant 16 : i32
          %mul3A_287 = arith.muli %while3A_281, %mul3A_286 : i32
          %get3A = arith.index_cast %mul3A_287 : i32 to index
          %get3A_288 = tpu.vector_load %arg9[%get3A] {strides = array<i32>} : memref<16400xi32, #tpu.memory_space<vmem>>, vector<16xi32>,
          %mul3A_289 = arith.constant 16 : i32
          %mul3A_290 = arith.muli %while3A_281, %mul3A_289 : i32
          %get3A_291 = arith.index_cast %mul3A_290 : i32 to index
          %get3A_292 = tpu.vector_load %arg10[%get3A_291] {strides = array<i32>} : memref<16400xi32, #tpu.memory_space<vmem>>, vector<16xi32>,
          %ge3A_293 = vector.broadcast %mul3A_259 : i32 to vector<16xi32>
          %ge3A_294 = arith.cmpi sge, %get3A_288, %ge3A_293 : vector<16xi32>
          %add3A_295 = arith.constant 512 : i32
          %add3A_296 = arith.addi %mul3A_259, %add3A_295 : i32
          %lt3A_297 = vector.broadcast %add3A_296 : i32 to vector<16xi32>
          %lt3A_298 = arith.cmpi slt, %get3A_288, %lt3A_297 : vector<16xi32>
          %and3A = arith.andi %ge3A_294, %lt3A_298 : vector<16xi1>
          %swap3A_299 = arith.constant 0 : index
          %swap3A_300 = tpu.vector_load %arg13[%swap3A_299] masked %and3A {strides = array<i32>} : memref<16xi32, #tpu.memory_space<vmem>>, vector<16xi32>, vector<16xi1>
          tpu.vector_store %arg13[%swap3A_299], %get3A_288 masked %and3A {strides = array<i32>} : memref<16xi32, #tpu.memory_space<vmem>>, vector<16xi32>, vector<16xi1>
          %swap3A_301 = arith.constant 0 : index
          %swap3A_302 = tpu.vector_load %arg14[%swap3A_301] masked %and3A {strides = array<i32>} : memref<16xi32, #tpu.memory_space<vmem>>, vector<16xi32>, vector<16xi1>
          tpu.vector_store %arg14[%swap3A_301], %get3A_292 masked %and3A {strides = array<i32>} : memref<16xi32, #tpu.memory_space<vmem>>, vector<16xi32>, vector<16xi1>
          %all_reduce_population_count3A = tpu.all_reduce %and3A {dim = 0 : i64, kind = #tpu.reduction_kind<sum>} : vector<16xi1> -> vector<16xi32>
          %eq3A = arith.constant 0 : i32
          %eq3A_303 = vector.broadcast %eq3A : i32 to vector<16xi32>
          %eq3A_304 = arith.cmpi eq, %iota3A, %eq3A_303 : vector<16xi32>
          %jit3A_305 = arith.constant 0 : i32
          %broadcast_in_dim3A_306 = vector.broadcast %jit3A_305 : i32 to vector<16xi32>
          %select_n3A_307 = arith.select %eq3A_304, %all_reduce_population_count3A, %broadcast_in_dim3A_306 : vector<16xi1>, vector<16xi32>
          %reduce_sum3A = arith.constant true
          %reduce_sum3A_308 = vector.broadcast %reduce_sum3A : i1 to vector<16xi1>
          %reduce_sum3A_309 = tpu.scan <sum>, %select_n3A_307 masked %reduce_sum3A_308 : vector<16xi32>, vector<16xi1> -> vector<16xi32>
          %reduce_sum3A_310 = vector.extract %reduce_sum3A_309[15] : i32 from vector<16xi32>
          %while3A_311 = arith.constant 0 : i32
          %while3A_312 = arith.subi %reduce_sum3A_310, %while3A_311 : i32
          %while3A_313 = arith.addi %while3A_311, %while3A_312 : i32
          %while3A_314 = arith.constant 1 : i32
          %while3A_315 = arith.divsi %while3A_312, %while3A_314 : i32
          %while3A_316 = arith.muli %while3A_315, %while3A_314 : i32
          %while3A_317 = arith.addi %while3A_311, %while3A_316 : i32
          %while3A_318 = arith.constant 1 : i32
          %while3A_319:4 = scf.for %while3A_322 = %while3A_311 to %while3A_317 step %while3A_318 iter_args(%while3A_323 = %while3A_282, %while3A_324 = %while3A_283, %while3A_325 = %while3A_284, %while3A_326 = %while3A_285) -> (i32, i32, i32, vector<16xi32>)  : i32 {
            %broadcast_in_dim3A_327 = arith.constant 0 : i32
            %broadcast_in_dim3A_328 = vector.broadcast %broadcast_in_dim3A_327 : i32 to vector<16xi32>
            %add3A_329 = vector.broadcast %while3A_322 : i32 to vector<16xi32>
            %add3A_330 = arith.addi %broadcast_in_dim3A_328, %add3A_329 : vector<16xi32>
            %gather3A = arith.constant 0 : i32
            %gather3A_331 = tpu.memref_slice %arg13[%gather3A] : memref<16xi32, #tpu.memory_space<vmem>> -> memref<16xi32, #tpu.memory_space<vmem>>
            %gather3A_332 = tpu.vector_load_idx %gather3A_331[%add3A_330] : memref<16xi32, #tpu.memory_space<vmem>>[vector<16xi32>], vector<16xi32>,
            %gather3A_333 = arith.constant 0 : i32
            %gather3A_334 = tpu.memref_slice %arg14[%gather3A_333] : memref<16xi32, #tpu.memory_space<vmem>> -> memref<16xi32, #tpu.memory_space<vmem>>
            %gather3A_335 = tpu.vector_load_idx %gather3A_334[%add3A_330] : memref<16xi32, #tpu.memory_space<vmem>>[vector<16xi32>], vector<16xi32>,
            %sub3A_336 = vector.broadcast %min3A_264 : i32 to vector<16xi32>
            %sub3A_337 = arith.subi %gather3A_332, %sub3A_336 : vector<16xi32>
            %mul3A_338 = arith.constant 16 : i32
            %mul3A_339 = arith.muli %while3A_324, %mul3A_338 : i32
            %add3A_340 = arith.addi %mul3A_339, %while3A_323 : i32
            %gather3A_341 = arith.constant 0 : i32
            %gather3A_342 = arith.constant 0 : i32
            %gather3A_343 = arith.constant 0 : i32
            %gather3A_344 = tpu.memref_slice %arg11[%gather3A_341, %gather3A_342, %gather3A_343] : memref<2x64x512xf32, #tpu.memory_space<vmem>> -> memref<1x64x512xf32, #tpu.memory_space<vmem>>
            %gather3A_345 = tpu.memref_squeeze %gather3A_344 : memref<1x64x512xf32, #tpu.memory_space<vmem>> -> memref<64x512xf32, #tpu.memory_space<vmem>>
            %gather3A_346 = tpu.vector_load_idx %gather3A_345[%add3A_4, %sub3A_337] : memref<64x512xf32, #tpu.memory_space<vmem>>[vector<16xi32>, vector<16xi32>], vector<16xf32>,
            %swap3A_347 = arith.index_cast %add3A_340 : i32 to index
            %swap3A_348 = arith.constant 0 : index
            %swap3A_349 = tpu.vector_load %arg12[%swap3A_347, %swap3A_348] {strides = array<i32>} : memref<32x128xf32, #tpu.memory_space<vmem>>, vector<16xf32>,
            tpu.vector_store %arg12[%swap3A_347, %swap3A_348], %gather3A_346 {strides = array<i32>} : memref<32x128xf32, #tpu.memory_space<vmem>>, vector<16xf32>,
            %gather3A_350 = arith.constant 0 : i32
            %gather3A_351 = arith.constant 0 : i32
            %gather3A_352 = arith.constant 0 : i32
            %gather3A_353 = tpu.memref_slice %arg11[%gather3A_350, %gather3A_351, %gather3A_352] : memref<2x64x512xf32, #tpu.memory_space<vmem>> -> memref<1x64x512xf32, #tpu.memory_space<vmem>>
            %gather3A_354 = tpu.memref_squeeze %gather3A_353 : memref<1x64x512xf32, #tpu.memory_space<vmem>> -> memref<64x512xf32, #tpu.memory_space<vmem>>
            %gather3A_355 = tpu.vector_load_idx %gather3A_354[%add3A_8, %sub3A_337] : memref<64x512xf32, #tpu.memory_space<vmem>>[vector<16xi32>, vector<16xi32>], vector<16xf32>,
            %swap3A_356 = arith.index_cast %add3A_340 : i32 to index
            %swap3A_357 = arith.constant 16 : index
            %swap3A_358 = tpu.vector_load %arg12[%swap3A_356, %swap3A_357] {strides = array<i32>} : memref<32x128xf32, #tpu.memory_space<vmem>>, vector<16xf32>,
            tpu.vector_store %arg12[%swap3A_356, %swap3A_357], %gather3A_355 {strides = array<i32>} : memref<32x128xf32, #tpu.memory_space<vmem>>, vector<16xf32>,
            %gather3A_359 = arith.constant 0 : i32
            %gather3A_360 = arith.constant 0 : i32
            %gather3A_361 = arith.constant 0 : i32
            %gather3A_362 = tpu.memref_slice %arg11[%gather3A_359, %gather3A_360, %gather3A_361] : memref<2x64x512xf32, #tpu.memory_space<vmem>> -> memref<1x64x512xf32, #tpu.memory_space<vmem>>
            %gather3A_363 = tpu.memref_squeeze %gather3A_362 : memref<1x64x512xf32, #tpu.memory_space<vmem>> -> memref<64x512xf32, #tpu.memory_space<vmem>>
            %gather3A_364 = tpu.vector_load_idx %gather3A_363[%add3A_12, %sub3A_337] : memref<64x512xf32, #tpu.memory_space<vmem>>[vector<16xi32>, vector<16xi32>], vector<16xf32>,
            %swap3A_365 = arith.index_cast %add3A_340 : i32 to index
            %swap3A_366 = arith.constant 32 : index
            %swap3A_367 = tpu.vector_load %arg12[%swap3A_365, %swap3A_366] {strides = array<i32>} : memref<32x128xf32, #tpu.memory_space<vmem>>, vector<16xf32>,
            tpu.vector_store %arg12[%swap3A_365, %swap3A_366], %gather3A_364 {strides = array<i32>} : memref<32x128xf32, #tpu.memory_space<vmem>>, vector<16xf32>,
            %gather3A_368 = arith.constant 0 : i32
            %gather3A_369 = arith.constant 0 : i32
            %gather3A_370 = arith.constant 0 : i32
            %gather3A_371 = tpu.memref_slice %arg11[%gather3A_368, %gather3A_369, %gather3A_370] : memref<2x64x512xf32, #tpu.memory_space<vmem>> -> memref<1x64x512xf32, #tpu.memory_space<vmem>>
            %gather3A_372 = tpu.memref_squeeze %gather3A_371 : memref<1x64x512xf32, #tpu.memory_space<vmem>> -> memref<64x512xf32, #tpu.memory_space<vmem>>
            %gather3A_373 = tpu.vector_load_idx %gather3A_372[%add3A_16, %sub3A_337] : memref<64x512xf32, #tpu.memory_space<vmem>>[vector<16xi32>, vector<16xi32>], vector<16xf32>,
            %swap3A_374 = arith.index_cast %add3A_340 : i32 to index
            %swap3A_375 = arith.constant 48 : index
            %swap3A_376 = tpu.vector_load %arg12[%swap3A_374, %swap3A_375] {strides = array<i32>} : memref<32x128xf32, #tpu.memory_space<vmem>>, vector<16xf32>,
            tpu.vector_store %arg12[%swap3A_374, %swap3A_375], %gather3A_373 {strides = array<i32>} : memref<32x128xf32, #tpu.memory_space<vmem>>, vector<16xf32>,
            %eq3A_377 = vector.broadcast %while3A_323 : i32 to vector<16xi32>
            %eq3A_378 = arith.cmpi eq, %iota3A, %eq3A_377 : vector<16xi32>
            %select_n3A_379 = arith.select %eq3A_378, %gather3A_335, %while3A_326 : vector<16xi1>, vector<16xi32>
            %add3A_380 = arith.constant 1 : i32
            %add3A_381 = arith.addi %while3A_323, %add3A_380 : i32
            %eq3A_382 = arith.constant 16 : i32
            %eq3A_383 = arith.cmpi eq, %add3A_381, %eq3A_382 : i32
            %gt3A_384 = arith.constant 0 : i32
            %gt3A_385 = arith.cmpi sgt, %while3A_325, %gt3A_384 : i32
            %and3A_386 = arith.andi %eq3A_383, %gt3A_385 : i1
            %convert_element_type3A_387 = arith.extui %and3A_386 : i1 to i32
            %cond3A_388 = arith.constant 0 : i32
            %cond3A_389 = arith.cmpi ne, %convert_element_type3A_387, %cond3A_388 : i32
            scf.if %cond3A_389 {
              %dma_wait3A_401 = arith.constant 0 : i32
              %dma_wait3A_402 = arith.constant 0 : i32
              %dma_wait3A_403 = tpu.memref_slice %arg12[%dma_wait3A_401, %dma_wait3A_402] : memref<32x128xf32, #tpu.memory_space<vmem>> -> memref<16x128xf32, #tpu.memory_space<vmem>>
              %dma_wait3A_404 = arith.constant 0 : i32
              %dma_wait3A_405 = arith.constant 0 : i32
              %dma_wait3A_406 = tpu.memref_slice %arg6[%dma_wait3A_404, %dma_wait3A_405] : memref<16392x128xf32, #tpu.memory_space<hbm>> -> memref<16x128xf32, #tpu.memory_space<hbm>>
              %dma_wait3A_407 = arith.constant 0 : i32
              %dma_wait3A_408 = arith.constant 0 : i32
              %dma_wait3A_409 = tpu.memref_slice %arg6[%dma_wait3A_407, %dma_wait3A_408] : memref<16392x128xf32, #tpu.memory_space<hbm>> -> memref<16x128xf32, #tpu.memory_space<hbm>>
              %dma_wait3A_410 = arith.constant 0 : i32
              %dma_wait3A_411 = arith.constant 0 : i32
              %dma_wait3A_412 = tpu.memref_slice %arg12[%dma_wait3A_410, %dma_wait3A_411] : memref<32x128xf32, #tpu.memory_space<vmem>> -> memref<16x128xf32, #tpu.memory_space<vmem>>
              tpu.wait_dma2 semaphore(%arg17 : memref<!tpu.dma_semaphore, #tpu.memory_space<semaphore_mem>>) src(%dma_wait3A_412 : memref<16x128xf32, #tpu.memory_space<vmem>>) dst(%dma_wait3A_409 : memref<16x128xf32, #tpu.memory_space<hbm>>)
            } else {
            }
            %convert_element_type3A_390 = arith.extui %eq3A_383 : i1 to i32
            %cond3A_391 = arith.constant 0 : i32
            %cond3A_392 = arith.cmpi ne, %convert_element_type3A_390, %cond3A_391 : i32
            scf.if %cond3A_392 {
              %mul3A_401 = arith.constant 16 : i32
              %mul3A_402 = arith.muli %while3A_324, %mul3A_401 : i32
              %multiple_of3A_403 = tpu.assume_multiple %mul3A_402, 16 : i32
              %dma_start3A_404 = arith.constant 0 : i32
              %dma_start3A_405 = tpu.memref_slice %arg12[%multiple_of3A_403, %dma_start3A_404] : memref<32x128xf32, #tpu.memory_space<vmem>> -> memref<16x128xf32, #tpu.memory_space<vmem>>
              %dma_start3A_406 = arith.constant 0 : i32
              %dma_start3A_407 = arith.constant 0 : i32
              %dma_start3A_408 = tpu.memref_slice %arg6[%dma_start3A_406, %dma_start3A_407] : memref<16392x128xf32, #tpu.memory_space<hbm>> -> memref<16392x128xf32, #tpu.memory_space<hbm>>
              tpu.enqueue_indirect_dma source(%dma_start3A_405 : memref<16x128xf32, #tpu.memory_space<vmem>>) target(%dma_start3A_408 : memref<16392x128xf32, #tpu.memory_space<hbm>>) offsets(%select_n3A_379 : vector<16xi32>) semaphore(%arg17 : memref<!tpu.dma_semaphore, #tpu.memory_space<semaphore_mem>>)
            } else {
            }
            %select_n3A_393 = arith.constant 0 : i32
            %select_n3A_394 = arith.select %eq3A_383, %select_n3A_393, %add3A_381 : i32
            %sub3A_395 = arith.constant 1 : i32
            %sub3A_396 = arith.subi %sub3A_395, %while3A_324 : i32
            %select_n3A_397 = arith.select %eq3A_383, %sub3A_396, %while3A_324 : i32
            %add3A_398 = arith.constant 1 : i32
            %add3A_399 = arith.addi %while3A_325, %add3A_398 : i32
            %select_n3A_400 = arith.select %eq3A_383, %add3A_399, %while3A_325 : i32
            scf.yield %select_n3A_394, %select_n3A_397, %select_n3A_400, %select_n3A_379 : i32, i32, i32, vector<16xi32>
          }
          %while3A_320 = arith.constant 1 : i32
          %while3A_321:4 = scf.for %while3A_322 = %while3A_317 to %while3A_313 step %while3A_320 iter_args(%while3A_323 = %while3A_319#0, %while3A_324 = %while3A_319#1, %while3A_325 = %while3A_319#2, %while3A_326 = %while3A_319#3) -> (i32, i32, i32, vector<16xi32>)  : i32 {
            %broadcast_in_dim3A_327 = arith.constant 0 : i32
            %broadcast_in_dim3A_328 = vector.broadcast %broadcast_in_dim3A_327 : i32 to vector<16xi32>
            %add3A_329 = vector.broadcast %while3A_322 : i32 to vector<16xi32>
            %add3A_330 = arith.addi %broadcast_in_dim3A_328, %add3A_329 : vector<16xi32>
            %gather3A = arith.constant 0 : i32
            %gather3A_331 = tpu.memref_slice %arg13[%gather3A] : memref<16xi32, #tpu.memory_space<vmem>> -> memref<16xi32, #tpu.memory_space<vmem>>
            %gather3A_332 = tpu.vector_load_idx %gather3A_331[%add3A_330] : memref<16xi32, #tpu.memory_space<vmem>>[vector<16xi32>], vector<16xi32>,
            %gather3A_333 = arith.constant 0 : i32
            %gather3A_334 = tpu.memref_slice %arg14[%gather3A_333] : memref<16xi32, #tpu.memory_space<vmem>> -> memref<16xi32, #tpu.memory_space<vmem>>
            %gather3A_335 = tpu.vector_load_idx %gather3A_334[%add3A_330] : memref<16xi32, #tpu.memory_space<vmem>>[vector<16xi32>], vector<16xi32>,
            %sub3A_336 = vector.broadcast %min3A_264 : i32 to vector<16xi32>
            %sub3A_337 = arith.subi %gather3A_332, %sub3A_336 : vector<16xi32>
            %mul3A_338 = arith.constant 16 : i32
            %mul3A_339 = arith.muli %while3A_324, %mul3A_338 : i32
            %add3A_340 = arith.addi %mul3A_339, %while3A_323 : i32
            %gather3A_341 = arith.constant 0 : i32
            %gather3A_342 = arith.constant 0 : i32
            %gather3A_343 = arith.constant 0 : i32
            %gather3A_344 = tpu.memref_slice %arg11[%gather3A_341, %gather3A_342, %gather3A_343] : memref<2x64x512xf32, #tpu.memory_space<vmem>> -> memref<1x64x512xf32, #tpu.memory_space<vmem>>
            %gather3A_345 = tpu.memref_squeeze %gather3A_344 : memref<1x64x512xf32, #tpu.memory_space<vmem>> -> memref<64x512xf32, #tpu.memory_space<vmem>>
            %gather3A_346 = tpu.vector_load_idx %gather3A_345[%add3A_4, %sub3A_337] : memref<64x512xf32, #tpu.memory_space<vmem>>[vector<16xi32>, vector<16xi32>], vector<16xf32>,
            %swap3A_347 = arith.index_cast %add3A_340 : i32 to index
            %swap3A_348 = arith.constant 0 : index
            %swap3A_349 = tpu.vector_load %arg12[%swap3A_347, %swap3A_348] {strides = array<i32>} : memref<32x128xf32, #tpu.memory_space<vmem>>, vector<16xf32>,
            tpu.vector_store %arg12[%swap3A_347, %swap3A_348], %gather3A_346 {strides = array<i32>} : memref<32x128xf32, #tpu.memory_space<vmem>>, vector<16xf32>,
            %gather3A_350 = arith.constant 0 : i32
            %gather3A_351 = arith.constant 0 : i32
            %gather3A_352 = arith.constant 0 : i32
            %gather3A_353 = tpu.memref_slice %arg11[%gather3A_350, %gather3A_351, %gather3A_352] : memref<2x64x512xf32, #tpu.memory_space<vmem>> -> memref<1x64x512xf32, #tpu.memory_space<vmem>>
            %gather3A_354 = tpu.memref_squeeze %gather3A_353 : memref<1x64x512xf32, #tpu.memory_space<vmem>> -> memref<64x512xf32, #tpu.memory_space<vmem>>
            %gather3A_355 = tpu.vector_load_idx %gather3A_354[%add3A_8, %sub3A_337] : memref<64x512xf32, #tpu.memory_space<vmem>>[vector<16xi32>, vector<16xi32>], vector<16xf32>,
            %swap3A_356 = arith.index_cast %add3A_340 : i32 to index
            %swap3A_357 = arith.constant 16 : index
            %swap3A_358 = tpu.vector_load %arg12[%swap3A_356, %swap3A_357] {strides = array<i32>} : memref<32x128xf32, #tpu.memory_space<vmem>>, vector<16xf32>,
            tpu.vector_store %arg12[%swap3A_356, %swap3A_357], %gather3A_355 {strides = array<i32>} : memref<32x128xf32, #tpu.memory_space<vmem>>, vector<16xf32>,
            %gather3A_359 = arith.constant 0 : i32
            %gather3A_360 = arith.constant 0 : i32
            %gather3A_361 = arith.constant 0 : i32
            %gather3A_362 = tpu.memref_slice %arg11[%gather3A_359, %gather3A_360, %gather3A_361] : memref<2x64x512xf32, #tpu.memory_space<vmem>> -> memref<1x64x512xf32, #tpu.memory_space<vmem>>
            %gather3A_363 = tpu.memref_squeeze %gather3A_362 : memref<1x64x512xf32, #tpu.memory_space<vmem>> -> memref<64x512xf32, #tpu.memory_space<vmem>>
            %gather3A_364 = tpu.vector_load_idx %gather3A_363[%add3A_12, %sub3A_337] : memref<64x512xf32, #tpu.memory_space<vmem>>[vector<16xi32>, vector<16xi32>], vector<16xf32>,
            %swap3A_365 = arith.index_cast %add3A_340 : i32 to index
            %swap3A_366 = arith.constant 32 : index
            %swap3A_367 = tpu.vector_load %arg12[%swap3A_365, %swap3A_366] {strides = array<i32>} : memref<32x128xf32, #tpu.memory_space<vmem>>, vector<16xf32>,
            tpu.vector_store %arg12[%swap3A_365, %swap3A_366], %gather3A_364 {strides = array<i32>} : memref<32x128xf32, #tpu.memory_space<vmem>>, vector<16xf32>,
            %gather3A_368 = arith.constant 0 : i32
            %gather3A_369 = arith.constant 0 : i32
            %gather3A_370 = arith.constant 0 : i32
            %gather3A_371 = tpu.memref_slice %arg11[%gather3A_368, %gather3A_369, %gather3A_370] : memref<2x64x512xf32, #tpu.memory_space<vmem>> -> memref<1x64x512xf32, #tpu.memory_space<vmem>>
            %gather3A_372 = tpu.memref_squeeze %gather3A_371 : memref<1x64x512xf32, #tpu.memory_space<vmem>> -> memref<64x512xf32, #tpu.memory_space<vmem>>
            %gather3A_373 = tpu.vector_load_idx %gather3A_372[%add3A_16, %sub3A_337] : memref<64x512xf32, #tpu.memory_space<vmem>>[vector<16xi32>, vector<16xi32>], vector<16xf32>,
            %swap3A_374 = arith.index_cast %add3A_340 : i32 to index
            %swap3A_375 = arith.constant 48 : index
            %swap3A_376 = tpu.vector_load %arg12[%swap3A_374, %swap3A_375] {strides = array<i32>} : memref<32x128xf32, #tpu.memory_space<vmem>>, vector<16xf32>,
            tpu.vector_store %arg12[%swap3A_374, %swap3A_375], %gather3A_373 {strides = array<i32>} : memref<32x128xf32, #tpu.memory_space<vmem>>, vector<16xf32>,
            %eq3A_377 = vector.broadcast %while3A_323 : i32 to vector<16xi32>
            %eq3A_378 = arith.cmpi eq, %iota3A, %eq3A_377 : vector<16xi32>
            %select_n3A_379 = arith.select %eq3A_378, %gather3A_335, %while3A_326 : vector<16xi1>, vector<16xi32>
            %add3A_380 = arith.constant 1 : i32
            %add3A_381 = arith.addi %while3A_323, %add3A_380 : i32
            %eq3A_382 = arith.constant 16 : i32
            %eq3A_383 = arith.cmpi eq, %add3A_381, %eq3A_382 : i32
            %gt3A_384 = arith.constant 0 : i32
            %gt3A_385 = arith.cmpi sgt, %while3A_325, %gt3A_384 : i32
            %and3A_386 = arith.andi %eq3A_383, %gt3A_385 : i1
            %convert_element_type3A_387 = arith.extui %and3A_386 : i1 to i32
            %cond3A_388 = arith.constant 0 : i32
            %cond3A_389 = arith.cmpi ne, %convert_element_type3A_387, %cond3A_388 : i32
            scf.if %cond3A_389 {
              %dma_wait3A_401 = arith.constant 0 : i32
              %dma_wait3A_402 = arith.constant 0 : i32
              %dma_wait3A_403 = tpu.memref_slice %arg12[%dma_wait3A_401, %dma_wait3A_402] : memref<32x128xf32, #tpu.memory_space<vmem>> -> memref<16x128xf32, #tpu.memory_space<vmem>>
              %dma_wait3A_404 = arith.constant 0 : i32
              %dma_wait3A_405 = arith.constant 0 : i32
              %dma_wait3A_406 = tpu.memref_slice %arg6[%dma_wait3A_404, %dma_wait3A_405] : memref<16392x128xf32, #tpu.memory_space<hbm>> -> memref<16x128xf32, #tpu.memory_space<hbm>>
              %dma_wait3A_407 = arith.constant 0 : i32
              %dma_wait3A_408 = arith.constant 0 : i32
              %dma_wait3A_409 = tpu.memref_slice %arg6[%dma_wait3A_407, %dma_wait3A_408] : memref<16392x128xf32, #tpu.memory_space<hbm>> -> memref<16x128xf32, #tpu.memory_space<hbm>>
              %dma_wait3A_410 = arith.constant 0 : i32
              %dma_wait3A_411 = arith.constant 0 : i32
              %dma_wait3A_412 = tpu.memref_slice %arg12[%dma_wait3A_410, %dma_wait3A_411] : memref<32x128xf32, #tpu.memory_space<vmem>> -> memref<16x128xf32, #tpu.memory_space<vmem>>
              tpu.wait_dma2 semaphore(%arg17 : memref<!tpu.dma_semaphore, #tpu.memory_space<semaphore_mem>>) src(%dma_wait3A_412 : memref<16x128xf32, #tpu.memory_space<vmem>>) dst(%dma_wait3A_409 : memref<16x128xf32, #tpu.memory_space<hbm>>)
            } else {
            }
            %convert_element_type3A_390 = arith.extui %eq3A_383 : i1 to i32
            %cond3A_391 = arith.constant 0 : i32
            %cond3A_392 = arith.cmpi ne, %convert_element_type3A_390, %cond3A_391 : i32
            scf.if %cond3A_392 {
              %mul3A_401 = arith.constant 16 : i32
              %mul3A_402 = arith.muli %while3A_324, %mul3A_401 : i32
              %multiple_of3A_403 = tpu.assume_multiple %mul3A_402, 16 : i32
              %dma_start3A_404 = arith.constant 0 : i32
              %dma_start3A_405 = tpu.memref_slice %arg12[%multiple_of3A_403, %dma_start3A_404] : memref<32x128xf32, #tpu.memory_space<vmem>> -> memref<16x128xf32, #tpu.memory_space<vmem>>
              %dma_start3A_406 = arith.constant 0 : i32
              %dma_start3A_407 = arith.constant 0 : i32
              %dma_start3A_408 = tpu.memref_slice %arg6[%dma_start3A_406, %dma_start3A_407] : memref<16392x128xf32, #tpu.memory_space<hbm>> -> memref<16392x128xf32, #tpu.memory_space<hbm>>
              tpu.enqueue_indirect_dma source(%dma_start3A_405 : memref<16x128xf32, #tpu.memory_space<vmem>>) target(%dma_start3A_408 : memref<16392x128xf32, #tpu.memory_space<hbm>>) offsets(%select_n3A_379 : vector<16xi32>) semaphore(%arg17 : memref<!tpu.dma_semaphore, #tpu.memory_space<semaphore_mem>>)
            } else {
            }
            %select_n3A_393 = arith.constant 0 : i32
            %select_n3A_394 = arith.select %eq3A_383, %select_n3A_393, %add3A_381 : i32
            %sub3A_395 = arith.constant 1 : i32
            %sub3A_396 = arith.subi %sub3A_395, %while3A_324 : i32
            %select_n3A_397 = arith.select %eq3A_383, %sub3A_396, %while3A_324 : i32
            %add3A_398 = arith.constant 1 : i32
            %add3A_399 = arith.addi %while3A_325, %add3A_398 : i32
            %select_n3A_400 = arith.select %eq3A_383, %add3A_399, %while3A_325 : i32
            scf.yield %select_n3A_394, %select_n3A_397, %select_n3A_400, %select_n3A_379 : i32, i32, i32, vector<16xi32>
          }
          scf.yield %while3A_321#0, %while3A_321#1, %while3A_321#2, %while3A_321#3 : i32, i32, i32, vector<16xi32>
        }
        %while3A_273 = arith.constant 1 : i32
        %while3A_274:4 = scf.for %while3A_281 = %while3A_270 to %while3A_266 step %while3A_273 iter_args(%while3A_282 = %while3A_272#0, %while3A_283 = %while3A_272#1, %while3A_284 = %while3A_272#2, %while3A_285 = %while3A_272#3) -> (i32, i32, i32, vector<16xi32>)  : i32 {
          %mul3A_286 = arith.constant 16 : i32
          %mul3A_287 = arith.muli %while3A_281, %mul3A_286 : i32
          %get3A = arith.index_cast %mul3A_287 : i32 to index
          %get3A_288 = tpu.vector_load %arg9[%get3A] {strides = array<i32>} : memref<16400xi32, #tpu.memory_space<vmem>>, vector<16xi32>,
          %mul3A_289 = arith.constant 16 : i32
          %mul3A_290 = arith.muli %while3A_281, %mul3A_289 : i32
          %get3A_291 = arith.index_cast %mul3A_290 : i32 to index
          %get3A_292 = tpu.vector_load %arg10[%get3A_291] {strides = array<i32>} : memref<16400xi32, #tpu.memory_space<vmem>>, vector<16xi32>,
          %ge3A_293 = vector.broadcast %mul3A_259 : i32 to vector<16xi32>
          %ge3A_294 = arith.cmpi sge, %get3A_288, %ge3A_293 : vector<16xi32>
          %add3A_295 = arith.constant 512 : i32
          %add3A_296 = arith.addi %mul3A_259, %add3A_295 : i32
          %lt3A_297 = vector.broadcast %add3A_296 : i32 to vector<16xi32>
          %lt3A_298 = arith.cmpi slt, %get3A_288, %lt3A_297 : vector<16xi32>
          %and3A = arith.andi %ge3A_294, %lt3A_298 : vector<16xi1>
          %swap3A_299 = arith.constant 0 : index
          %swap3A_300 = tpu.vector_load %arg13[%swap3A_299] masked %and3A {strides = array<i32>} : memref<16xi32, #tpu.memory_space<vmem>>, vector<16xi32>, vector<16xi1>
          tpu.vector_store %arg13[%swap3A_299], %get3A_288 masked %and3A {strides = array<i32>} : memref<16xi32, #tpu.memory_space<vmem>>, vector<16xi32>, vector<16xi1>
          %swap3A_301 = arith.constant 0 : index
          %swap3A_302 = tpu.vector_load %arg14[%swap3A_301] masked %and3A {strides = array<i32>} : memref<16xi32, #tpu.memory_space<vmem>>, vector<16xi32>, vector<16xi1>
          tpu.vector_store %arg14[%swap3A_301], %get3A_292 masked %and3A {strides = array<i32>} : memref<16xi32, #tpu.memory_space<vmem>>, vector<16xi32>, vector<16xi1>
          %all_reduce_population_count3A = tpu.all_reduce %and3A {dim = 0 : i64, kind = #tpu.reduction_kind<sum>} : vector<16xi1> -> vector<16xi32>
          %eq3A = arith.constant 0 : i32
          %eq3A_303 = vector.broadcast %eq3A : i32 to vector<16xi32>
          %eq3A_304 = arith.cmpi eq, %iota3A, %eq3A_303 : vector<16xi32>
          %jit3A_305 = arith.constant 0 : i32
          %broadcast_in_dim3A_306 = vector.broadcast %jit3A_305 : i32 to vector<16xi32>
          %select_n3A_307 = arith.select %eq3A_304, %all_reduce_population_count3A, %broadcast_in_dim3A_306 : vector<16xi1>, vector<16xi32>
          %reduce_sum3A = arith.constant true
          %reduce_sum3A_308 = vector.broadcast %reduce_sum3A : i1 to vector<16xi1>
          %reduce_sum3A_309 = tpu.scan <sum>, %select_n3A_307 masked %reduce_sum3A_308 : vector<16xi32>, vector<16xi1> -> vector<16xi32>
          %reduce_sum3A_310 = vector.extract %reduce_sum3A_309[15] : i32 from vector<16xi32>
          %while3A_311 = arith.constant 0 : i32
          %while3A_312 = arith.subi %reduce_sum3A_310, %while3A_311 : i32
          %while3A_313 = arith.addi %while3A_311, %while3A_312 : i32
          %while3A_314 = arith.constant 1 : i32
          %while3A_315 = arith.divsi %while3A_312, %while3A_314 : i32
          %while3A_316 = arith.muli %while3A_315, %while3A_314 : i32
          %while3A_317 = arith.addi %while3A_311, %while3A_316 : i32
          %while3A_318 = arith.constant 1 : i32
          %while3A_319:4 = scf.for %while3A_322 = %while3A_311 to %while3A_317 step %while3A_318 iter_args(%while3A_323 = %while3A_282, %while3A_324 = %while3A_283, %while3A_325 = %while3A_284, %while3A_326 = %while3A_285) -> (i32, i32, i32, vector<16xi32>)  : i32 {
            %broadcast_in_dim3A_327 = arith.constant 0 : i32
            %broadcast_in_dim3A_328 = vector.broadcast %broadcast_in_dim3A_327 : i32 to vector<16xi32>
            %add3A_329 = vector.broadcast %while3A_322 : i32 to vector<16xi32>
            %add3A_330 = arith.addi %broadcast_in_dim3A_328, %add3A_329 : vector<16xi32>
            %gather3A = arith.constant 0 : i32
            %gather3A_331 = tpu.memref_slice %arg13[%gather3A] : memref<16xi32, #tpu.memory_space<vmem>> -> memref<16xi32, #tpu.memory_space<vmem>>
            %gather3A_332 = tpu.vector_load_idx %gather3A_331[%add3A_330] : memref<16xi32, #tpu.memory_space<vmem>>[vector<16xi32>], vector<16xi32>,
            %gather3A_333 = arith.constant 0 : i32
            %gather3A_334 = tpu.memref_slice %arg14[%gather3A_333] : memref<16xi32, #tpu.memory_space<vmem>> -> memref<16xi32, #tpu.memory_space<vmem>>
            %gather3A_335 = tpu.vector_load_idx %gather3A_334[%add3A_330] : memref<16xi32, #tpu.memory_space<vmem>>[vector<16xi32>], vector<16xi32>,
            %sub3A_336 = vector.broadcast %min3A_264 : i32 to vector<16xi32>
            %sub3A_337 = arith.subi %gather3A_332, %sub3A_336 : vector<16xi32>
            %mul3A_338 = arith.constant 16 : i32
            %mul3A_339 = arith.muli %while3A_324, %mul3A_338 : i32
            %add3A_340 = arith.addi %mul3A_339, %while3A_323 : i32
            %gather3A_341 = arith.constant 0 : i32
            %gather3A_342 = arith.constant 0 : i32
            %gather3A_343 = arith.constant 0 : i32
            %gather3A_344 = tpu.memref_slice %arg11[%gather3A_341, %gather3A_342, %gather3A_343] : memref<2x64x512xf32, #tpu.memory_space<vmem>> -> memref<1x64x512xf32, #tpu.memory_space<vmem>>
            %gather3A_345 = tpu.memref_squeeze %gather3A_344 : memref<1x64x512xf32, #tpu.memory_space<vmem>> -> memref<64x512xf32, #tpu.memory_space<vmem>>
            %gather3A_346 = tpu.vector_load_idx %gather3A_345[%add3A_4, %sub3A_337] : memref<64x512xf32, #tpu.memory_space<vmem>>[vector<16xi32>, vector<16xi32>], vector<16xf32>,
            %swap3A_347 = arith.index_cast %add3A_340 : i32 to index
            %swap3A_348 = arith.constant 0 : index
            %swap3A_349 = tpu.vector_load %arg12[%swap3A_347, %swap3A_348] {strides = array<i32>} : memref<32x128xf32, #tpu.memory_space<vmem>>, vector<16xf32>,
            tpu.vector_store %arg12[%swap3A_347, %swap3A_348], %gather3A_346 {strides = array<i32>} : memref<32x128xf32, #tpu.memory_space<vmem>>, vector<16xf32>,
            %gather3A_350 = arith.constant 0 : i32
            %gather3A_351 = arith.constant 0 : i32
            %gather3A_352 = arith.constant 0 : i32
            %gather3A_353 = tpu.memref_slice %arg11[%gather3A_350, %gather3A_351, %gather3A_352] : memref<2x64x512xf32, #tpu.memory_space<vmem>> -> memref<1x64x512xf32, #tpu.memory_space<vmem>>
            %gather3A_354 = tpu.memref_squeeze %gather3A_353 : memref<1x64x512xf32, #tpu.memory_space<vmem>> -> memref<64x512xf32, #tpu.memory_space<vmem>>
            %gather3A_355 = tpu.vector_load_idx %gather3A_354[%add3A_8, %sub3A_337] : memref<64x512xf32, #tpu.memory_space<vmem>>[vector<16xi32>, vector<16xi32>], vector<16xf32>,
            %swap3A_356 = arith.index_cast %add3A_340 : i32 to index
            %swap3A_357 = arith.constant 16 : index
            %swap3A_358 = tpu.vector_load %arg12[%swap3A_356, %swap3A_357] {strides = array<i32>} : memref<32x128xf32, #tpu.memory_space<vmem>>, vector<16xf32>,
            tpu.vector_store %arg12[%swap3A_356, %swap3A_357], %gather3A_355 {strides = array<i32>} : memref<32x128xf32, #tpu.memory_space<vmem>>, vector<16xf32>,
            %gather3A_359 = arith.constant 0 : i32
            %gather3A_360 = arith.constant 0 : i32
            %gather3A_361 = arith.constant 0 : i32
            %gather3A_362 = tpu.memref_slice %arg11[%gather3A_359, %gather3A_360, %gather3A_361] : memref<2x64x512xf32, #tpu.memory_space<vmem>> -> memref<1x64x512xf32, #tpu.memory_space<vmem>>
            %gather3A_363 = tpu.memref_squeeze %gather3A_362 : memref<1x64x512xf32, #tpu.memory_space<vmem>> -> memref<64x512xf32, #tpu.memory_space<vmem>>
            %gather3A_364 = tpu.vector_load_idx %gather3A_363[%add3A_12, %sub3A_337] : memref<64x512xf32, #tpu.memory_space<vmem>>[vector<16xi32>, vector<16xi32>], vector<16xf32>,
            %swap3A_365 = arith.index_cast %add3A_340 : i32 to index
            %swap3A_366 = arith.constant 32 : index
            %swap3A_367 = tpu.vector_load %arg12[%swap3A_365, %swap3A_366] {strides = array<i32>} : memref<32x128xf32, #tpu.memory_space<vmem>>, vector<16xf32>,
            tpu.vector_store %arg12[%swap3A_365, %swap3A_366], %gather3A_364 {strides = array<i32>} : memref<32x128xf32, #tpu.memory_space<vmem>>, vector<16xf32>,
            %gather3A_368 = arith.constant 0 : i32
            %gather3A_369 = arith.constant 0 : i32
            %gather3A_370 = arith.constant 0 : i32
            %gather3A_371 = tpu.memref_slice %arg11[%gather3A_368, %gather3A_369, %gather3A_370] : memref<2x64x512xf32, #tpu.memory_space<vmem>> -> memref<1x64x512xf32, #tpu.memory_space<vmem>>
            %gather3A_372 = tpu.memref_squeeze %gather3A_371 : memref<1x64x512xf32, #tpu.memory_space<vmem>> -> memref<64x512xf32, #tpu.memory_space<vmem>>
            %gather3A_373 = tpu.vector_load_idx %gather3A_372[%add3A_16, %sub3A_337] : memref<64x512xf32, #tpu.memory_space<vmem>>[vector<16xi32>, vector<16xi32>], vector<16xf32>,
            %swap3A_374 = arith.index_cast %add3A_340 : i32 to index
            %swap3A_375 = arith.constant 48 : index
            %swap3A_376 = tpu.vector_load %arg12[%swap3A_374, %swap3A_375] {strides = array<i32>} : memref<32x128xf32, #tpu.memory_space<vmem>>, vector<16xf32>,
            tpu.vector_store %arg12[%swap3A_374, %swap3A_375], %gather3A_373 {strides = array<i32>} : memref<32x128xf32, #tpu.memory_space<vmem>>, vector<16xf32>,
            %eq3A_377 = vector.broadcast %while3A_323 : i32 to vector<16xi32>
            %eq3A_378 = arith.cmpi eq, %iota3A, %eq3A_377 : vector<16xi32>
            %select_n3A_379 = arith.select %eq3A_378, %gather3A_335, %while3A_326 : vector<16xi1>, vector<16xi32>
            %add3A_380 = arith.constant 1 : i32
            %add3A_381 = arith.addi %while3A_323, %add3A_380 : i32
            %eq3A_382 = arith.constant 16 : i32
            %eq3A_383 = arith.cmpi eq, %add3A_381, %eq3A_382 : i32
            %gt3A_384 = arith.constant 0 : i32
            %gt3A_385 = arith.cmpi sgt, %while3A_325, %gt3A_384 : i32
            %and3A_386 = arith.andi %eq3A_383, %gt3A_385 : i1
            %convert_element_type3A_387 = arith.extui %and3A_386 : i1 to i32
            %cond3A_388 = arith.constant 0 : i32
            %cond3A_389 = arith.cmpi ne, %convert_element_type3A_387, %cond3A_388 : i32
            scf.if %cond3A_389 {
              %dma_wait3A_401 = arith.constant 0 : i32
              %dma_wait3A_402 = arith.constant 0 : i32
              %dma_wait3A_403 = tpu.memref_slice %arg12[%dma_wait3A_401, %dma_wait3A_402] : memref<32x128xf32, #tpu.memory_space<vmem>> -> memref<16x128xf32, #tpu.memory_space<vmem>>
              %dma_wait3A_404 = arith.constant 0 : i32
              %dma_wait3A_405 = arith.constant 0 : i32
              %dma_wait3A_406 = tpu.memref_slice %arg6[%dma_wait3A_404, %dma_wait3A_405] : memref<16392x128xf32, #tpu.memory_space<hbm>> -> memref<16x128xf32, #tpu.memory_space<hbm>>
              %dma_wait3A_407 = arith.constant 0 : i32
              %dma_wait3A_408 = arith.constant 0 : i32
              %dma_wait3A_409 = tpu.memref_slice %arg6[%dma_wait3A_407, %dma_wait3A_408] : memref<16392x128xf32, #tpu.memory_space<hbm>> -> memref<16x128xf32, #tpu.memory_space<hbm>>
              %dma_wait3A_410 = arith.constant 0 : i32
              %dma_wait3A_411 = arith.constant 0 : i32
              %dma_wait3A_412 = tpu.memref_slice %arg12[%dma_wait3A_410, %dma_wait3A_411] : memref<32x128xf32, #tpu.memory_space<vmem>> -> memref<16x128xf32, #tpu.memory_space<vmem>>
              tpu.wait_dma2 semaphore(%arg17 : memref<!tpu.dma_semaphore, #tpu.memory_space<semaphore_mem>>) src(%dma_wait3A_412 : memref<16x128xf32, #tpu.memory_space<vmem>>) dst(%dma_wait3A_409 : memref<16x128xf32, #tpu.memory_space<hbm>>)
            } else {
            }
            %convert_element_type3A_390 = arith.extui %eq3A_383 : i1 to i32
            %cond3A_391 = arith.constant 0 : i32
            %cond3A_392 = arith.cmpi ne, %convert_element_type3A_390, %cond3A_391 : i32
            scf.if %cond3A_392 {
              %mul3A_401 = arith.constant 16 : i32
              %mul3A_402 = arith.muli %while3A_324, %mul3A_401 : i32
              %multiple_of3A_403 = tpu.assume_multiple %mul3A_402, 16 : i32
              %dma_start3A_404 = arith.constant 0 : i32
              %dma_start3A_405 = tpu.memref_slice %arg12[%multiple_of3A_403, %dma_start3A_404] : memref<32x128xf32, #tpu.memory_space<vmem>> -> memref<16x128xf32, #tpu.memory_space<vmem>>
              %dma_start3A_406 = arith.constant 0 : i32
              %dma_start3A_407 = arith.constant 0 : i32
              %dma_start3A_408 = tpu.memref_slice %arg6[%dma_start3A_406, %dma_start3A_407] : memref<16392x128xf32, #tpu.memory_space<hbm>> -> memref<16392x128xf32, #tpu.memory_space<hbm>>
              tpu.enqueue_indirect_dma source(%dma_start3A_405 : memref<16x128xf32, #tpu.memory_space<vmem>>) target(%dma_start3A_408 : memref<16392x128xf32, #tpu.memory_space<hbm>>) offsets(%select_n3A_379 : vector<16xi32>) semaphore(%arg17 : memref<!tpu.dma_semaphore, #tpu.memory_space<semaphore_mem>>)
            } else {
            }
            %select_n3A_393 = arith.constant 0 : i32
            %select_n3A_394 = arith.select %eq3A_383, %select_n3A_393, %add3A_381 : i32
            %sub3A_395 = arith.constant 1 : i32
            %sub3A_396 = arith.subi %sub3A_395, %while3A_324 : i32
            %select_n3A_397 = arith.select %eq3A_383, %sub3A_396, %while3A_324 : i32
            %add3A_398 = arith.constant 1 : i32
            %add3A_399 = arith.addi %while3A_325, %add3A_398 : i32
            %select_n3A_400 = arith.select %eq3A_383, %add3A_399, %while3A_325 : i32
            scf.yield %select_n3A_394, %select_n3A_397, %select_n3A_400, %select_n3A_379 : i32, i32, i32, vector<16xi32>
          }
          %while3A_320 = arith.constant 1 : i32
          %while3A_321:4 = scf.for %while3A_322 = %while3A_317 to %while3A_313 step %while3A_320 iter_args(%while3A_323 = %while3A_319#0, %while3A_324 = %while3A_319#1, %while3A_325 = %while3A_319#2, %while3A_326 = %while3A_319#3) -> (i32, i32, i32, vector<16xi32>)  : i32 {
            %broadcast_in_dim3A_327 = arith.constant 0 : i32
            %broadcast_in_dim3A_328 = vector.broadcast %broadcast_in_dim3A_327 : i32 to vector<16xi32>
            %add3A_329 = vector.broadcast %while3A_322 : i32 to vector<16xi32>
            %add3A_330 = arith.addi %broadcast_in_dim3A_328, %add3A_329 : vector<16xi32>
            %gather3A = arith.constant 0 : i32
            %gather3A_331 = tpu.memref_slice %arg13[%gather3A] : memref<16xi32, #tpu.memory_space<vmem>> -> memref<16xi32, #tpu.memory_space<vmem>>
            %gather3A_332 = tpu.vector_load_idx %gather3A_331[%add3A_330] : memref<16xi32, #tpu.memory_space<vmem>>[vector<16xi32>], vector<16xi32>,
            %gather3A_333 = arith.constant 0 : i32
            %gather3A_334 = tpu.memref_slice %arg14[%gather3A_333] : memref<16xi32, #tpu.memory_space<vmem>> -> memref<16xi32, #tpu.memory_space<vmem>>
            %gather3A_335 = tpu.vector_load_idx %gather3A_334[%add3A_330] : memref<16xi32, #tpu.memory_space<vmem>>[vector<16xi32>], vector<16xi32>,
            %sub3A_336 = vector.broadcast %min3A_264 : i32 to vector<16xi32>
            %sub3A_337 = arith.subi %gather3A_332, %sub3A_336 : vector<16xi32>
            %mul3A_338 = arith.constant 16 : i32
            %mul3A_339 = arith.muli %while3A_324, %mul3A_338 : i32
            %add3A_340 = arith.addi %mul3A_339, %while3A_323 : i32
            %gather3A_341 = arith.constant 0 : i32
            %gather3A_342 = arith.constant 0 : i32
            %gather3A_343 = arith.constant 0 : i32
            %gather3A_344 = tpu.memref_slice %arg11[%gather3A_341, %gather3A_342, %gather3A_343] : memref<2x64x512xf32, #tpu.memory_space<vmem>> -> memref<1x64x512xf32, #tpu.memory_space<vmem>>
            %gather3A_345 = tpu.memref_squeeze %gather3A_344 : memref<1x64x512xf32, #tpu.memory_space<vmem>> -> memref<64x512xf32, #tpu.memory_space<vmem>>
            %gather3A_346 = tpu.vector_load_idx %gather3A_345[%add3A_4, %sub3A_337] : memref<64x512xf32, #tpu.memory_space<vmem>>[vector<16xi32>, vector<16xi32>], vector<16xf32>,
            %swap3A_347 = arith.index_cast %add3A_340 : i32 to index
            %swap3A_348 = arith.constant 0 : index
            %swap3A_349 = tpu.vector_load %arg12[%swap3A_347, %swap3A_348] {strides = array<i32>} : memref<32x128xf32, #tpu.memory_space<vmem>>, vector<16xf32>,
            tpu.vector_store %arg12[%swap3A_347, %swap3A_348], %gather3A_346 {strides = array<i32>} : memref<32x128xf32, #tpu.memory_space<vmem>>, vector<16xf32>,
            %gather3A_350 = arith.constant 0 : i32
            %gather3A_351 = arith.constant 0 : i32
            %gather3A_352 = arith.constant 0 : i32
            %gather3A_353 = tpu.memref_slice %arg11[%gather3A_350, %gather3A_351, %gather3A_352] : memref<2x64x512xf32, #tpu.memory_space<vmem>> -> memref<1x64x512xf32, #tpu.memory_space<vmem>>
            %gather3A_354 = tpu.memref_squeeze %gather3A_353 : memref<1x64x512xf32, #tpu.memory_space<vmem>> -> memref<64x512xf32, #tpu.memory_space<vmem>>
            %gather3A_355 = tpu.vector_load_idx %gather3A_354[%add3A_8, %sub3A_337] : memref<64x512xf32, #tpu.memory_space<vmem>>[vector<16xi32>, vector<16xi32>], vector<16xf32>,
            %swap3A_356 = arith.index_cast %add3A_340 : i32 to index
            %swap3A_357 = arith.constant 16 : index
            %swap3A_358 = tpu.vector_load %arg12[%swap3A_356, %swap3A_357] {strides = array<i32>} : memref<32x128xf32, #tpu.memory_space<vmem>>, vector<16xf32>,
            tpu.vector_store %arg12[%swap3A_356, %swap3A_357], %gather3A_355 {strides = array<i32>} : memref<32x128xf32, #tpu.memory_space<vmem>>, vector<16xf32>,
            %gather3A_359 = arith.constant 0 : i32
            %gather3A_360 = arith.constant 0 : i32
            %gather3A_361 = arith.constant 0 : i32
            %gather3A_362 = tpu.memref_slice %arg11[%gather3A_359, %gather3A_360, %gather3A_361] : memref<2x64x512xf32, #tpu.memory_space<vmem>> -> memref<1x64x512xf32, #tpu.memory_space<vmem>>
            %gather3A_363 = tpu.memref_squeeze %gather3A_362 : memref<1x64x512xf32, #tpu.memory_space<vmem>> -> memref<64x512xf32, #tpu.memory_space<vmem>>
            %gather3A_364 = tpu.vector_load_idx %gather3A_363[%add3A_12, %sub3A_337] : memref<64x512xf32, #tpu.memory_space<vmem>>[vector<16xi32>, vector<16xi32>], vector<16xf32>,
            %swap3A_365 = arith.index_cast %add3A_340 : i32 to index
            %swap3A_366 = arith.constant 32 : index
            %swap3A_367 = tpu.vector_load %arg12[%swap3A_365, %swap3A_366] {strides = array<i32>} : memref<32x128xf32, #tpu.memory_space<vmem>>, vector<16xf32>,
            tpu.vector_store %arg12[%swap3A_365, %swap3A_366], %gather3A_364 {strides = array<i32>} : memref<32x128xf32, #tpu.memory_space<vmem>>, vector<16xf32>,
            %gather3A_368 = arith.constant 0 : i32
            %gather3A_369 = arith.constant 0 : i32
            %gather3A_370 = arith.constant 0 : i32
            %gather3A_371 = tpu.memref_slice %arg11[%gather3A_368, %gather3A_369, %gather3A_370] : memref<2x64x512xf32, #tpu.memory_space<vmem>> -> memref<1x64x512xf32, #tpu.memory_space<vmem>>
            %gather3A_372 = tpu.memref_squeeze %gather3A_371 : memref<1x64x512xf32, #tpu.memory_space<vmem>> -> memref<64x512xf32, #tpu.memory_space<vmem>>
            %gather3A_373 = tpu.vector_load_idx %gather3A_372[%add3A_16, %sub3A_337] : memref<64x512xf32, #tpu.memory_space<vmem>>[vector<16xi32>, vector<16xi32>], vector<16xf32>,
            %swap3A_374 = arith.index_cast %add3A_340 : i32 to index
            %swap3A_375 = arith.constant 48 : index
            %swap3A_376 = tpu.vector_load %arg12[%swap3A_374, %swap3A_375] {strides = array<i32>} : memref<32x128xf32, #tpu.memory_space<vmem>>, vector<16xf32>,
            tpu.vector_store %arg12[%swap3A_374, %swap3A_375], %gather3A_373 {strides = array<i32>} : memref<32x128xf32, #tpu.memory_space<vmem>>, vector<16xf32>,
            %eq3A_377 = vector.broadcast %while3A_323 : i32 to vector<16xi32>
            %eq3A_378 = arith.cmpi eq, %iota3A, %eq3A_377 : vector<16xi32>
            %select_n3A_379 = arith.select %eq3A_378, %gather3A_335, %while3A_326 : vector<16xi1>, vector<16xi32>
            %add3A_380 = arith.constant 1 : i32
            %add3A_381 = arith.addi %while3A_323, %add3A_380 : i32
            %eq3A_382 = arith.constant 16 : i32
            %eq3A_383 = arith.cmpi eq, %add3A_381, %eq3A_382 : i32
            %gt3A_384 = arith.constant 0 : i32
            %gt3A_385 = arith.cmpi sgt, %while3A_325, %gt3A_384 : i32
            %and3A_386 = arith.andi %eq3A_383, %gt3A_385 : i1
            %convert_element_type3A_387 = arith.extui %and3A_386 : i1 to i32
            %cond3A_388 = arith.constant 0 : i32
            %cond3A_389 = arith.cmpi ne, %convert_element_type3A_387, %cond3A_388 : i32
            scf.if %cond3A_389 {
              %dma_wait3A_401 = arith.constant 0 : i32
              %dma_wait3A_402 = arith.constant 0 : i32
              %dma_wait3A_403 = tpu.memref_slice %arg12[%dma_wait3A_401, %dma_wait3A_402] : memref<32x128xf32, #tpu.memory_space<vmem>> -> memref<16x128xf32, #tpu.memory_space<vmem>>
              %dma_wait3A_404 = arith.constant 0 : i32
              %dma_wait3A_405 = arith.constant 0 : i32
              %dma_wait3A_406 = tpu.memref_slice %arg6[%dma_wait3A_404, %dma_wait3A_405] : memref<16392x128xf32, #tpu.memory_space<hbm>> -> memref<16x128xf32, #tpu.memory_space<hbm>>
              %dma_wait3A_407 = arith.constant 0 : i32
              %dma_wait3A_408 = arith.constant 0 : i32
              %dma_wait3A_409 = tpu.memref_slice %arg6[%dma_wait3A_407, %dma_wait3A_408] : memref<16392x128xf32, #tpu.memory_space<hbm>> -> memref<16x128xf32, #tpu.memory_space<hbm>>
              %dma_wait3A_410 = arith.constant 0 : i32
              %dma_wait3A_411 = arith.constant 0 : i32
              %dma_wait3A_412 = tpu.memref_slice %arg12[%dma_wait3A_410, %dma_wait3A_411] : memref<32x128xf32, #tpu.memory_space<vmem>> -> memref<16x128xf32, #tpu.memory_space<vmem>>
              tpu.wait_dma2 semaphore(%arg17 : memref<!tpu.dma_semaphore, #tpu.memory_space<semaphore_mem>>) src(%dma_wait3A_412 : memref<16x128xf32, #tpu.memory_space<vmem>>) dst(%dma_wait3A_409 : memref<16x128xf32, #tpu.memory_space<hbm>>)
            } else {
            }
            %convert_element_type3A_390 = arith.extui %eq3A_383 : i1 to i32
            %cond3A_391 = arith.constant 0 : i32
            %cond3A_392 = arith.cmpi ne, %convert_element_type3A_390, %cond3A_391 : i32
            scf.if %cond3A_392 {
              %mul3A_401 = arith.constant 16 : i32
              %mul3A_402 = arith.muli %while3A_324, %mul3A_401 : i32
              %multiple_of3A_403 = tpu.assume_multiple %mul3A_402, 16 : i32
              %dma_start3A_404 = arith.constant 0 : i32
              %dma_start3A_405 = tpu.memref_slice %arg12[%multiple_of3A_403, %dma_start3A_404] : memref<32x128xf32, #tpu.memory_space<vmem>> -> memref<16x128xf32, #tpu.memory_space<vmem>>
              %dma_start3A_406 = arith.constant 0 : i32
              %dma_start3A_407 = arith.constant 0 : i32
              %dma_start3A_408 = tpu.memref_slice %arg6[%dma_start3A_406, %dma_start3A_407] : memref<16392x128xf32, #tpu.memory_space<hbm>> -> memref<16392x128xf32, #tpu.memory_space<hbm>>
              tpu.enqueue_indirect_dma source(%dma_start3A_405 : memref<16x128xf32, #tpu.memory_space<vmem>>) target(%dma_start3A_408 : memref<16392x128xf32, #tpu.memory_space<hbm>>) offsets(%select_n3A_379 : vector<16xi32>) semaphore(%arg17 : memref<!tpu.dma_semaphore, #tpu.memory_space<semaphore_mem>>)
            } else {
            }
            %select_n3A_393 = arith.constant 0 : i32
            %select_n3A_394 = arith.select %eq3A_383, %select_n3A_393, %add3A_381 : i32
            %sub3A_395 = arith.constant 1 : i32
            %sub3A_396 = arith.subi %sub3A_395, %while3A_324 : i32
            %select_n3A_397 = arith.select %eq3A_383, %sub3A_396, %while3A_324 : i32
            %add3A_398 = arith.constant 1 : i32
            %add3A_399 = arith.addi %while3A_325, %add3A_398 : i32
            %select_n3A_400 = arith.select %eq3A_383, %add3A_399, %while3A_325 : i32
            scf.yield %select_n3A_394, %select_n3A_397, %select_n3A_400, %select_n3A_379 : i32, i32, i32, vector<16xi32>
          }
          scf.yield %while3A_321#0, %while3A_321#1, %while3A_321#2, %while3A_321#3 : i32, i32, i32, vector<16xi32>
        }
        %add3A_275 = arith.constant 2 : i32
        %add3A_276 = arith.addi %add3A_227, %add3A_275 : i32
        %lt3A_277 = arith.cmpi slt, %add3A_276, %add3A_19 : i32
        %convert_element_type3A_278 = arith.extui %lt3A_277 : i1 to i32
        %cond3A_279 = arith.constant 0 : i32
        %cond3A_280 = arith.cmpi ne, %convert_element_type3A_278, %cond3A_279 : i32
        scf.if %cond3A_280 {
          %add3A_281 = arith.constant 2 : i32
          %add3A_282 = arith.addi %add3A_227, %add3A_281 : i32
          %add3A_283 = arith.addi %add3A_23, %add3A_282 : i32
          %mul3A_284 = arith.constant 512 : i32
          %mul3A_285 = arith.muli %add3A_283, %mul3A_284 : i32
          %min3A_286 = arith.constant 999552 : i32
          %min3A_287 = arith.minsi %mul3A_285, %min3A_286 : i32
          %multiple_of3A_288 = tpu.assume_multiple %min3A_287, 128 : i32
          %dma_start3A_289 = arith.constant 0 : i32
          %dma_start3A_290 = arith.constant 0 : i32
          %dma_start3A_291 = arith.constant 0 : i32
          %dma_start3A_292 = tpu.memref_slice %arg11[%dma_start3A_289, %dma_start3A_290, %dma_start3A_291] : memref<2x64x512xf32, #tpu.memory_space<vmem>> -> memref<1x64x512xf32, #tpu.memory_space<vmem>>
          %dma_start3A_293 = tpu.memref_squeeze %dma_start3A_292 : memref<1x64x512xf32, #tpu.memory_space<vmem>> -> memref<64x512xf32, #tpu.memory_space<vmem>>
          %dma_start3A_294 = arith.constant 0 : i32
          %dma_start3A_295 = tpu.memref_slice %arg4[%dma_start3A_294, %multiple_of3A_288] : memref<64x1000000xf32, #tpu.memory_space<hbm>> -> memref<64x512xf32, #tpu.memory_space<hbm>>
          %dma_start3A_296 = arith.constant 0 : i32
          %dma_start3A_297 = arith.constant 0 : i32
          %dma_start3A_298 = tpu.memref_slice %arg11[%dma_start3A_289, %dma_start3A_296, %dma_start3A_297] : memref<2x64x512xf32, #tpu.memory_space<vmem>> -> memref<1x64x512xf32, #tpu.memory_space<vmem>>
          %dma_start3A_299 = tpu.memref_squeeze %dma_start3A_298 : memref<1x64x512xf32, #tpu.memory_space<vmem>> -> memref<64x512xf32, #tpu.memory_space<vmem>>
          %dma_start3A_300 = arith.constant 0 : i32
          %dma_start3A_301 = tpu.memref_slice %arg4[%dma_start3A_300, %multiple_of3A_288] : memref<64x1000000xf32, #tpu.memory_space<hbm>> -> memref<64x512xf32, #tpu.memory_space<hbm>>
          tpu.enqueue_dma source(%dma_start3A_301 : memref<64x512xf32, #tpu.memory_space<hbm>>) target(%dma_start3A_299 : memref<64x512xf32, #tpu.memory_space<vmem>>) target_semaphore(%arg15 : memref<!tpu.dma_semaphore, #tpu.memory_space<semaphore_mem>>)
        } else {
        }
        scf.yield %while3A_274#0, %while3A_274#1, %while3A_274#2, %while3A_274#3 : i32, i32, i32, vector<16xi32>
      } else {
        scf.yield %scan3A_220, %scan3A_221, %scan3A_222, %scan3A_223 : i32, i32, i32, vector<16xi32>
      }
      %mul3A_233 = arith.constant 2 : i32
      %mul3A_234 = arith.muli %scan3A_219, %mul3A_233 : i32
      %add3A_235 = arith.constant 1 : i32
      %add3A_236 = arith.addi %mul3A_234, %add3A_235 : i32
      %lt3A_237 = arith.cmpi slt, %add3A_236, %add3A_19 : i32
      %convert_element_type3A_238 = arith.extui %lt3A_237 : i1 to i32
      %cond3A_239 = arith.constant 0 : i32
      %cond3A_240 = arith.cmpi ne, %convert_element_type3A_238, %cond3A_239 : i32
      %cond3A_241:4 = scf.if %cond3A_240 -> (i32, i32, i32, vector<16xi32>) {
        %dma_wait3A_242 = arith.constant 1 : i32
        %dma_wait3A_243 = arith.constant 0 : i32
        %dma_wait3A_244 = arith.constant 0 : i32
        %dma_wait3A_245 = tpu.memref_slice %arg11[%dma_wait3A_242, %dma_wait3A_243, %dma_wait3A_244] : memref<2x64x512xf32, #tpu.memory_space<vmem>> -> memref<1x64x512xf32, #tpu.memory_space<vmem>>
        %dma_wait3A_246 = tpu.memref_squeeze %dma_wait3A_245 : memref<1x64x512xf32, #tpu.memory_space<vmem>> -> memref<64x512xf32, #tpu.memory_space<vmem>>
        %dma_wait3A_247 = arith.constant 0 : i32
        %dma_wait3A_248 = arith.constant 0 : i32
        %dma_wait3A_249 = tpu.memref_slice %arg4[%dma_wait3A_247, %dma_wait3A_248] : memref<64x1000000xf32, #tpu.memory_space<hbm>> -> memref<64x512xf32, #tpu.memory_space<hbm>>
        %dma_wait3A_250 = arith.constant 0 : i32
        %dma_wait3A_251 = arith.constant 0 : i32
        %dma_wait3A_252 = tpu.memref_slice %arg11[%dma_wait3A_242, %dma_wait3A_250, %dma_wait3A_251] : memref<2x64x512xf32, #tpu.memory_space<vmem>> -> memref<1x64x512xf32, #tpu.memory_space<vmem>>
        %dma_wait3A_253 = tpu.memref_squeeze %dma_wait3A_252 : memref<1x64x512xf32, #tpu.memory_space<vmem>> -> memref<64x512xf32, #tpu.memory_space<vmem>>
        %dma_wait3A_254 = arith.constant 0 : i32
        %dma_wait3A_255 = arith.constant 0 : i32
        %dma_wait3A_256 = tpu.memref_slice %arg4[%dma_wait3A_254, %dma_wait3A_255] : memref<64x1000000xf32, #tpu.memory_space<hbm>> -> memref<64x512xf32, #tpu.memory_space<hbm>>
        tpu.wait_dma2 semaphore(%arg16 : memref<!tpu.dma_semaphore, #tpu.memory_space<semaphore_mem>>) src(%dma_wait3A_256 : memref<64x512xf32, #tpu.memory_space<hbm>>) dst(%dma_wait3A_253 : memref<64x512xf32, #tpu.memory_space<vmem>>)
        %add3A_257 = arith.addi %add3A_23, %add3A_236 : i32
        %mul3A_258 = arith.constant 512 : i32
        %mul3A_259 = arith.muli %add3A_257, %mul3A_258 : i32
        %add3A_260 = arith.addi %add3A_23, %add3A_236 : i32
        %mul3A_261 = arith.constant 512 : i32
        %mul3A_262 = arith.muli %add3A_260, %mul3A_261 : i32
        %min3A_263 = arith.constant 999552 : i32
        %min3A_264 = arith.minsi %mul3A_262, %min3A_263 : i32
        %while3A = arith.constant 0 : i32
        %while3A_265 = arith.subi %shift_right_arithmetic3A_83, %while3A : i32
        %while3A_266 = arith.addi %while3A, %while3A_265 : i32
        %while3A_267 = arith.constant 1 : i32
        %while3A_268 = arith.divsi %while3A_265, %while3A_267 : i32
        %while3A_269 = arith.muli %while3A_268, %while3A_267 : i32
        %while3A_270 = arith.addi %while3A, %while3A_269 : i32
        %while3A_271 = arith.constant 1 : i32
        %while3A_272:4 = scf.for %while3A_281 = %while3A to %while3A_270 step %while3A_271 iter_args(%while3A_282 = %cond3A_232#0, %while3A_283 = %cond3A_232#1, %while3A_284 = %cond3A_232#2, %while3A_285 = %cond3A_232#3) -> (i32, i32, i32, vector<16xi32>)  : i32 {
          %mul3A_286 = arith.constant 16 : i32
          %mul3A_287 = arith.muli %while3A_281, %mul3A_286 : i32
          %get3A = arith.index_cast %mul3A_287 : i32 to index
          %get3A_288 = tpu.vector_load %arg9[%get3A] {strides = array<i32>} : memref<16400xi32, #tpu.memory_space<vmem>>, vector<16xi32>,
          %mul3A_289 = arith.constant 16 : i32
          %mul3A_290 = arith.muli %while3A_281, %mul3A_289 : i32
          %get3A_291 = arith.index_cast %mul3A_290 : i32 to index
          %get3A_292 = tpu.vector_load %arg10[%get3A_291] {strides = array<i32>} : memref<16400xi32, #tpu.memory_space<vmem>>, vector<16xi32>,
          %ge3A_293 = vector.broadcast %mul3A_259 : i32 to vector<16xi32>
          %ge3A_294 = arith.cmpi sge, %get3A_288, %ge3A_293 : vector<16xi32>
          %add3A_295 = arith.constant 512 : i32
          %add3A_296 = arith.addi %mul3A_259, %add3A_295 : i32
          %lt3A_297 = vector.broadcast %add3A_296 : i32 to vector<16xi32>
          %lt3A_298 = arith.cmpi slt, %get3A_288, %lt3A_297 : vector<16xi32>
          %and3A = arith.andi %ge3A_294, %lt3A_298 : vector<16xi1>
          %swap3A_299 = arith.constant 0 : index
          %swap3A_300 = tpu.vector_load %arg13[%swap3A_299] masked %and3A {strides = array<i32>} : memref<16xi32, #tpu.memory_space<vmem>>, vector<16xi32>, vector<16xi1>
          tpu.vector_store %arg13[%swap3A_299], %get3A_288 masked %and3A {strides = array<i32>} : memref<16xi32, #tpu.memory_space<vmem>>, vector<16xi32>, vector<16xi1>
          %swap3A_301 = arith.constant 0 : index
          %swap3A_302 = tpu.vector_load %arg14[%swap3A_301] masked %and3A {strides = array<i32>} : memref<16xi32, #tpu.memory_space<vmem>>, vector<16xi32>, vector<16xi1>
          tpu.vector_store %arg14[%swap3A_301], %get3A_292 masked %and3A {strides = array<i32>} : memref<16xi32, #tpu.memory_space<vmem>>, vector<16xi32>, vector<16xi1>
          %all_reduce_population_count3A = tpu.all_reduce %and3A {dim = 0 : i64, kind = #tpu.reduction_kind<sum>} : vector<16xi1> -> vector<16xi32>
          %eq3A = arith.constant 0 : i32
          %eq3A_303 = vector.broadcast %eq3A : i32 to vector<16xi32>
          %eq3A_304 = arith.cmpi eq, %iota3A, %eq3A_303 : vector<16xi32>
          %jit3A_305 = arith.constant 0 : i32
          %broadcast_in_dim3A_306 = vector.broadcast %jit3A_305 : i32 to vector<16xi32>
          %select_n3A_307 = arith.select %eq3A_304, %all_reduce_population_count3A, %broadcast_in_dim3A_306 : vector<16xi1>, vector<16xi32>
          %reduce_sum3A = arith.constant true
          %reduce_sum3A_308 = vector.broadcast %reduce_sum3A : i1 to vector<16xi1>
          %reduce_sum3A_309 = tpu.scan <sum>, %select_n3A_307 masked %reduce_sum3A_308 : vector<16xi32>, vector<16xi1> -> vector<16xi32>
          %reduce_sum3A_310 = vector.extract %reduce_sum3A_309[15] : i32 from vector<16xi32>
          %while3A_311 = arith.constant 0 : i32
          %while3A_312 = arith.subi %reduce_sum3A_310, %while3A_311 : i32
          %while3A_313 = arith.addi %while3A_311, %while3A_312 : i32
          %while3A_314 = arith.constant 1 : i32
          %while3A_315 = arith.divsi %while3A_312, %while3A_314 : i32
          %while3A_316 = arith.muli %while3A_315, %while3A_314 : i32
          %while3A_317 = arith.addi %while3A_311, %while3A_316 : i32
          %while3A_318 = arith.constant 1 : i32
          %while3A_319:4 = scf.for %while3A_322 = %while3A_311 to %while3A_317 step %while3A_318 iter_args(%while3A_323 = %while3A_282, %while3A_324 = %while3A_283, %while3A_325 = %while3A_284, %while3A_326 = %while3A_285) -> (i32, i32, i32, vector<16xi32>)  : i32 {
            %broadcast_in_dim3A_327 = arith.constant 0 : i32
            %broadcast_in_dim3A_328 = vector.broadcast %broadcast_in_dim3A_327 : i32 to vector<16xi32>
            %add3A_329 = vector.broadcast %while3A_322 : i32 to vector<16xi32>
            %add3A_330 = arith.addi %broadcast_in_dim3A_328, %add3A_329 : vector<16xi32>
            %gather3A = arith.constant 0 : i32
            %gather3A_331 = tpu.memref_slice %arg13[%gather3A] : memref<16xi32, #tpu.memory_space<vmem>> -> memref<16xi32, #tpu.memory_space<vmem>>
            %gather3A_332 = tpu.vector_load_idx %gather3A_331[%add3A_330] : memref<16xi32, #tpu.memory_space<vmem>>[vector<16xi32>], vector<16xi32>,
            %gather3A_333 = arith.constant 0 : i32
            %gather3A_334 = tpu.memref_slice %arg14[%gather3A_333] : memref<16xi32, #tpu.memory_space<vmem>> -> memref<16xi32, #tpu.memory_space<vmem>>
            %gather3A_335 = tpu.vector_load_idx %gather3A_334[%add3A_330] : memref<16xi32, #tpu.memory_space<vmem>>[vector<16xi32>], vector<16xi32>,
            %sub3A_336 = vector.broadcast %min3A_264 : i32 to vector<16xi32>
            %sub3A_337 = arith.subi %gather3A_332, %sub3A_336 : vector<16xi32>
            %mul3A_338 = arith.constant 16 : i32
            %mul3A_339 = arith.muli %while3A_324, %mul3A_338 : i32
            %add3A_340 = arith.addi %mul3A_339, %while3A_323 : i32
            %gather3A_341 = arith.constant 1 : i32
            %gather3A_342 = arith.constant 0 : i32
            %gather3A_343 = arith.constant 0 : i32
            %gather3A_344 = tpu.memref_slice %arg11[%gather3A_341, %gather3A_342, %gather3A_343] : memref<2x64x512xf32, #tpu.memory_space<vmem>> -> memref<1x64x512xf32, #tpu.memory_space<vmem>>
            %gather3A_345 = tpu.memref_squeeze %gather3A_344 : memref<1x64x512xf32, #tpu.memory_space<vmem>> -> memref<64x512xf32, #tpu.memory_space<vmem>>
            %gather3A_346 = tpu.vector_load_idx %gather3A_345[%add3A_4, %sub3A_337] : memref<64x512xf32, #tpu.memory_space<vmem>>[vector<16xi32>, vector<16xi32>], vector<16xf32>,
            %swap3A_347 = arith.index_cast %add3A_340 : i32 to index
            %swap3A_348 = arith.constant 0 : index
            %swap3A_349 = tpu.vector_load %arg12[%swap3A_347, %swap3A_348] {strides = array<i32>} : memref<32x128xf32, #tpu.memory_space<vmem>>, vector<16xf32>,
            tpu.vector_store %arg12[%swap3A_347, %swap3A_348], %gather3A_346 {strides = array<i32>} : memref<32x128xf32, #tpu.memory_space<vmem>>, vector<16xf32>,
            %gather3A_350 = arith.constant 1 : i32
            %gather3A_351 = arith.constant 0 : i32
            %gather3A_352 = arith.constant 0 : i32
            %gather3A_353 = tpu.memref_slice %arg11[%gather3A_350, %gather3A_351, %gather3A_352] : memref<2x64x512xf32, #tpu.memory_space<vmem>> -> memref<1x64x512xf32, #tpu.memory_space<vmem>>
            %gather3A_354 = tpu.memref_squeeze %gather3A_353 : memref<1x64x512xf32, #tpu.memory_space<vmem>> -> memref<64x512xf32, #tpu.memory_space<vmem>>
            %gather3A_355 = tpu.vector_load_idx %gather3A_354[%add3A_8, %sub3A_337] : memref<64x512xf32, #tpu.memory_space<vmem>>[vector<16xi32>, vector<16xi32>], vector<16xf32>,
            %swap3A_356 = arith.index_cast %add3A_340 : i32 to index
            %swap3A_357 = arith.constant 16 : index
            %swap3A_358 = tpu.vector_load %arg12[%swap3A_356, %swap3A_357] {strides = array<i32>} : memref<32x128xf32, #tpu.memory_space<vmem>>, vector<16xf32>,
            tpu.vector_store %arg12[%swap3A_356, %swap3A_357], %gather3A_355 {strides = array<i32>} : memref<32x128xf32, #tpu.memory_space<vmem>>, vector<16xf32>,
            %gather3A_359 = arith.constant 1 : i32
            %gather3A_360 = arith.constant 0 : i32
            %gather3A_361 = arith.constant 0 : i32
            %gather3A_362 = tpu.memref_slice %arg11[%gather3A_359, %gather3A_360, %gather3A_361] : memref<2x64x512xf32, #tpu.memory_space<vmem>> -> memref<1x64x512xf32, #tpu.memory_space<vmem>>
            %gather3A_363 = tpu.memref_squeeze %gather3A_362 : memref<1x64x512xf32, #tpu.memory_space<vmem>> -> memref<64x512xf32, #tpu.memory_space<vmem>>
            %gather3A_364 = tpu.vector_load_idx %gather3A_363[%add3A_12, %sub3A_337] : memref<64x512xf32, #tpu.memory_space<vmem>>[vector<16xi32>, vector<16xi32>], vector<16xf32>,
            %swap3A_365 = arith.index_cast %add3A_340 : i32 to index
            %swap3A_366 = arith.constant 32 : index
            %swap3A_367 = tpu.vector_load %arg12[%swap3A_365, %swap3A_366] {strides = array<i32>} : memref<32x128xf32, #tpu.memory_space<vmem>>, vector<16xf32>,
            tpu.vector_store %arg12[%swap3A_365, %swap3A_366], %gather3A_364 {strides = array<i32>} : memref<32x128xf32, #tpu.memory_space<vmem>>, vector<16xf32>,
            %gather3A_368 = arith.constant 1 : i32
            %gather3A_369 = arith.constant 0 : i32
            %gather3A_370 = arith.constant 0 : i32
            %gather3A_371 = tpu.memref_slice %arg11[%gather3A_368, %gather3A_369, %gather3A_370] : memref<2x64x512xf32, #tpu.memory_space<vmem>> -> memref<1x64x512xf32, #tpu.memory_space<vmem>>
            %gather3A_372 = tpu.memref_squeeze %gather3A_371 : memref<1x64x512xf32, #tpu.memory_space<vmem>> -> memref<64x512xf32, #tpu.memory_space<vmem>>
            %gather3A_373 = tpu.vector_load_idx %gather3A_372[%add3A_16, %sub3A_337] : memref<64x512xf32, #tpu.memory_space<vmem>>[vector<16xi32>, vector<16xi32>], vector<16xf32>,
            %swap3A_374 = arith.index_cast %add3A_340 : i32 to index
            %swap3A_375 = arith.constant 48 : index
            %swap3A_376 = tpu.vector_load %arg12[%swap3A_374, %swap3A_375] {strides = array<i32>} : memref<32x128xf32, #tpu.memory_space<vmem>>, vector<16xf32>,
            tpu.vector_store %arg12[%swap3A_374, %swap3A_375], %gather3A_373 {strides = array<i32>} : memref<32x128xf32, #tpu.memory_space<vmem>>, vector<16xf32>,
            %eq3A_377 = vector.broadcast %while3A_323 : i32 to vector<16xi32>
            %eq3A_378 = arith.cmpi eq, %iota3A, %eq3A_377 : vector<16xi32>
            %select_n3A_379 = arith.select %eq3A_378, %gather3A_335, %while3A_326 : vector<16xi1>, vector<16xi32>
            %add3A_380 = arith.constant 1 : i32
            %add3A_381 = arith.addi %while3A_323, %add3A_380 : i32
            %eq3A_382 = arith.constant 16 : i32
            %eq3A_383 = arith.cmpi eq, %add3A_381, %eq3A_382 : i32
            %gt3A_384 = arith.constant 0 : i32
            %gt3A_385 = arith.cmpi sgt, %while3A_325, %gt3A_384 : i32
            %and3A_386 = arith.andi %eq3A_383, %gt3A_385 : i1
            %convert_element_type3A_387 = arith.extui %and3A_386 : i1 to i32
            %cond3A_388 = arith.constant 0 : i32
            %cond3A_389 = arith.cmpi ne, %convert_element_type3A_387, %cond3A_388 : i32
            scf.if %cond3A_389 {
              %dma_wait3A_401 = arith.constant 0 : i32
              %dma_wait3A_402 = arith.constant 0 : i32
              %dma_wait3A_403 = tpu.memref_slice %arg12[%dma_wait3A_401, %dma_wait3A_402] : memref<32x128xf32, #tpu.memory_space<vmem>> -> memref<16x128xf32, #tpu.memory_space<vmem>>
              %dma_wait3A_404 = arith.constant 0 : i32
              %dma_wait3A_405 = arith.constant 0 : i32
              %dma_wait3A_406 = tpu.memref_slice %arg6[%dma_wait3A_404, %dma_wait3A_405] : memref<16392x128xf32, #tpu.memory_space<hbm>> -> memref<16x128xf32, #tpu.memory_space<hbm>>
              %dma_wait3A_407 = arith.constant 0 : i32
              %dma_wait3A_408 = arith.constant 0 : i32
              %dma_wait3A_409 = tpu.memref_slice %arg6[%dma_wait3A_407, %dma_wait3A_408] : memref<16392x128xf32, #tpu.memory_space<hbm>> -> memref<16x128xf32, #tpu.memory_space<hbm>>
              %dma_wait3A_410 = arith.constant 0 : i32
              %dma_wait3A_411 = arith.constant 0 : i32
              %dma_wait3A_412 = tpu.memref_slice %arg12[%dma_wait3A_410, %dma_wait3A_411] : memref<32x128xf32, #tpu.memory_space<vmem>> -> memref<16x128xf32, #tpu.memory_space<vmem>>
              tpu.wait_dma2 semaphore(%arg17 : memref<!tpu.dma_semaphore, #tpu.memory_space<semaphore_mem>>) src(%dma_wait3A_412 : memref<16x128xf32, #tpu.memory_space<vmem>>) dst(%dma_wait3A_409 : memref<16x128xf32, #tpu.memory_space<hbm>>)
            } else {
            }
            %convert_element_type3A_390 = arith.extui %eq3A_383 : i1 to i32
            %cond3A_391 = arith.constant 0 : i32
            %cond3A_392 = arith.cmpi ne, %convert_element_type3A_390, %cond3A_391 : i32
            scf.if %cond3A_392 {
              %mul3A_401 = arith.constant 16 : i32
              %mul3A_402 = arith.muli %while3A_324, %mul3A_401 : i32
              %multiple_of3A_403 = tpu.assume_multiple %mul3A_402, 16 : i32
              %dma_start3A_404 = arith.constant 0 : i32
              %dma_start3A_405 = tpu.memref_slice %arg12[%multiple_of3A_403, %dma_start3A_404] : memref<32x128xf32, #tpu.memory_space<vmem>> -> memref<16x128xf32, #tpu.memory_space<vmem>>
              %dma_start3A_406 = arith.constant 0 : i32
              %dma_start3A_407 = arith.constant 0 : i32
              %dma_start3A_408 = tpu.memref_slice %arg6[%dma_start3A_406, %dma_start3A_407] : memref<16392x128xf32, #tpu.memory_space<hbm>> -> memref<16392x128xf32, #tpu.memory_space<hbm>>
              tpu.enqueue_indirect_dma source(%dma_start3A_405 : memref<16x128xf32, #tpu.memory_space<vmem>>) target(%dma_start3A_408 : memref<16392x128xf32, #tpu.memory_space<hbm>>) offsets(%select_n3A_379 : vector<16xi32>) semaphore(%arg17 : memref<!tpu.dma_semaphore, #tpu.memory_space<semaphore_mem>>)
            } else {
            }
            %select_n3A_393 = arith.constant 0 : i32
            %select_n3A_394 = arith.select %eq3A_383, %select_n3A_393, %add3A_381 : i32
            %sub3A_395 = arith.constant 1 : i32
            %sub3A_396 = arith.subi %sub3A_395, %while3A_324 : i32
            %select_n3A_397 = arith.select %eq3A_383, %sub3A_396, %while3A_324 : i32
            %add3A_398 = arith.constant 1 : i32
            %add3A_399 = arith.addi %while3A_325, %add3A_398 : i32
            %select_n3A_400 = arith.select %eq3A_383, %add3A_399, %while3A_325 : i32
            scf.yield %select_n3A_394, %select_n3A_397, %select_n3A_400, %select_n3A_379 : i32, i32, i32, vector<16xi32>
          }
          %while3A_320 = arith.constant 1 : i32
          %while3A_321:4 = scf.for %while3A_322 = %while3A_317 to %while3A_313 step %while3A_320 iter_args(%while3A_323 = %while3A_319#0, %while3A_324 = %while3A_319#1, %while3A_325 = %while3A_319#2, %while3A_326 = %while3A_319#3) -> (i32, i32, i32, vector<16xi32>)  : i32 {
            %broadcast_in_dim3A_327 = arith.constant 0 : i32
            %broadcast_in_dim3A_328 = vector.broadcast %broadcast_in_dim3A_327 : i32 to vector<16xi32>
            %add3A_329 = vector.broadcast %while3A_322 : i32 to vector<16xi32>
            %add3A_330 = arith.addi %broadcast_in_dim3A_328, %add3A_329 : vector<16xi32>
            %gather3A = arith.constant 0 : i32
            %gather3A_331 = tpu.memref_slice %arg13[%gather3A] : memref<16xi32, #tpu.memory_space<vmem>> -> memref<16xi32, #tpu.memory_space<vmem>>
            %gather3A_332 = tpu.vector_load_idx %gather3A_331[%add3A_330] : memref<16xi32, #tpu.memory_space<vmem>>[vector<16xi32>], vector<16xi32>,
            %gather3A_333 = arith.constant 0 : i32
            %gather3A_334 = tpu.memref_slice %arg14[%gather3A_333] : memref<16xi32, #tpu.memory_space<vmem>> -> memref<16xi32, #tpu.memory_space<vmem>>
            %gather3A_335 = tpu.vector_load_idx %gather3A_334[%add3A_330] : memref<16xi32, #tpu.memory_space<vmem>>[vector<16xi32>], vector<16xi32>,
            %sub3A_336 = vector.broadcast %min3A_264 : i32 to vector<16xi32>
            %sub3A_337 = arith.subi %gather3A_332, %sub3A_336 : vector<16xi32>
            %mul3A_338 = arith.constant 16 : i32
            %mul3A_339 = arith.muli %while3A_324, %mul3A_338 : i32
            %add3A_340 = arith.addi %mul3A_339, %while3A_323 : i32
            %gather3A_341 = arith.constant 1 : i32
            %gather3A_342 = arith.constant 0 : i32
            %gather3A_343 = arith.constant 0 : i32
            %gather3A_344 = tpu.memref_slice %arg11[%gather3A_341, %gather3A_342, %gather3A_343] : memref<2x64x512xf32, #tpu.memory_space<vmem>> -> memref<1x64x512xf32, #tpu.memory_space<vmem>>
            %gather3A_345 = tpu.memref_squeeze %gather3A_344 : memref<1x64x512xf32, #tpu.memory_space<vmem>> -> memref<64x512xf32, #tpu.memory_space<vmem>>
            %gather3A_346 = tpu.vector_load_idx %gather3A_345[%add3A_4, %sub3A_337] : memref<64x512xf32, #tpu.memory_space<vmem>>[vector<16xi32>, vector<16xi32>], vector<16xf32>,
            %swap3A_347 = arith.index_cast %add3A_340 : i32 to index
            %swap3A_348 = arith.constant 0 : index
            %swap3A_349 = tpu.vector_load %arg12[%swap3A_347, %swap3A_348] {strides = array<i32>} : memref<32x128xf32, #tpu.memory_space<vmem>>, vector<16xf32>,
            tpu.vector_store %arg12[%swap3A_347, %swap3A_348], %gather3A_346 {strides = array<i32>} : memref<32x128xf32, #tpu.memory_space<vmem>>, vector<16xf32>,
            %gather3A_350 = arith.constant 1 : i32
            %gather3A_351 = arith.constant 0 : i32
            %gather3A_352 = arith.constant 0 : i32
            %gather3A_353 = tpu.memref_slice %arg11[%gather3A_350, %gather3A_351, %gather3A_352] : memref<2x64x512xf32, #tpu.memory_space<vmem>> -> memref<1x64x512xf32, #tpu.memory_space<vmem>>
            %gather3A_354 = tpu.memref_squeeze %gather3A_353 : memref<1x64x512xf32, #tpu.memory_space<vmem>> -> memref<64x512xf32, #tpu.memory_space<vmem>>
            %gather3A_355 = tpu.vector_load_idx %gather3A_354[%add3A_8, %sub3A_337] : memref<64x512xf32, #tpu.memory_space<vmem>>[vector<16xi32>, vector<16xi32>], vector<16xf32>,
            %swap3A_356 = arith.index_cast %add3A_340 : i32 to index
            %swap3A_357 = arith.constant 16 : index
            %swap3A_358 = tpu.vector_load %arg12[%swap3A_356, %swap3A_357] {strides = array<i32>} : memref<32x128xf32, #tpu.memory_space<vmem>>, vector<16xf32>,
            tpu.vector_store %arg12[%swap3A_356, %swap3A_357], %gather3A_355 {strides = array<i32>} : memref<32x128xf32, #tpu.memory_space<vmem>>, vector<16xf32>,
            %gather3A_359 = arith.constant 1 : i32
            %gather3A_360 = arith.constant 0 : i32
            %gather3A_361 = arith.constant 0 : i32
            %gather3A_362 = tpu.memref_slice %arg11[%gather3A_359, %gather3A_360, %gather3A_361] : memref<2x64x512xf32, #tpu.memory_space<vmem>> -> memref<1x64x512xf32, #tpu.memory_space<vmem>>
            %gather3A_363 = tpu.memref_squeeze %gather3A_362 : memref<1x64x512xf32, #tpu.memory_space<vmem>> -> memref<64x512xf32, #tpu.memory_space<vmem>>
            %gather3A_364 = tpu.vector_load_idx %gather3A_363[%add3A_12, %sub3A_337] : memref<64x512xf32, #tpu.memory_space<vmem>>[vector<16xi32>, vector<16xi32>], vector<16xf32>,
            %swap3A_365 = arith.index_cast %add3A_340 : i32 to index
            %swap3A_366 = arith.constant 32 : index
            %swap3A_367 = tpu.vector_load %arg12[%swap3A_365, %swap3A_366] {strides = array<i32>} : memref<32x128xf32, #tpu.memory_space<vmem>>, vector<16xf32>,
            tpu.vector_store %arg12[%swap3A_365, %swap3A_366], %gather3A_364 {strides = array<i32>} : memref<32x128xf32, #tpu.memory_space<vmem>>, vector<16xf32>,
            %gather3A_368 = arith.constant 1 : i32
            %gather3A_369 = arith.constant 0 : i32
            %gather3A_370 = arith.constant 0 : i32
            %gather3A_371 = tpu.memref_slice %arg11[%gather3A_368, %gather3A_369, %gather3A_370] : memref<2x64x512xf32, #tpu.memory_space<vmem>> -> memref<1x64x512xf32, #tpu.memory_space<vmem>>
            %gather3A_372 = tpu.memref_squeeze %gather3A_371 : memref<1x64x512xf32, #tpu.memory_space<vmem>> -> memref<64x512xf32, #tpu.memory_space<vmem>>
            %gather3A_373 = tpu.vector_load_idx %gather3A_372[%add3A_16, %sub3A_337] : memref<64x512xf32, #tpu.memory_space<vmem>>[vector<16xi32>, vector<16xi32>], vector<16xf32>,
            %swap3A_374 = arith.index_cast %add3A_340 : i32 to index
            %swap3A_375 = arith.constant 48 : index
            %swap3A_376 = tpu.vector_load %arg12[%swap3A_374, %swap3A_375] {strides = array<i32>} : memref<32x128xf32, #tpu.memory_space<vmem>>, vector<16xf32>,
            tpu.vector_store %arg12[%swap3A_374, %swap3A_375], %gather3A_373 {strides = array<i32>} : memref<32x128xf32, #tpu.memory_space<vmem>>, vector<16xf32>,
            %eq3A_377 = vector.broadcast %while3A_323 : i32 to vector<16xi32>
            %eq3A_378 = arith.cmpi eq, %iota3A, %eq3A_377 : vector<16xi32>
            %select_n3A_379 = arith.select %eq3A_378, %gather3A_335, %while3A_326 : vector<16xi1>, vector<16xi32>
            %add3A_380 = arith.constant 1 : i32
            %add3A_381 = arith.addi %while3A_323, %add3A_380 : i32
            %eq3A_382 = arith.constant 16 : i32
            %eq3A_383 = arith.cmpi eq, %add3A_381, %eq3A_382 : i32
            %gt3A_384 = arith.constant 0 : i32
            %gt3A_385 = arith.cmpi sgt, %while3A_325, %gt3A_384 : i32
            %and3A_386 = arith.andi %eq3A_383, %gt3A_385 : i1
            %convert_element_type3A_387 = arith.extui %and3A_386 : i1 to i32
            %cond3A_388 = arith.constant 0 : i32
            %cond3A_389 = arith.cmpi ne, %convert_element_type3A_387, %cond3A_388 : i32
            scf.if %cond3A_389 {
              %dma_wait3A_401 = arith.constant 0 : i32
              %dma_wait3A_402 = arith.constant 0 : i32
              %dma_wait3A_403 = tpu.memref_slice %arg12[%dma_wait3A_401, %dma_wait3A_402] : memref<32x128xf32, #tpu.memory_space<vmem>> -> memref<16x128xf32, #tpu.memory_space<vmem>>
              %dma_wait3A_404 = arith.constant 0 : i32
              %dma_wait3A_405 = arith.constant 0 : i32
              %dma_wait3A_406 = tpu.memref_slice %arg6[%dma_wait3A_404, %dma_wait3A_405] : memref<16392x128xf32, #tpu.memory_space<hbm>> -> memref<16x128xf32, #tpu.memory_space<hbm>>
              %dma_wait3A_407 = arith.constant 0 : i32
              %dma_wait3A_408 = arith.constant 0 : i32
              %dma_wait3A_409 = tpu.memref_slice %arg6[%dma_wait3A_407, %dma_wait3A_408] : memref<16392x128xf32, #tpu.memory_space<hbm>> -> memref<16x128xf32, #tpu.memory_space<hbm>>
              %dma_wait3A_410 = arith.constant 0 : i32
              %dma_wait3A_411 = arith.constant 0 : i32
              %dma_wait3A_412 = tpu.memref_slice %arg12[%dma_wait3A_410, %dma_wait3A_411] : memref<32x128xf32, #tpu.memory_space<vmem>> -> memref<16x128xf32, #tpu.memory_space<vmem>>
              tpu.wait_dma2 semaphore(%arg17 : memref<!tpu.dma_semaphore, #tpu.memory_space<semaphore_mem>>) src(%dma_wait3A_412 : memref<16x128xf32, #tpu.memory_space<vmem>>) dst(%dma_wait3A_409 : memref<16x128xf32, #tpu.memory_space<hbm>>)
            } else {
            }
            %convert_element_type3A_390 = arith.extui %eq3A_383 : i1 to i32
            %cond3A_391 = arith.constant 0 : i32
            %cond3A_392 = arith.cmpi ne, %convert_element_type3A_390, %cond3A_391 : i32
            scf.if %cond3A_392 {
              %mul3A_401 = arith.constant 16 : i32
              %mul3A_402 = arith.muli %while3A_324, %mul3A_401 : i32
              %multiple_of3A_403 = tpu.assume_multiple %mul3A_402, 16 : i32
              %dma_start3A_404 = arith.constant 0 : i32
              %dma_start3A_405 = tpu.memref_slice %arg12[%multiple_of3A_403, %dma_start3A_404] : memref<32x128xf32, #tpu.memory_space<vmem>> -> memref<16x128xf32, #tpu.memory_space<vmem>>
              %dma_start3A_406 = arith.constant 0 : i32
              %dma_start3A_407 = arith.constant 0 : i32
              %dma_start3A_408 = tpu.memref_slice %arg6[%dma_start3A_406, %dma_start3A_407] : memref<16392x128xf32, #tpu.memory_space<hbm>> -> memref<16392x128xf32, #tpu.memory_space<hbm>>
              tpu.enqueue_indirect_dma source(%dma_start3A_405 : memref<16x128xf32, #tpu.memory_space<vmem>>) target(%dma_start3A_408 : memref<16392x128xf32, #tpu.memory_space<hbm>>) offsets(%select_n3A_379 : vector<16xi32>) semaphore(%arg17 : memref<!tpu.dma_semaphore, #tpu.memory_space<semaphore_mem>>)
            } else {
            }
            %select_n3A_393 = arith.constant 0 : i32
            %select_n3A_394 = arith.select %eq3A_383, %select_n3A_393, %add3A_381 : i32
            %sub3A_395 = arith.constant 1 : i32
            %sub3A_396 = arith.subi %sub3A_395, %while3A_324 : i32
            %select_n3A_397 = arith.select %eq3A_383, %sub3A_396, %while3A_324 : i32
            %add3A_398 = arith.constant 1 : i32
            %add3A_399 = arith.addi %while3A_325, %add3A_398 : i32
            %select_n3A_400 = arith.select %eq3A_383, %add3A_399, %while3A_325 : i32
            scf.yield %select_n3A_394, %select_n3A_397, %select_n3A_400, %select_n3A_379 : i32, i32, i32, vector<16xi32>
          }
          scf.yield %while3A_321#0, %while3A_321#1, %while3A_321#2, %while3A_321#3 : i32, i32, i32, vector<16xi32>
        }
        %while3A_273 = arith.constant 1 : i32
        %while3A_274:4 = scf.for %while3A_281 = %while3A_270 to %while3A_266 step %while3A_273 iter_args(%while3A_282 = %while3A_272#0, %while3A_283 = %while3A_272#1, %while3A_284 = %while3A_272#2, %while3A_285 = %while3A_272#3) -> (i32, i32, i32, vector<16xi32>)  : i32 {
          %mul3A_286 = arith.constant 16 : i32
          %mul3A_287 = arith.muli %while3A_281, %mul3A_286 : i32
          %get3A = arith.index_cast %mul3A_287 : i32 to index
          %get3A_288 = tpu.vector_load %arg9[%get3A] {strides = array<i32>} : memref<16400xi32, #tpu.memory_space<vmem>>, vector<16xi32>,
          %mul3A_289 = arith.constant 16 : i32
          %mul3A_290 = arith.muli %while3A_281, %mul3A_289 : i32
          %get3A_291 = arith.index_cast %mul3A_290 : i32 to index
          %get3A_292 = tpu.vector_load %arg10[%get3A_291] {strides = array<i32>} : memref<16400xi32, #tpu.memory_space<vmem>>, vector<16xi32>,
          %ge3A_293 = vector.broadcast %mul3A_259 : i32 to vector<16xi32>
          %ge3A_294 = arith.cmpi sge, %get3A_288, %ge3A_293 : vector<16xi32>
          %add3A_295 = arith.constant 512 : i32
          %add3A_296 = arith.addi %mul3A_259, %add3A_295 : i32
          %lt3A_297 = vector.broadcast %add3A_296 : i32 to vector<16xi32>
          %lt3A_298 = arith.cmpi slt, %get3A_288, %lt3A_297 : vector<16xi32>
          %and3A = arith.andi %ge3A_294, %lt3A_298 : vector<16xi1>
          %swap3A_299 = arith.constant 0 : index
          %swap3A_300 = tpu.vector_load %arg13[%swap3A_299] masked %and3A {strides = array<i32>} : memref<16xi32, #tpu.memory_space<vmem>>, vector<16xi32>, vector<16xi1>
          tpu.vector_store %arg13[%swap3A_299], %get3A_288 masked %and3A {strides = array<i32>} : memref<16xi32, #tpu.memory_space<vmem>>, vector<16xi32>, vector<16xi1>
          %swap3A_301 = arith.constant 0 : index
          %swap3A_302 = tpu.vector_load %arg14[%swap3A_301] masked %and3A {strides = array<i32>} : memref<16xi32, #tpu.memory_space<vmem>>, vector<16xi32>, vector<16xi1>
          tpu.vector_store %arg14[%swap3A_301], %get3A_292 masked %and3A {strides = array<i32>} : memref<16xi32, #tpu.memory_space<vmem>>, vector<16xi32>, vector<16xi1>
          %all_reduce_population_count3A = tpu.all_reduce %and3A {dim = 0 : i64, kind = #tpu.reduction_kind<sum>} : vector<16xi1> -> vector<16xi32>
          %eq3A = arith.constant 0 : i32
          %eq3A_303 = vector.broadcast %eq3A : i32 to vector<16xi32>
          %eq3A_304 = arith.cmpi eq, %iota3A, %eq3A_303 : vector<16xi32>
          %jit3A_305 = arith.constant 0 : i32
          %broadcast_in_dim3A_306 = vector.broadcast %jit3A_305 : i32 to vector<16xi32>
          %select_n3A_307 = arith.select %eq3A_304, %all_reduce_population_count3A, %broadcast_in_dim3A_306 : vector<16xi1>, vector<16xi32>
          %reduce_sum3A = arith.constant true
          %reduce_sum3A_308 = vector.broadcast %reduce_sum3A : i1 to vector<16xi1>
          %reduce_sum3A_309 = tpu.scan <sum>, %select_n3A_307 masked %reduce_sum3A_308 : vector<16xi32>, vector<16xi1> -> vector<16xi32>
          %reduce_sum3A_310 = vector.extract %reduce_sum3A_309[15] : i32 from vector<16xi32>
          %while3A_311 = arith.constant 0 : i32
          %while3A_312 = arith.subi %reduce_sum3A_310, %while3A_311 : i32
          %while3A_313 = arith.addi %while3A_311, %while3A_312 : i32
          %while3A_314 = arith.constant 1 : i32
          %while3A_315 = arith.divsi %while3A_312, %while3A_314 : i32
          %while3A_316 = arith.muli %while3A_315, %while3A_314 : i32
          %while3A_317 = arith.addi %while3A_311, %while3A_316 : i32
          %while3A_318 = arith.constant 1 : i32
          %while3A_319:4 = scf.for %while3A_322 = %while3A_311 to %while3A_317 step %while3A_318 iter_args(%while3A_323 = %while3A_282, %while3A_324 = %while3A_283, %while3A_325 = %while3A_284, %while3A_326 = %while3A_285) -> (i32, i32, i32, vector<16xi32>)  : i32 {
            %broadcast_in_dim3A_327 = arith.constant 0 : i32
            %broadcast_in_dim3A_328 = vector.broadcast %broadcast_in_dim3A_327 : i32 to vector<16xi32>
            %add3A_329 = vector.broadcast %while3A_322 : i32 to vector<16xi32>
            %add3A_330 = arith.addi %broadcast_in_dim3A_328, %add3A_329 : vector<16xi32>
            %gather3A = arith.constant 0 : i32
            %gather3A_331 = tpu.memref_slice %arg13[%gather3A] : memref<16xi32, #tpu.memory_space<vmem>> -> memref<16xi32, #tpu.memory_space<vmem>>
            %gather3A_332 = tpu.vector_load_idx %gather3A_331[%add3A_330] : memref<16xi32, #tpu.memory_space<vmem>>[vector<16xi32>], vector<16xi32>,
            %gather3A_333 = arith.constant 0 : i32
            %gather3A_334 = tpu.memref_slice %arg14[%gather3A_333] : memref<16xi32, #tpu.memory_space<vmem>> -> memref<16xi32, #tpu.memory_space<vmem>>
            %gather3A_335 = tpu.vector_load_idx %gather3A_334[%add3A_330] : memref<16xi32, #tpu.memory_space<vmem>>[vector<16xi32>], vector<16xi32>,
            %sub3A_336 = vector.broadcast %min3A_264 : i32 to vector<16xi32>
            %sub3A_337 = arith.subi %gather3A_332, %sub3A_336 : vector<16xi32>
            %mul3A_338 = arith.constant 16 : i32
            %mul3A_339 = arith.muli %while3A_324, %mul3A_338 : i32
            %add3A_340 = arith.addi %mul3A_339, %while3A_323 : i32
            %gather3A_341 = arith.constant 1 : i32
            %gather3A_342 = arith.constant 0 : i32
            %gather3A_343 = arith.constant 0 : i32
            %gather3A_344 = tpu.memref_slice %arg11[%gather3A_341, %gather3A_342, %gather3A_343] : memref<2x64x512xf32, #tpu.memory_space<vmem>> -> memref<1x64x512xf32, #tpu.memory_space<vmem>>
            %gather3A_345 = tpu.memref_squeeze %gather3A_344 : memref<1x64x512xf32, #tpu.memory_space<vmem>> -> memref<64x512xf32, #tpu.memory_space<vmem>>
            %gather3A_346 = tpu.vector_load_idx %gather3A_345[%add3A_4, %sub3A_337] : memref<64x512xf32, #tpu.memory_space<vmem>>[vector<16xi32>, vector<16xi32>], vector<16xf32>,
            %swap3A_347 = arith.index_cast %add3A_340 : i32 to index
            %swap3A_348 = arith.constant 0 : index
            %swap3A_349 = tpu.vector_load %arg12[%swap3A_347, %swap3A_348] {strides = array<i32>} : memref<32x128xf32, #tpu.memory_space<vmem>>, vector<16xf32>,
            tpu.vector_store %arg12[%swap3A_347, %swap3A_348], %gather3A_346 {strides = array<i32>} : memref<32x128xf32, #tpu.memory_space<vmem>>, vector<16xf32>,
            %gather3A_350 = arith.constant 1 : i32
            %gather3A_351 = arith.constant 0 : i32
            %gather3A_352 = arith.constant 0 : i32
            %gather3A_353 = tpu.memref_slice %arg11[%gather3A_350, %gather3A_351, %gather3A_352] : memref<2x64x512xf32, #tpu.memory_space<vmem>> -> memref<1x64x512xf32, #tpu.memory_space<vmem>>
            %gather3A_354 = tpu.memref_squeeze %gather3A_353 : memref<1x64x512xf32, #tpu.memory_space<vmem>> -> memref<64x512xf32, #tpu.memory_space<vmem>>
            %gather3A_355 = tpu.vector_load_idx %gather3A_354[%add3A_8, %sub3A_337] : memref<64x512xf32, #tpu.memory_space<vmem>>[vector<16xi32>, vector<16xi32>], vector<16xf32>,
            %swap3A_356 = arith.index_cast %add3A_340 : i32 to index
            %swap3A_357 = arith.constant 16 : index
            %swap3A_358 = tpu.vector_load %arg12[%swap3A_356, %swap3A_357] {strides = array<i32>} : memref<32x128xf32, #tpu.memory_space<vmem>>, vector<16xf32>,
            tpu.vector_store %arg12[%swap3A_356, %swap3A_357], %gather3A_355 {strides = array<i32>} : memref<32x128xf32, #tpu.memory_space<vmem>>, vector<16xf32>,
            %gather3A_359 = arith.constant 1 : i32
            %gather3A_360 = arith.constant 0 : i32
            %gather3A_361 = arith.constant 0 : i32
            %gather3A_362 = tpu.memref_slice %arg11[%gather3A_359, %gather3A_360, %gather3A_361] : memref<2x64x512xf32, #tpu.memory_space<vmem>> -> memref<1x64x512xf32, #tpu.memory_space<vmem>>
            %gather3A_363 = tpu.memref_squeeze %gather3A_362 : memref<1x64x512xf32, #tpu.memory_space<vmem>> -> memref<64x512xf32, #tpu.memory_space<vmem>>
            %gather3A_364 = tpu.vector_load_idx %gather3A_363[%add3A_12, %sub3A_337] : memref<64x512xf32, #tpu.memory_space<vmem>>[vector<16xi32>, vector<16xi32>], vector<16xf32>,
            %swap3A_365 = arith.index_cast %add3A_340 : i32 to index
            %swap3A_366 = arith.constant 32 : index
            %swap3A_367 = tpu.vector_load %arg12[%swap3A_365, %swap3A_366] {strides = array<i32>} : memref<32x128xf32, #tpu.memory_space<vmem>>, vector<16xf32>,
            tpu.vector_store %arg12[%swap3A_365, %swap3A_366], %gather3A_364 {strides = array<i32>} : memref<32x128xf32, #tpu.memory_space<vmem>>, vector<16xf32>,
            %gather3A_368 = arith.constant 1 : i32
            %gather3A_369 = arith.constant 0 : i32
            %gather3A_370 = arith.constant 0 : i32
            %gather3A_371 = tpu.memref_slice %arg11[%gather3A_368, %gather3A_369, %gather3A_370] : memref<2x64x512xf32, #tpu.memory_space<vmem>> -> memref<1x64x512xf32, #tpu.memory_space<vmem>>
            %gather3A_372 = tpu.memref_squeeze %gather3A_371 : memref<1x64x512xf32, #tpu.memory_space<vmem>> -> memref<64x512xf32, #tpu.memory_space<vmem>>
            %gather3A_373 = tpu.vector_load_idx %gather3A_372[%add3A_16, %sub3A_337] : memref<64x512xf32, #tpu.memory_space<vmem>>[vector<16xi32>, vector<16xi32>], vector<16xf32>,
            %swap3A_374 = arith.index_cast %add3A_340 : i32 to index
            %swap3A_375 = arith.constant 48 : index
            %swap3A_376 = tpu.vector_load %arg12[%swap3A_374, %swap3A_375] {strides = array<i32>} : memref<32x128xf32, #tpu.memory_space<vmem>>, vector<16xf32>,
            tpu.vector_store %arg12[%swap3A_374, %swap3A_375], %gather3A_373 {strides = array<i32>} : memref<32x128xf32, #tpu.memory_space<vmem>>, vector<16xf32>,
            %eq3A_377 = vector.broadcast %while3A_323 : i32 to vector<16xi32>
            %eq3A_378 = arith.cmpi eq, %iota3A, %eq3A_377 : vector<16xi32>
            %select_n3A_379 = arith.select %eq3A_378, %gather3A_335, %while3A_326 : vector<16xi1>, vector<16xi32>
            %add3A_380 = arith.constant 1 : i32
            %add3A_381 = arith.addi %while3A_323, %add3A_380 : i32
            %eq3A_382 = arith.constant 16 : i32
            %eq3A_383 = arith.cmpi eq, %add3A_381, %eq3A_382 : i32
            %gt3A_384 = arith.constant 0 : i32
            %gt3A_385 = arith.cmpi sgt, %while3A_325, %gt3A_384 : i32
            %and3A_386 = arith.andi %eq3A_383, %gt3A_385 : i1
            %convert_element_type3A_387 = arith.extui %and3A_386 : i1 to i32
            %cond3A_388 = arith.constant 0 : i32
            %cond3A_389 = arith.cmpi ne, %convert_element_type3A_387, %cond3A_388 : i32
            scf.if %cond3A_389 {
              %dma_wait3A_401 = arith.constant 0 : i32
              %dma_wait3A_402 = arith.constant 0 : i32
              %dma_wait3A_403 = tpu.memref_slice %arg12[%dma_wait3A_401, %dma_wait3A_402] : memref<32x128xf32, #tpu.memory_space<vmem>> -> memref<16x128xf32, #tpu.memory_space<vmem>>
              %dma_wait3A_404 = arith.constant 0 : i32
              %dma_wait3A_405 = arith.constant 0 : i32
              %dma_wait3A_406 = tpu.memref_slice %arg6[%dma_wait3A_404, %dma_wait3A_405] : memref<16392x128xf32, #tpu.memory_space<hbm>> -> memref<16x128xf32, #tpu.memory_space<hbm>>
              %dma_wait3A_407 = arith.constant 0 : i32
              %dma_wait3A_408 = arith.constant 0 : i32
              %dma_wait3A_409 = tpu.memref_slice %arg6[%dma_wait3A_407, %dma_wait3A_408] : memref<16392x128xf32, #tpu.memory_space<hbm>> -> memref<16x128xf32, #tpu.memory_space<hbm>>
              %dma_wait3A_410 = arith.constant 0 : i32
              %dma_wait3A_411 = arith.constant 0 : i32
              %dma_wait3A_412 = tpu.memref_slice %arg12[%dma_wait3A_410, %dma_wait3A_411] : memref<32x128xf32, #tpu.memory_space<vmem>> -> memref<16x128xf32, #tpu.memory_space<vmem>>
              tpu.wait_dma2 semaphore(%arg17 : memref<!tpu.dma_semaphore, #tpu.memory_space<semaphore_mem>>) src(%dma_wait3A_412 : memref<16x128xf32, #tpu.memory_space<vmem>>) dst(%dma_wait3A_409 : memref<16x128xf32, #tpu.memory_space<hbm>>)
            } else {
            }
            %convert_element_type3A_390 = arith.extui %eq3A_383 : i1 to i32
            %cond3A_391 = arith.constant 0 : i32
            %cond3A_392 = arith.cmpi ne, %convert_element_type3A_390, %cond3A_391 : i32
            scf.if %cond3A_392 {
              %mul3A_401 = arith.constant 16 : i32
              %mul3A_402 = arith.muli %while3A_324, %mul3A_401 : i32
              %multiple_of3A_403 = tpu.assume_multiple %mul3A_402, 16 : i32
              %dma_start3A_404 = arith.constant 0 : i32
              %dma_start3A_405 = tpu.memref_slice %arg12[%multiple_of3A_403, %dma_start3A_404] : memref<32x128xf32, #tpu.memory_space<vmem>> -> memref<16x128xf32, #tpu.memory_space<vmem>>
              %dma_start3A_406 = arith.constant 0 : i32
              %dma_start3A_407 = arith.constant 0 : i32
              %dma_start3A_408 = tpu.memref_slice %arg6[%dma_start3A_406, %dma_start3A_407] : memref<16392x128xf32, #tpu.memory_space<hbm>> -> memref<16392x128xf32, #tpu.memory_space<hbm>>
              tpu.enqueue_indirect_dma source(%dma_start3A_405 : memref<16x128xf32, #tpu.memory_space<vmem>>) target(%dma_start3A_408 : memref<16392x128xf32, #tpu.memory_space<hbm>>) offsets(%select_n3A_379 : vector<16xi32>) semaphore(%arg17 : memref<!tpu.dma_semaphore, #tpu.memory_space<semaphore_mem>>)
            } else {
            }
            %select_n3A_393 = arith.constant 0 : i32
            %select_n3A_394 = arith.select %eq3A_383, %select_n3A_393, %add3A_381 : i32
            %sub3A_395 = arith.constant 1 : i32
            %sub3A_396 = arith.subi %sub3A_395, %while3A_324 : i32
            %select_n3A_397 = arith.select %eq3A_383, %sub3A_396, %while3A_324 : i32
            %add3A_398 = arith.constant 1 : i32
            %add3A_399 = arith.addi %while3A_325, %add3A_398 : i32
            %select_n3A_400 = arith.select %eq3A_383, %add3A_399, %while3A_325 : i32
            scf.yield %select_n3A_394, %select_n3A_397, %select_n3A_400, %select_n3A_379 : i32, i32, i32, vector<16xi32>
          }
          %while3A_320 = arith.constant 1 : i32
          %while3A_321:4 = scf.for %while3A_322 = %while3A_317 to %while3A_313 step %while3A_320 iter_args(%while3A_323 = %while3A_319#0, %while3A_324 = %while3A_319#1, %while3A_325 = %while3A_319#2, %while3A_326 = %while3A_319#3) -> (i32, i32, i32, vector<16xi32>)  : i32 {
            %broadcast_in_dim3A_327 = arith.constant 0 : i32
            %broadcast_in_dim3A_328 = vector.broadcast %broadcast_in_dim3A_327 : i32 to vector<16xi32>
            %add3A_329 = vector.broadcast %while3A_322 : i32 to vector<16xi32>
            %add3A_330 = arith.addi %broadcast_in_dim3A_328, %add3A_329 : vector<16xi32>
            %gather3A = arith.constant 0 : i32
            %gather3A_331 = tpu.memref_slice %arg13[%gather3A] : memref<16xi32, #tpu.memory_space<vmem>> -> memref<16xi32, #tpu.memory_space<vmem>>
            %gather3A_332 = tpu.vector_load_idx %gather3A_331[%add3A_330] : memref<16xi32, #tpu.memory_space<vmem>>[vector<16xi32>], vector<16xi32>,
            %gather3A_333 = arith.constant 0 : i32
            %gather3A_334 = tpu.memref_slice %arg14[%gather3A_333] : memref<16xi32, #tpu.memory_space<vmem>> -> memref<16xi32, #tpu.memory_space<vmem>>
            %gather3A_335 = tpu.vector_load_idx %gather3A_334[%add3A_330] : memref<16xi32, #tpu.memory_space<vmem>>[vector<16xi32>], vector<16xi32>,
            %sub3A_336 = vector.broadcast %min3A_264 : i32 to vector<16xi32>
            %sub3A_337 = arith.subi %gather3A_332, %sub3A_336 : vector<16xi32>
            %mul3A_338 = arith.constant 16 : i32
            %mul3A_339 = arith.muli %while3A_324, %mul3A_338 : i32
            %add3A_340 = arith.addi %mul3A_339, %while3A_323 : i32
            %gather3A_341 = arith.constant 1 : i32
            %gather3A_342 = arith.constant 0 : i32
            %gather3A_343 = arith.constant 0 : i32
            %gather3A_344 = tpu.memref_slice %arg11[%gather3A_341, %gather3A_342, %gather3A_343] : memref<2x64x512xf32, #tpu.memory_space<vmem>> -> memref<1x64x512xf32, #tpu.memory_space<vmem>>
            %gather3A_345 = tpu.memref_squeeze %gather3A_344 : memref<1x64x512xf32, #tpu.memory_space<vmem>> -> memref<64x512xf32, #tpu.memory_space<vmem>>
            %gather3A_346 = tpu.vector_load_idx %gather3A_345[%add3A_4, %sub3A_337] : memref<64x512xf32, #tpu.memory_space<vmem>>[vector<16xi32>, vector<16xi32>], vector<16xf32>,
            %swap3A_347 = arith.index_cast %add3A_340 : i32 to index
            %swap3A_348 = arith.constant 0 : index
            %swap3A_349 = tpu.vector_load %arg12[%swap3A_347, %swap3A_348] {strides = array<i32>} : memref<32x128xf32, #tpu.memory_space<vmem>>, vector<16xf32>,
            tpu.vector_store %arg12[%swap3A_347, %swap3A_348], %gather3A_346 {strides = array<i32>} : memref<32x128xf32, #tpu.memory_space<vmem>>, vector<16xf32>,
            %gather3A_350 = arith.constant 1 : i32
            %gather3A_351 = arith.constant 0 : i32
            %gather3A_352 = arith.constant 0 : i32
            %gather3A_353 = tpu.memref_slice %arg11[%gather3A_350, %gather3A_351, %gather3A_352] : memref<2x64x512xf32, #tpu.memory_space<vmem>> -> memref<1x64x512xf32, #tpu.memory_space<vmem>>
            %gather3A_354 = tpu.memref_squeeze %gather3A_353 : memref<1x64x512xf32, #tpu.memory_space<vmem>> -> memref<64x512xf32, #tpu.memory_space<vmem>>
            %gather3A_355 = tpu.vector_load_idx %gather3A_354[%add3A_8, %sub3A_337] : memref<64x512xf32, #tpu.memory_space<vmem>>[vector<16xi32>, vector<16xi32>], vector<16xf32>,
            %swap3A_356 = arith.index_cast %add3A_340 : i32 to index
            %swap3A_357 = arith.constant 16 : index
            %swap3A_358 = tpu.vector_load %arg12[%swap3A_356, %swap3A_357] {strides = array<i32>} : memref<32x128xf32, #tpu.memory_space<vmem>>, vector<16xf32>,
            tpu.vector_store %arg12[%swap3A_356, %swap3A_357], %gather3A_355 {strides = array<i32>} : memref<32x128xf32, #tpu.memory_space<vmem>>, vector<16xf32>,
            %gather3A_359 = arith.constant 1 : i32
            %gather3A_360 = arith.constant 0 : i32
            %gather3A_361 = arith.constant 0 : i32
            %gather3A_362 = tpu.memref_slice %arg11[%gather3A_359, %gather3A_360, %gather3A_361] : memref<2x64x512xf32, #tpu.memory_space<vmem>> -> memref<1x64x512xf32, #tpu.memory_space<vmem>>
            %gather3A_363 = tpu.memref_squeeze %gather3A_362 : memref<1x64x512xf32, #tpu.memory_space<vmem>> -> memref<64x512xf32, #tpu.memory_space<vmem>>
            %gather3A_364 = tpu.vector_load_idx %gather3A_363[%add3A_12, %sub3A_337] : memref<64x512xf32, #tpu.memory_space<vmem>>[vector<16xi32>, vector<16xi32>], vector<16xf32>,
            %swap3A_365 = arith.index_cast %add3A_340 : i32 to index
            %swap3A_366 = arith.constant 32 : index
            %swap3A_367 = tpu.vector_load %arg12[%swap3A_365, %swap3A_366] {strides = array<i32>} : memref<32x128xf32, #tpu.memory_space<vmem>>, vector<16xf32>,
            tpu.vector_store %arg12[%swap3A_365, %swap3A_366], %gather3A_364 {strides = array<i32>} : memref<32x128xf32, #tpu.memory_space<vmem>>, vector<16xf32>,
            %gather3A_368 = arith.constant 1 : i32
            %gather3A_369 = arith.constant 0 : i32
            %gather3A_370 = arith.constant 0 : i32
            %gather3A_371 = tpu.memref_slice %arg11[%gather3A_368, %gather3A_369, %gather3A_370] : memref<2x64x512xf32, #tpu.memory_space<vmem>> -> memref<1x64x512xf32, #tpu.memory_space<vmem>>
            %gather3A_372 = tpu.memref_squeeze %gather3A_371 : memref<1x64x512xf32, #tpu.memory_space<vmem>> -> memref<64x512xf32, #tpu.memory_space<vmem>>
            %gather3A_373 = tpu.vector_load_idx %gather3A_372[%add3A_16, %sub3A_337] : memref<64x512xf32, #tpu.memory_space<vmem>>[vector<16xi32>, vector<16xi32>], vector<16xf32>,
            %swap3A_374 = arith.index_cast %add3A_340 : i32 to index
            %swap3A_375 = arith.constant 48 : index
            %swap3A_376 = tpu.vector_load %arg12[%swap3A_374, %swap3A_375] {strides = array<i32>} : memref<32x128xf32, #tpu.memory_space<vmem>>, vector<16xf32>,
            tpu.vector_store %arg12[%swap3A_374, %swap3A_375], %gather3A_373 {strides = array<i32>} : memref<32x128xf32, #tpu.memory_space<vmem>>, vector<16xf32>,
            %eq3A_377 = vector.broadcast %while3A_323 : i32 to vector<16xi32>
            %eq3A_378 = arith.cmpi eq, %iota3A, %eq3A_377 : vector<16xi32>
            %select_n3A_379 = arith.select %eq3A_378, %gather3A_335, %while3A_326 : vector<16xi1>, vector<16xi32>
            %add3A_380 = arith.constant 1 : i32
            %add3A_381 = arith.addi %while3A_323, %add3A_380 : i32
            %eq3A_382 = arith.constant 16 : i32
            %eq3A_383 = arith.cmpi eq, %add3A_381, %eq3A_382 : i32
            %gt3A_384 = arith.constant 0 : i32
            %gt3A_385 = arith.cmpi sgt, %while3A_325, %gt3A_384 : i32
            %and3A_386 = arith.andi %eq3A_383, %gt3A_385 : i1
            %convert_element_type3A_387 = arith.extui %and3A_386 : i1 to i32
            %cond3A_388 = arith.constant 0 : i32
            %cond3A_389 = arith.cmpi ne, %convert_element_type3A_387, %cond3A_388 : i32
            scf.if %cond3A_389 {
              %dma_wait3A_401 = arith.constant 0 : i32
              %dma_wait3A_402 = arith.constant 0 : i32
              %dma_wait3A_403 = tpu.memref_slice %arg12[%dma_wait3A_401, %dma_wait3A_402] : memref<32x128xf32, #tpu.memory_space<vmem>> -> memref<16x128xf32, #tpu.memory_space<vmem>>
              %dma_wait3A_404 = arith.constant 0 : i32
              %dma_wait3A_405 = arith.constant 0 : i32
              %dma_wait3A_406 = tpu.memref_slice %arg6[%dma_wait3A_404, %dma_wait3A_405] : memref<16392x128xf32, #tpu.memory_space<hbm>> -> memref<16x128xf32, #tpu.memory_space<hbm>>
              %dma_wait3A_407 = arith.constant 0 : i32
              %dma_wait3A_408 = arith.constant 0 : i32
              %dma_wait3A_409 = tpu.memref_slice %arg6[%dma_wait3A_407, %dma_wait3A_408] : memref<16392x128xf32, #tpu.memory_space<hbm>> -> memref<16x128xf32, #tpu.memory_space<hbm>>
              %dma_wait3A_410 = arith.constant 0 : i32
              %dma_wait3A_411 = arith.constant 0 : i32
              %dma_wait3A_412 = tpu.memref_slice %arg12[%dma_wait3A_410, %dma_wait3A_411] : memref<32x128xf32, #tpu.memory_space<vmem>> -> memref<16x128xf32, #tpu.memory_space<vmem>>
              tpu.wait_dma2 semaphore(%arg17 : memref<!tpu.dma_semaphore, #tpu.memory_space<semaphore_mem>>) src(%dma_wait3A_412 : memref<16x128xf32, #tpu.memory_space<vmem>>) dst(%dma_wait3A_409 : memref<16x128xf32, #tpu.memory_space<hbm>>)
            } else {
            }
            %convert_element_type3A_390 = arith.extui %eq3A_383 : i1 to i32
            %cond3A_391 = arith.constant 0 : i32
            %cond3A_392 = arith.cmpi ne, %convert_element_type3A_390, %cond3A_391 : i32
            scf.if %cond3A_392 {
              %mul3A_401 = arith.constant 16 : i32
              %mul3A_402 = arith.muli %while3A_324, %mul3A_401 : i32
              %multiple_of3A_403 = tpu.assume_multiple %mul3A_402, 16 : i32
              %dma_start3A_404 = arith.constant 0 : i32
              %dma_start3A_405 = tpu.memref_slice %arg12[%multiple_of3A_403, %dma_start3A_404] : memref<32x128xf32, #tpu.memory_space<vmem>> -> memref<16x128xf32, #tpu.memory_space<vmem>>
              %dma_start3A_406 = arith.constant 0 : i32
              %dma_start3A_407 = arith.constant 0 : i32
              %dma_start3A_408 = tpu.memref_slice %arg6[%dma_start3A_406, %dma_start3A_407] : memref<16392x128xf32, #tpu.memory_space<hbm>> -> memref<16392x128xf32, #tpu.memory_space<hbm>>
              tpu.enqueue_indirect_dma source(%dma_start3A_405 : memref<16x128xf32, #tpu.memory_space<vmem>>) target(%dma_start3A_408 : memref<16392x128xf32, #tpu.memory_space<hbm>>) offsets(%select_n3A_379 : vector<16xi32>) semaphore(%arg17 : memref<!tpu.dma_semaphore, #tpu.memory_space<semaphore_mem>>)
            } else {
            }
            %select_n3A_393 = arith.constant 0 : i32
            %select_n3A_394 = arith.select %eq3A_383, %select_n3A_393, %add3A_381 : i32
            %sub3A_395 = arith.constant 1 : i32
            %sub3A_396 = arith.subi %sub3A_395, %while3A_324 : i32
            %select_n3A_397 = arith.select %eq3A_383, %sub3A_396, %while3A_324 : i32
            %add3A_398 = arith.constant 1 : i32
            %add3A_399 = arith.addi %while3A_325, %add3A_398 : i32
            %select_n3A_400 = arith.select %eq3A_383, %add3A_399, %while3A_325 : i32
            scf.yield %select_n3A_394, %select_n3A_397, %select_n3A_400, %select_n3A_379 : i32, i32, i32, vector<16xi32>
          }
          scf.yield %while3A_321#0, %while3A_321#1, %while3A_321#2, %while3A_321#3 : i32, i32, i32, vector<16xi32>
        }
        %add3A_275 = arith.constant 2 : i32
        %add3A_276 = arith.addi %add3A_236, %add3A_275 : i32
        %lt3A_277 = arith.cmpi slt, %add3A_276, %add3A_19 : i32
        %convert_element_type3A_278 = arith.extui %lt3A_277 : i1 to i32
        %cond3A_279 = arith.constant 0 : i32
        %cond3A_280 = arith.cmpi ne, %convert_element_type3A_278, %cond3A_279 : i32
        scf.if %cond3A_280 {
          %add3A_281 = arith.constant 2 : i32
          %add3A_282 = arith.addi %add3A_236, %add3A_281 : i32
          %add3A_283 = arith.addi %add3A_23, %add3A_282 : i32
          %mul3A_284 = arith.constant 512 : i32
          %mul3A_285 = arith.muli %add3A_283, %mul3A_284 : i32
          %min3A_286 = arith.constant 999552 : i32
          %min3A_287 = arith.minsi %mul3A_285, %min3A_286 : i32
          %multiple_of3A_288 = tpu.assume_multiple %min3A_287, 128 : i32
          %dma_start3A_289 = arith.constant 1 : i32
          %dma_start3A_290 = arith.constant 0 : i32
          %dma_start3A_291 = arith.constant 0 : i32
          %dma_start3A_292 = tpu.memref_slice %arg11[%dma_start3A_289, %dma_start3A_290, %dma_start3A_291] : memref<2x64x512xf32, #tpu.memory_space<vmem>> -> memref<1x64x512xf32, #tpu.memory_space<vmem>>
          %dma_start3A_293 = tpu.memref_squeeze %dma_start3A_292 : memref<1x64x512xf32, #tpu.memory_space<vmem>> -> memref<64x512xf32, #tpu.memory_space<vmem>>
          %dma_start3A_294 = arith.constant 0 : i32
          %dma_start3A_295 = tpu.memref_slice %arg4[%dma_start3A_294, %multiple_of3A_288] : memref<64x1000000xf32, #tpu.memory_space<hbm>> -> memref<64x512xf32, #tpu.memory_space<hbm>>
          %dma_start3A_296 = arith.constant 0 : i32
          %dma_start3A_297 = arith.constant 0 : i32
          %dma_start3A_298 = tpu.memref_slice %arg11[%dma_start3A_289, %dma_start3A_296, %dma_start3A_297] : memref<2x64x512xf32, #tpu.memory_space<vmem>> -> memref<1x64x512xf32, #tpu.memory_space<vmem>>
          %dma_start3A_299 = tpu.memref_squeeze %dma_start3A_298 : memref<1x64x512xf32, #tpu.memory_space<vmem>> -> memref<64x512xf32, #tpu.memory_space<vmem>>
          %dma_start3A_300 = arith.constant 0 : i32
          %dma_start3A_301 = tpu.memref_slice %arg4[%dma_start3A_300, %multiple_of3A_288] : memref<64x1000000xf32, #tpu.memory_space<hbm>> -> memref<64x512xf32, #tpu.memory_space<hbm>>
          tpu.enqueue_dma source(%dma_start3A_301 : memref<64x512xf32, #tpu.memory_space<hbm>>) target(%dma_start3A_299 : memref<64x512xf32, #tpu.memory_space<vmem>>) target_semaphore(%arg16 : memref<!tpu.dma_semaphore, #tpu.memory_space<semaphore_mem>>)
        } else {
        }
        scf.yield %while3A_274#0, %while3A_274#1, %while3A_274#2, %while3A_274#3 : i32, i32, i32, vector<16xi32>
      } else {
        scf.yield %cond3A_232#0, %cond3A_232#1, %cond3A_232#2, %cond3A_232#3 : i32, i32, i32, vector<16xi32>
      }
      scf.yield %cond3A_241#0, %cond3A_241#1, %cond3A_241#2, %cond3A_241#3 : i32, i32, i32, vector<16xi32>
    }
    %scan3A_97 = arith.constant 31 : i32
    %gt3A = arith.constant 0 : i32
    %gt3A_98 = arith.cmpi sgt, %scan3A_96#2, %gt3A : i32
    %convert_element_type3A_99 = arith.extui %gt3A_98 : i1 to i32
    %cond3A = arith.constant 0 : i32
    %cond3A_100 = arith.cmpi ne, %convert_element_type3A_99, %cond3A : i32
    scf.if %cond3A_100 {
      %dma_wait3A_219 = arith.constant 0 : i32
      %dma_wait3A_220 = arith.constant 0 : i32
      %dma_wait3A_221 = tpu.memref_slice %arg12[%dma_wait3A_219, %dma_wait3A_220] : memref<32x128xf32, #tpu.memory_space<vmem>> -> memref<16x128xf32, #tpu.memory_space<vmem>>
      %dma_wait3A_222 = arith.constant 0 : i32
      %dma_wait3A_223 = arith.constant 0 : i32
      %dma_wait3A_224 = tpu.memref_slice %arg6[%dma_wait3A_222, %dma_wait3A_223] : memref<16392x128xf32, #tpu.memory_space<hbm>> -> memref<16x128xf32, #tpu.memory_space<hbm>>
      %dma_wait3A_225 = arith.constant 0 : i32
      %dma_wait3A_226 = arith.constant 0 : i32
      %dma_wait3A_227 = tpu.memref_slice %arg6[%dma_wait3A_225, %dma_wait3A_226] : memref<16392x128xf32, #tpu.memory_space<hbm>> -> memref<16x128xf32, #tpu.memory_space<hbm>>
      %dma_wait3A_228 = arith.constant 0 : i32
      %dma_wait3A_229 = arith.constant 0 : i32
      %dma_wait3A_230 = tpu.memref_slice %arg12[%dma_wait3A_228, %dma_wait3A_229] : memref<32x128xf32, #tpu.memory_space<vmem>> -> memref<16x128xf32, #tpu.memory_space<vmem>>
      tpu.wait_dma2 semaphore(%arg17 : memref<!tpu.dma_semaphore, #tpu.memory_space<semaphore_mem>>) src(%dma_wait3A_230 : memref<16x128xf32, #tpu.memory_space<vmem>>) dst(%dma_wait3A_227 : memref<16x128xf32, #tpu.memory_space<hbm>>)
    } else {
    }
    %ge3A = vector.broadcast %scan3A_96#0 : i32 to vector<16xi32>
    %ge3A_101 = arith.cmpi sge, %iota3A, %ge3A : vector<16xi32>
    %jit3A = arith.constant 16384 : i32
    %broadcast_in_dim3A_102 = vector.broadcast %jit3A : i32 to vector<16xi32>
    %select_n3A = arith.select %ge3A_101, %broadcast_in_dim3A_102, %scan3A_96#3 : vector<16xi1>, vector<16xi32>
    %mul3A_103 = arith.constant 16 : i32
    %mul3A_104 = arith.muli %scan3A_96#1, %mul3A_103 : i32
    %multiple_of3A_105 = tpu.assume_multiple %mul3A_104, 16 : i32
    %dma_start3A_106 = arith.constant 0 : i32
    %dma_start3A_107 = tpu.memref_slice %arg12[%multiple_of3A_105, %dma_start3A_106] : memref<32x128xf32, #tpu.memory_space<vmem>> -> memref<16x128xf32, #tpu.memory_space<vmem>>
    %dma_start3A_108 = arith.constant 0 : i32
    %dma_start3A_109 = arith.constant 0 : i32
    %dma_start3A_110 = tpu.memref_slice %arg6[%dma_start3A_108, %dma_start3A_109] : memref<16392x128xf32, #tpu.memory_space<hbm>> -> memref<16392x128xf32, #tpu.memory_space<hbm>>
    tpu.enqueue_indirect_dma source(%dma_start3A_107 : memref<16x128xf32, #tpu.memory_space<vmem>>) target(%dma_start3A_110 : memref<16392x128xf32, #tpu.memory_space<hbm>>) offsets(%select_n3A : vector<16xi32>) semaphore(%arg17 : memref<!tpu.dma_semaphore, #tpu.memory_space<semaphore_mem>>)
    %dma_wait3A = arith.constant 0 : i32
    %dma_wait3A_111 = tpu.memref_slice %arg12[%multiple_of3A_105, %dma_wait3A] : memref<32x128xf32, #tpu.memory_space<vmem>> -> memref<16x128xf32, #tpu.memory_space<vmem>>
    %dma_wait3A_112 = arith.constant 0 : i32
    %dma_wait3A_113 = arith.constant 0 : i32
    %dma_wait3A_114 = tpu.memref_slice %arg6[%dma_wait3A_112, %dma_wait3A_113] : memref<16392x128xf32, #tpu.memory_space<hbm>> -> memref<16392x128xf32, #tpu.memory_space<hbm>>
    tpu.wait_indirect_dma semaphore(%arg17 : memref<!tpu.dma_semaphore, #tpu.memory_space<semaphore_mem>>) src(%dma_wait3A_111 : memref<16x128xf32, #tpu.memory_space<vmem>>) dst(%dma_wait3A_114 : memref<16392x128xf32, #tpu.memory_space<hbm>>)
    %add3A_115 = arith.constant 0 : i32
    %add3A_116 = arith.addi %add3A_23, %add3A_115 : i32
    %mul3A_117 = arith.constant 512 : i32
    %mul3A_118 = arith.muli %add3A_116, %mul3A_117 : i32
    %min3A_119 = arith.constant 999552 : i32
    %min3A_120 = arith.minsi %mul3A_118, %min3A_119 : i32
    %multiple_of3A_121 = tpu.assume_multiple %min3A_120, 128 : i32
    %dma_start3A_122 = arith.constant 0 : i32
    %dma_start3A_123 = arith.constant 0 : i32
    %dma_start3A_124 = arith.constant 0 : i32
    %dma_start3A_125 = tpu.memref_slice %arg11[%dma_start3A_122, %dma_start3A_123, %dma_start3A_124] : memref<2x64x512xf32, #tpu.memory_space<vmem>> -> memref<1x64x512xf32, #tpu.memory_space<vmem>>
    %dma_start3A_126 = tpu.memref_squeeze %dma_start3A_125 : memref<1x64x512xf32, #tpu.memory_space<vmem>> -> memref<64x512xf32, #tpu.memory_space<vmem>>
    %dma_start3A_127 = arith.constant 0 : i32
    %dma_start3A_128 = tpu.memref_slice %arg5[%dma_start3A_127, %multiple_of3A_121] : memref<64x1000000xf32, #tpu.memory_space<hbm>> -> memref<64x512xf32, #tpu.memory_space<hbm>>
    %dma_start3A_129 = arith.constant 0 : i32
    %dma_start3A_130 = arith.constant 0 : i32
    %dma_start3A_131 = tpu.memref_slice %arg11[%dma_start3A_122, %dma_start3A_129, %dma_start3A_130] : memref<2x64x512xf32, #tpu.memory_space<vmem>> -> memref<1x64x512xf32, #tpu.memory_space<vmem>>
    %dma_start3A_132 = tpu.memref_squeeze %dma_start3A_131 : memref<1x64x512xf32, #tpu.memory_space<vmem>> -> memref<64x512xf32, #tpu.memory_space<vmem>>
    %dma_start3A_133 = arith.constant 0 : i32
    %dma_start3A_134 = tpu.memref_slice %arg5[%dma_start3A_133, %multiple_of3A_121] : memref<64x1000000xf32, #tpu.memory_space<hbm>> -> memref<64x512xf32, #tpu.memory_space<hbm>>
    tpu.enqueue_dma source(%dma_start3A_134 : memref<64x512xf32, #tpu.memory_space<hbm>>) target(%dma_start3A_132 : memref<64x512xf32, #tpu.memory_space<vmem>>) target_semaphore(%arg15 : memref<!tpu.dma_semaphore, #tpu.memory_space<semaphore_mem>>)
    %add3A_135 = arith.constant 1 : i32
    %add3A_136 = arith.addi %add3A_23, %add3A_135 : i32
    %mul3A_137 = arith.constant 512 : i32
    %mul3A_138 = arith.muli %add3A_136, %mul3A_137 : i32
    %min3A_139 = arith.constant 999552 : i32
    %min3A_140 = arith.minsi %mul3A_138, %min3A_139 : i32
    %multiple_of3A_141 = tpu.assume_multiple %min3A_140, 128 : i32
    %dma_start3A_142 = arith.constant 1 : i32
    %dma_start3A_143 = arith.constant 0 : i32
    %dma_start3A_144 = arith.constant 0 : i32
    %dma_start3A_145 = tpu.memref_slice %arg11[%dma_start3A_142, %dma_start3A_143, %dma_start3A_144] : memref<2x64x512xf32, #tpu.memory_space<vmem>> -> memref<1x64x512xf32, #tpu.memory_space<vmem>>
    %dma_start3A_146 = tpu.memref_squeeze %dma_start3A_145 : memref<1x64x512xf32, #tpu.memory_space<vmem>> -> memref<64x512xf32, #tpu.memory_space<vmem>>
    %dma_start3A_147 = arith.constant 0 : i32
    %dma_start3A_148 = tpu.memref_slice %arg5[%dma_start3A_147, %multiple_of3A_141] : memref<64x1000000xf32, #tpu.memory_space<hbm>> -> memref<64x512xf32, #tpu.memory_space<hbm>>
    %dma_start3A_149 = arith.constant 0 : i32
    %dma_start3A_150 = arith.constant 0 : i32
    %dma_start3A_151 = tpu.memref_slice %arg11[%dma_start3A_142, %dma_start3A_149, %dma_start3A_150] : memref<2x64x512xf32, #tpu.memory_space<vmem>> -> memref<1x64x512xf32, #tpu.memory_space<vmem>>
    %dma_start3A_152 = tpu.memref_squeeze %dma_start3A_151 : memref<1x64x512xf32, #tpu.memory_space<vmem>> -> memref<64x512xf32, #tpu.memory_space<vmem>>
    %dma_start3A_153 = arith.constant 0 : i32
    %dma_start3A_154 = tpu.memref_slice %arg5[%dma_start3A_153, %multiple_of3A_141] : memref<64x1000000xf32, #tpu.memory_space<hbm>> -> memref<64x512xf32, #tpu.memory_space<hbm>>
    tpu.enqueue_dma source(%dma_start3A_154 : memref<64x512xf32, #tpu.memory_space<hbm>>) target(%dma_start3A_152 : memref<64x512xf32, #tpu.memory_space<vmem>>) target_semaphore(%arg16 : memref<!tpu.dma_semaphore, #tpu.memory_space<semaphore_mem>>)
    "tpu.region"() ({
      %run_scoped3A = tpu.sem_alloc : memref<!tpu.dma_semaphore, #tpu.memory_space<semaphore_mem>>
      tpu.enqueue_dma source(%arg3 : memref<16384xi32, #tpu.memory_space<hbm>>) target(%arg8 : memref<16384xi32, #tpu.memory_space<vmem>>) target_semaphore(%run_scoped3A : memref<!tpu.dma_semaphore, #tpu.memory_space<semaphore_mem>>)
      tpu.wait_dma2 semaphore(%run_scoped3A : memref<!tpu.dma_semaphore, #tpu.memory_space<semaphore_mem>>) src(%arg3 : memref<16384xi32, #tpu.memory_space<hbm>>) dst(%arg8 : memref<16384xi32, #tpu.memory_space<vmem>>)
      tpu.yield
    }) : () -> ()
    %mul3A_155 = arith.constant 512 : i32
    %mul3A_156 = arith.muli %add3A_23, %mul3A_155 : i32
    %add3A_157 = arith.addi %add3A_23, %add3A_19 : i32
    %mul3A_158 = arith.constant 512 : i32
    %mul3A_159 = arith.muli %add3A_157, %mul3A_158 : i32
    %min3A_160 = arith.constant 1000000 : i32
    %min3A_161 = arith.minsi %mul3A_159, %min3A_160 : i32
    %scan3A_162 = arith.constant 0 : i32
    %scan3A_163 = arith.constant 0 : i32
    %scan3A_164 = arith.constant 1024 : i32
    %scan3A_165 = arith.addi %scan3A_163, %scan3A_164 : i32
    %scan3A_166 = arith.constant 1 : i32
    %scan3A_167 = scf.for %scan3A_219 = %scan3A_163 to %scan3A_165 step %scan3A_166 iter_args(%scan3A_220 = %scan3A_162) -> (i32)  : i32 {
      %mul3A_221 = arith.constant 16 : i32
      %mul3A_222 = arith.muli %scan3A_219, %mul3A_221 : i32
      %get3A = arith.index_cast %mul3A_222 : i32 to index
      %get3A_223 = tpu.vector_load %arg8[%get3A] {strides = array<i32>} : memref<16384xi32, #tpu.memory_space<vmem>>, vector<16xi32>,
      %mul3A_224 = arith.constant 16 : i32
      %mul3A_225 = arith.muli %scan3A_219, %mul3A_224 : i32
      %add3A_226 = vector.broadcast %mul3A_225 : i32 to vector<16xi32>
      %add3A_227 = arith.addi %iota3A, %add3A_226 : vector<16xi32>
      %ge3A_228 = vector.broadcast %mul3A_156 : i32 to vector<16xi32>
      %ge3A_229 = arith.cmpi sge, %get3A_223, %ge3A_228 : vector<16xi32>
      %lt3A_230 = vector.broadcast %min3A_161 : i32 to vector<16xi32>
      %lt3A_231 = arith.cmpi slt, %get3A_223, %lt3A_230 : vector<16xi32>
      %and3A = arith.andi %ge3A_229, %lt3A_231 : vector<16xi1>
      %swap3A_232 = arith.index_cast %scan3A_220 : i32 to index
      %swap3A_233 = tpu.vector_load %arg9[%swap3A_232] masked %and3A {strides = array<i32>} : memref<16400xi32, #tpu.memory_space<vmem>>, vector<16xi32>, vector<16xi1>
      tpu.vector_store %arg9[%swap3A_232], %get3A_223 masked %and3A {strides = array<i32>} : memref<16400xi32, #tpu.memory_space<vmem>>, vector<16xi32>, vector<16xi1>
      %swap3A_234 = arith.index_cast %scan3A_220 : i32 to index
      %swap3A_235 = tpu.vector_load %arg10[%swap3A_234] masked %and3A {strides = array<i32>} : memref<16400xi32, #tpu.memory_space<vmem>>, vector<16xi32>, vector<16xi1>
      tpu.vector_store %arg10[%swap3A_234], %add3A_227 masked %and3A {strides = array<i32>} : memref<16400xi32, #tpu.memory_space<vmem>>, vector<16xi32>, vector<16xi1>
      %all_reduce_population_count3A = tpu.all_reduce %and3A {dim = 0 : i64, kind = #tpu.reduction_kind<sum>} : vector<16xi1> -> vector<16xi32>
      %eq3A = arith.constant 0 : i32
      %eq3A_236 = vector.broadcast %eq3A : i32 to vector<16xi32>
      %eq3A_237 = arith.cmpi eq, %iota3A, %eq3A_236 : vector<16xi32>
      %jit3A_238 = arith.constant 0 : i32
      %broadcast_in_dim3A_239 = vector.broadcast %jit3A_238 : i32 to vector<16xi32>
      %select_n3A_240 = arith.select %eq3A_237, %all_reduce_population_count3A, %broadcast_in_dim3A_239 : vector<16xi1>, vector<16xi32>
      %reduce_sum3A = arith.constant true
      %reduce_sum3A_241 = vector.broadcast %reduce_sum3A : i1 to vector<16xi1>
      %reduce_sum3A_242 = tpu.scan <sum>, %select_n3A_240 masked %reduce_sum3A_241 : vector<16xi32>, vector<16xi1> -> vector<16xi32>
      %reduce_sum3A_243 = vector.extract %reduce_sum3A_242[15] : i32 from vector<16xi32>
      %add3A_244 = arith.addi %scan3A_220, %reduce_sum3A_243 : i32
      scf.yield %add3A_244 : i32
    }
    %scan3A_168 = arith.constant 1024 : i32
    %broadcast_in_dim3A_169 = arith.constant 0 : i32
    %broadcast_in_dim3A_170 = vector.broadcast %broadcast_in_dim3A_169 : i32 to vector<16xi32>
    %sub3A_171 = arith.constant 1 : i32
    %sub3A_172 = vector.broadcast %sub3A_171 : i32 to vector<16xi32>
    %sub3A_173 = arith.subi %broadcast_in_dim3A_170, %sub3A_172 : vector<16xi32>
    %swap3A_174 = arith.index_cast %scan3A_167 : i32 to index
    %swap3A_175 = tpu.vector_load %arg9[%swap3A_174] {strides = array<i32>} : memref<16400xi32, #tpu.memory_space<vmem>>, vector<16xi32>,
    tpu.vector_store %arg9[%swap3A_174], %sub3A_173 {strides = array<i32>} : memref<16400xi32, #tpu.memory_space<vmem>>, vector<16xi32>,
    %add3A_176 = arith.constant 16 : i32
    %add3A_177 = arith.addi %scan3A_167, %add3A_176 : i32
    %sub3A_178 = arith.constant 1 : i32
    %sub3A_179 = arith.subi %add3A_177, %sub3A_178 : i32
    %shift_right_arithmetic3A_180 = arith.constant 4 : i32
    %shift_right_arithmetic3A_181 = arith.shrsi %sub3A_179, %shift_right_arithmetic3A_180 : i32
    %broadcast_in_dim3A_182 = arith.constant 0 : i32
    %broadcast_in_dim3A_183 = vector.broadcast %broadcast_in_dim3A_182 : i32 to vector<16xi32>
    %add3A_184 = arith.constant 16384 : i32
    %add3A_185 = vector.broadcast %add3A_184 : i32 to vector<16xi32>
    %add3A_186 = arith.addi %broadcast_in_dim3A_183, %add3A_185 : vector<16xi32>
    %scan3A_187 = arith.constant 0 : i32
    %scan3A_188 = arith.constant 0 : i32
    %scan3A_189 = arith.constant 0 : i32
    %scan3A_190 = arith.constant 0 : i32
    %scan3A_191 = arith.constant 31 : i32
    %scan3A_192 = arith.addi %scan3A_190, %scan3A_191 : i32
    %scan3A_193 = arith.constant 1 : i32
    %scan3A_194:4 = scf.for %scan3A_219 = %scan3A_190 to %scan3A_192 step %scan3A_193 iter_args(%scan3A_220 = %scan3A_187, %scan3A_221 = %scan3A_188, %scan3A_222 = %scan3A_189, %scan3A_223 = %add3A_186) -> (i32, i32, i32, vector<16xi32>)  : i32 {
      %mul3A_224 = arith.constant 2 : i32
      %mul3A_225 = arith.muli %scan3A_219, %mul3A_224 : i32
      %add3A_226 = arith.constant 0 : i32
      %add3A_227 = arith.addi %mul3A_225, %add3A_226 : i32
      %lt3A_228 = arith.cmpi slt, %add3A_227, %add3A_19 : i32
      %convert_element_type3A_229 = arith.extui %lt3A_228 : i1 to i32
      %cond3A_230 = arith.constant 0 : i32
      %cond3A_231 = arith.cmpi ne, %convert_element_type3A_229, %cond3A_230 : i32
      %cond3A_232:4 = scf.if %cond3A_231 -> (i32, i32, i32, vector<16xi32>) {
        %dma_wait3A_242 = arith.constant 0 : i32
        %dma_wait3A_243 = arith.constant 0 : i32
        %dma_wait3A_244 = arith.constant 0 : i32
        %dma_wait3A_245 = tpu.memref_slice %arg11[%dma_wait3A_242, %dma_wait3A_243, %dma_wait3A_244] : memref<2x64x512xf32, #tpu.memory_space<vmem>> -> memref<1x64x512xf32, #tpu.memory_space<vmem>>
        %dma_wait3A_246 = tpu.memref_squeeze %dma_wait3A_245 : memref<1x64x512xf32, #tpu.memory_space<vmem>> -> memref<64x512xf32, #tpu.memory_space<vmem>>
        %dma_wait3A_247 = arith.constant 0 : i32
        %dma_wait3A_248 = arith.constant 0 : i32
        %dma_wait3A_249 = tpu.memref_slice %arg5[%dma_wait3A_247, %dma_wait3A_248] : memref<64x1000000xf32, #tpu.memory_space<hbm>> -> memref<64x512xf32, #tpu.memory_space<hbm>>
        %dma_wait3A_250 = arith.constant 0 : i32
        %dma_wait3A_251 = arith.constant 0 : i32
        %dma_wait3A_252 = tpu.memref_slice %arg11[%dma_wait3A_242, %dma_wait3A_250, %dma_wait3A_251] : memref<2x64x512xf32, #tpu.memory_space<vmem>> -> memref<1x64x512xf32, #tpu.memory_space<vmem>>
        %dma_wait3A_253 = tpu.memref_squeeze %dma_wait3A_252 : memref<1x64x512xf32, #tpu.memory_space<vmem>> -> memref<64x512xf32, #tpu.memory_space<vmem>>
        %dma_wait3A_254 = arith.constant 0 : i32
        %dma_wait3A_255 = arith.constant 0 : i32
        %dma_wait3A_256 = tpu.memref_slice %arg5[%dma_wait3A_254, %dma_wait3A_255] : memref<64x1000000xf32, #tpu.memory_space<hbm>> -> memref<64x512xf32, #tpu.memory_space<hbm>>
        tpu.wait_dma2 semaphore(%arg15 : memref<!tpu.dma_semaphore, #tpu.memory_space<semaphore_mem>>) src(%dma_wait3A_256 : memref<64x512xf32, #tpu.memory_space<hbm>>) dst(%dma_wait3A_253 : memref<64x512xf32, #tpu.memory_space<vmem>>)
        %add3A_257 = arith.addi %add3A_23, %add3A_227 : i32
        %mul3A_258 = arith.constant 512 : i32
        %mul3A_259 = arith.muli %add3A_257, %mul3A_258 : i32
        %add3A_260 = arith.addi %add3A_23, %add3A_227 : i32
        %mul3A_261 = arith.constant 512 : i32
        %mul3A_262 = arith.muli %add3A_260, %mul3A_261 : i32
        %min3A_263 = arith.constant 999552 : i32
        %min3A_264 = arith.minsi %mul3A_262, %min3A_263 : i32
        %while3A = arith.constant 0 : i32
        %while3A_265 = arith.subi %shift_right_arithmetic3A_181, %while3A : i32
        %while3A_266 = arith.addi %while3A, %while3A_265 : i32
        %while3A_267 = arith.constant 1 : i32
        %while3A_268 = arith.divsi %while3A_265, %while3A_267 : i32
        %while3A_269 = arith.muli %while3A_268, %while3A_267 : i32
        %while3A_270 = arith.addi %while3A, %while3A_269 : i32
        %while3A_271 = arith.constant 1 : i32
        %while3A_272:4 = scf.for %while3A_281 = %while3A to %while3A_270 step %while3A_271 iter_args(%while3A_282 = %scan3A_220, %while3A_283 = %scan3A_221, %while3A_284 = %scan3A_222, %while3A_285 = %scan3A_223) -> (i32, i32, i32, vector<16xi32>)  : i32 {
          %mul3A_286 = arith.constant 16 : i32
          %mul3A_287 = arith.muli %while3A_281, %mul3A_286 : i32
          %get3A = arith.index_cast %mul3A_287 : i32 to index
          %get3A_288 = tpu.vector_load %arg9[%get3A] {strides = array<i32>} : memref<16400xi32, #tpu.memory_space<vmem>>, vector<16xi32>,
          %mul3A_289 = arith.constant 16 : i32
          %mul3A_290 = arith.muli %while3A_281, %mul3A_289 : i32
          %get3A_291 = arith.index_cast %mul3A_290 : i32 to index
          %get3A_292 = tpu.vector_load %arg10[%get3A_291] {strides = array<i32>} : memref<16400xi32, #tpu.memory_space<vmem>>, vector<16xi32>,
          %ge3A_293 = vector.broadcast %mul3A_259 : i32 to vector<16xi32>
          %ge3A_294 = arith.cmpi sge, %get3A_288, %ge3A_293 : vector<16xi32>
          %add3A_295 = arith.constant 512 : i32
          %add3A_296 = arith.addi %mul3A_259, %add3A_295 : i32
          %lt3A_297 = vector.broadcast %add3A_296 : i32 to vector<16xi32>
          %lt3A_298 = arith.cmpi slt, %get3A_288, %lt3A_297 : vector<16xi32>
          %and3A = arith.andi %ge3A_294, %lt3A_298 : vector<16xi1>
          %swap3A_299 = arith.constant 0 : index
          %swap3A_300 = tpu.vector_load %arg13[%swap3A_299] masked %and3A {strides = array<i32>} : memref<16xi32, #tpu.memory_space<vmem>>, vector<16xi32>, vector<16xi1>
          tpu.vector_store %arg13[%swap3A_299], %get3A_288 masked %and3A {strides = array<i32>} : memref<16xi32, #tpu.memory_space<vmem>>, vector<16xi32>, vector<16xi1>
          %swap3A_301 = arith.constant 0 : index
          %swap3A_302 = tpu.vector_load %arg14[%swap3A_301] masked %and3A {strides = array<i32>} : memref<16xi32, #tpu.memory_space<vmem>>, vector<16xi32>, vector<16xi1>
          tpu.vector_store %arg14[%swap3A_301], %get3A_292 masked %and3A {strides = array<i32>} : memref<16xi32, #tpu.memory_space<vmem>>, vector<16xi32>, vector<16xi1>
          %all_reduce_population_count3A = tpu.all_reduce %and3A {dim = 0 : i64, kind = #tpu.reduction_kind<sum>} : vector<16xi1> -> vector<16xi32>
          %eq3A = arith.constant 0 : i32
          %eq3A_303 = vector.broadcast %eq3A : i32 to vector<16xi32>
          %eq3A_304 = arith.cmpi eq, %iota3A, %eq3A_303 : vector<16xi32>
          %jit3A_305 = arith.constant 0 : i32
          %broadcast_in_dim3A_306 = vector.broadcast %jit3A_305 : i32 to vector<16xi32>
          %select_n3A_307 = arith.select %eq3A_304, %all_reduce_population_count3A, %broadcast_in_dim3A_306 : vector<16xi1>, vector<16xi32>
          %reduce_sum3A = arith.constant true
          %reduce_sum3A_308 = vector.broadcast %reduce_sum3A : i1 to vector<16xi1>
          %reduce_sum3A_309 = tpu.scan <sum>, %select_n3A_307 masked %reduce_sum3A_308 : vector<16xi32>, vector<16xi1> -> vector<16xi32>
          %reduce_sum3A_310 = vector.extract %reduce_sum3A_309[15] : i32 from vector<16xi32>
          %while3A_311 = arith.constant 0 : i32
          %while3A_312 = arith.subi %reduce_sum3A_310, %while3A_311 : i32
          %while3A_313 = arith.addi %while3A_311, %while3A_312 : i32
          %while3A_314 = arith.constant 1 : i32
          %while3A_315 = arith.divsi %while3A_312, %while3A_314 : i32
          %while3A_316 = arith.muli %while3A_315, %while3A_314 : i32
          %while3A_317 = arith.addi %while3A_311, %while3A_316 : i32
          %while3A_318 = arith.constant 1 : i32
          %while3A_319:4 = scf.for %while3A_322 = %while3A_311 to %while3A_317 step %while3A_318 iter_args(%while3A_323 = %while3A_282, %while3A_324 = %while3A_283, %while3A_325 = %while3A_284, %while3A_326 = %while3A_285) -> (i32, i32, i32, vector<16xi32>)  : i32 {
            %broadcast_in_dim3A_327 = arith.constant 0 : i32
            %broadcast_in_dim3A_328 = vector.broadcast %broadcast_in_dim3A_327 : i32 to vector<16xi32>
            %add3A_329 = vector.broadcast %while3A_322 : i32 to vector<16xi32>
            %add3A_330 = arith.addi %broadcast_in_dim3A_328, %add3A_329 : vector<16xi32>
            %gather3A = arith.constant 0 : i32
            %gather3A_331 = tpu.memref_slice %arg13[%gather3A] : memref<16xi32, #tpu.memory_space<vmem>> -> memref<16xi32, #tpu.memory_space<vmem>>
            %gather3A_332 = tpu.vector_load_idx %gather3A_331[%add3A_330] : memref<16xi32, #tpu.memory_space<vmem>>[vector<16xi32>], vector<16xi32>,
            %gather3A_333 = arith.constant 0 : i32
            %gather3A_334 = tpu.memref_slice %arg14[%gather3A_333] : memref<16xi32, #tpu.memory_space<vmem>> -> memref<16xi32, #tpu.memory_space<vmem>>
            %gather3A_335 = tpu.vector_load_idx %gather3A_334[%add3A_330] : memref<16xi32, #tpu.memory_space<vmem>>[vector<16xi32>], vector<16xi32>,
            %sub3A_336 = vector.broadcast %min3A_264 : i32 to vector<16xi32>
            %sub3A_337 = arith.subi %gather3A_332, %sub3A_336 : vector<16xi32>
            %mul3A_338 = arith.constant 16 : i32
            %mul3A_339 = arith.muli %while3A_324, %mul3A_338 : i32
            %add3A_340 = arith.addi %mul3A_339, %while3A_323 : i32
            %gather3A_341 = arith.constant 0 : i32
            %gather3A_342 = arith.constant 0 : i32
            %gather3A_343 = arith.constant 0 : i32
            %gather3A_344 = tpu.memref_slice %arg11[%gather3A_341, %gather3A_342, %gather3A_343] : memref<2x64x512xf32, #tpu.memory_space<vmem>> -> memref<1x64x512xf32, #tpu.memory_space<vmem>>
            %gather3A_345 = tpu.memref_squeeze %gather3A_344 : memref<1x64x512xf32, #tpu.memory_space<vmem>> -> memref<64x512xf32, #tpu.memory_space<vmem>>
            %gather3A_346 = tpu.vector_load_idx %gather3A_345[%add3A_4, %sub3A_337] : memref<64x512xf32, #tpu.memory_space<vmem>>[vector<16xi32>, vector<16xi32>], vector<16xf32>,
            %swap3A_347 = arith.index_cast %add3A_340 : i32 to index
            %swap3A_348 = arith.constant 0 : index
            %swap3A_349 = tpu.vector_load %arg12[%swap3A_347, %swap3A_348] {strides = array<i32>} : memref<32x128xf32, #tpu.memory_space<vmem>>, vector<16xf32>,
            tpu.vector_store %arg12[%swap3A_347, %swap3A_348], %gather3A_346 {strides = array<i32>} : memref<32x128xf32, #tpu.memory_space<vmem>>, vector<16xf32>,
            %gather3A_350 = arith.constant 0 : i32
            %gather3A_351 = arith.constant 0 : i32
            %gather3A_352 = arith.constant 0 : i32
            %gather3A_353 = tpu.memref_slice %arg11[%gather3A_350, %gather3A_351, %gather3A_352] : memref<2x64x512xf32, #tpu.memory_space<vmem>> -> memref<1x64x512xf32, #tpu.memory_space<vmem>>
            %gather3A_354 = tpu.memref_squeeze %gather3A_353 : memref<1x64x512xf32, #tpu.memory_space<vmem>> -> memref<64x512xf32, #tpu.memory_space<vmem>>
            %gather3A_355 = tpu.vector_load_idx %gather3A_354[%add3A_8, %sub3A_337] : memref<64x512xf32, #tpu.memory_space<vmem>>[vector<16xi32>, vector<16xi32>], vector<16xf32>,
            %swap3A_356 = arith.index_cast %add3A_340 : i32 to index
            %swap3A_357 = arith.constant 16 : index
            %swap3A_358 = tpu.vector_load %arg12[%swap3A_356, %swap3A_357] {strides = array<i32>} : memref<32x128xf32, #tpu.memory_space<vmem>>, vector<16xf32>,
            tpu.vector_store %arg12[%swap3A_356, %swap3A_357], %gather3A_355 {strides = array<i32>} : memref<32x128xf32, #tpu.memory_space<vmem>>, vector<16xf32>,
            %gather3A_359 = arith.constant 0 : i32
            %gather3A_360 = arith.constant 0 : i32
            %gather3A_361 = arith.constant 0 : i32
            %gather3A_362 = tpu.memref_slice %arg11[%gather3A_359, %gather3A_360, %gather3A_361] : memref<2x64x512xf32, #tpu.memory_space<vmem>> -> memref<1x64x512xf32, #tpu.memory_space<vmem>>
            %gather3A_363 = tpu.memref_squeeze %gather3A_362 : memref<1x64x512xf32, #tpu.memory_space<vmem>> -> memref<64x512xf32, #tpu.memory_space<vmem>>
            %gather3A_364 = tpu.vector_load_idx %gather3A_363[%add3A_12, %sub3A_337] : memref<64x512xf32, #tpu.memory_space<vmem>>[vector<16xi32>, vector<16xi32>], vector<16xf32>,
            %swap3A_365 = arith.index_cast %add3A_340 : i32 to index
            %swap3A_366 = arith.constant 32 : index
            %swap3A_367 = tpu.vector_load %arg12[%swap3A_365, %swap3A_366] {strides = array<i32>} : memref<32x128xf32, #tpu.memory_space<vmem>>, vector<16xf32>,
            tpu.vector_store %arg12[%swap3A_365, %swap3A_366], %gather3A_364 {strides = array<i32>} : memref<32x128xf32, #tpu.memory_space<vmem>>, vector<16xf32>,
            %gather3A_368 = arith.constant 0 : i32
            %gather3A_369 = arith.constant 0 : i32
            %gather3A_370 = arith.constant 0 : i32
            %gather3A_371 = tpu.memref_slice %arg11[%gather3A_368, %gather3A_369, %gather3A_370] : memref<2x64x512xf32, #tpu.memory_space<vmem>> -> memref<1x64x512xf32, #tpu.memory_space<vmem>>
            %gather3A_372 = tpu.memref_squeeze %gather3A_371 : memref<1x64x512xf32, #tpu.memory_space<vmem>> -> memref<64x512xf32, #tpu.memory_space<vmem>>
            %gather3A_373 = tpu.vector_load_idx %gather3A_372[%add3A_16, %sub3A_337] : memref<64x512xf32, #tpu.memory_space<vmem>>[vector<16xi32>, vector<16xi32>], vector<16xf32>,
            %swap3A_374 = arith.index_cast %add3A_340 : i32 to index
            %swap3A_375 = arith.constant 48 : index
            %swap3A_376 = tpu.vector_load %arg12[%swap3A_374, %swap3A_375] {strides = array<i32>} : memref<32x128xf32, #tpu.memory_space<vmem>>, vector<16xf32>,
            tpu.vector_store %arg12[%swap3A_374, %swap3A_375], %gather3A_373 {strides = array<i32>} : memref<32x128xf32, #tpu.memory_space<vmem>>, vector<16xf32>,
            %eq3A_377 = vector.broadcast %while3A_323 : i32 to vector<16xi32>
            %eq3A_378 = arith.cmpi eq, %iota3A, %eq3A_377 : vector<16xi32>
            %select_n3A_379 = arith.select %eq3A_378, %gather3A_335, %while3A_326 : vector<16xi1>, vector<16xi32>
            %add3A_380 = arith.constant 1 : i32
            %add3A_381 = arith.addi %while3A_323, %add3A_380 : i32
            %eq3A_382 = arith.constant 16 : i32
            %eq3A_383 = arith.cmpi eq, %add3A_381, %eq3A_382 : i32
            %gt3A_384 = arith.constant 0 : i32
            %gt3A_385 = arith.cmpi sgt, %while3A_325, %gt3A_384 : i32
            %and3A_386 = arith.andi %eq3A_383, %gt3A_385 : i1
            %convert_element_type3A_387 = arith.extui %and3A_386 : i1 to i32
            %cond3A_388 = arith.constant 0 : i32
            %cond3A_389 = arith.cmpi ne, %convert_element_type3A_387, %cond3A_388 : i32
            scf.if %cond3A_389 {
              %dma_wait3A_401 = arith.constant 0 : i32
              %dma_wait3A_402 = arith.constant 0 : i32
              %dma_wait3A_403 = tpu.memref_slice %arg12[%dma_wait3A_401, %dma_wait3A_402] : memref<32x128xf32, #tpu.memory_space<vmem>> -> memref<16x128xf32, #tpu.memory_space<vmem>>
              %dma_wait3A_404 = arith.constant 0 : i32
              %dma_wait3A_405 = arith.constant 0 : i32
              %dma_wait3A_406 = tpu.memref_slice %arg7[%dma_wait3A_404, %dma_wait3A_405] : memref<16392x128xf32, #tpu.memory_space<hbm>> -> memref<16x128xf32, #tpu.memory_space<hbm>>
              %dma_wait3A_407 = arith.constant 0 : i32
              %dma_wait3A_408 = arith.constant 0 : i32
              %dma_wait3A_409 = tpu.memref_slice %arg7[%dma_wait3A_407, %dma_wait3A_408] : memref<16392x128xf32, #tpu.memory_space<hbm>> -> memref<16x128xf32, #tpu.memory_space<hbm>>
              %dma_wait3A_410 = arith.constant 0 : i32
              %dma_wait3A_411 = arith.constant 0 : i32
              %dma_wait3A_412 = tpu.memref_slice %arg12[%dma_wait3A_410, %dma_wait3A_411] : memref<32x128xf32, #tpu.memory_space<vmem>> -> memref<16x128xf32, #tpu.memory_space<vmem>>
              tpu.wait_dma2 semaphore(%arg17 : memref<!tpu.dma_semaphore, #tpu.memory_space<semaphore_mem>>) src(%dma_wait3A_412 : memref<16x128xf32, #tpu.memory_space<vmem>>) dst(%dma_wait3A_409 : memref<16x128xf32, #tpu.memory_space<hbm>>)
            } else {
            }
            %convert_element_type3A_390 = arith.extui %eq3A_383 : i1 to i32
            %cond3A_391 = arith.constant 0 : i32
            %cond3A_392 = arith.cmpi ne, %convert_element_type3A_390, %cond3A_391 : i32
            scf.if %cond3A_392 {
              %mul3A_401 = arith.constant 16 : i32
              %mul3A_402 = arith.muli %while3A_324, %mul3A_401 : i32
              %multiple_of3A_403 = tpu.assume_multiple %mul3A_402, 16 : i32
              %dma_start3A_404 = arith.constant 0 : i32
              %dma_start3A_405 = tpu.memref_slice %arg12[%multiple_of3A_403, %dma_start3A_404] : memref<32x128xf32, #tpu.memory_space<vmem>> -> memref<16x128xf32, #tpu.memory_space<vmem>>
              %dma_start3A_406 = arith.constant 0 : i32
              %dma_start3A_407 = arith.constant 0 : i32
              %dma_start3A_408 = tpu.memref_slice %arg7[%dma_start3A_406, %dma_start3A_407] : memref<16392x128xf32, #tpu.memory_space<hbm>> -> memref<16392x128xf32, #tpu.memory_space<hbm>>
              tpu.enqueue_indirect_dma source(%dma_start3A_405 : memref<16x128xf32, #tpu.memory_space<vmem>>) target(%dma_start3A_408 : memref<16392x128xf32, #tpu.memory_space<hbm>>) offsets(%select_n3A_379 : vector<16xi32>) semaphore(%arg17 : memref<!tpu.dma_semaphore, #tpu.memory_space<semaphore_mem>>)
            } else {
            }
            %select_n3A_393 = arith.constant 0 : i32
            %select_n3A_394 = arith.select %eq3A_383, %select_n3A_393, %add3A_381 : i32
            %sub3A_395 = arith.constant 1 : i32
            %sub3A_396 = arith.subi %sub3A_395, %while3A_324 : i32
            %select_n3A_397 = arith.select %eq3A_383, %sub3A_396, %while3A_324 : i32
            %add3A_398 = arith.constant 1 : i32
            %add3A_399 = arith.addi %while3A_325, %add3A_398 : i32
            %select_n3A_400 = arith.select %eq3A_383, %add3A_399, %while3A_325 : i32
            scf.yield %select_n3A_394, %select_n3A_397, %select_n3A_400, %select_n3A_379 : i32, i32, i32, vector<16xi32>
          }
          %while3A_320 = arith.constant 1 : i32
          %while3A_321:4 = scf.for %while3A_322 = %while3A_317 to %while3A_313 step %while3A_320 iter_args(%while3A_323 = %while3A_319#0, %while3A_324 = %while3A_319#1, %while3A_325 = %while3A_319#2, %while3A_326 = %while3A_319#3) -> (i32, i32, i32, vector<16xi32>)  : i32 {
            %broadcast_in_dim3A_327 = arith.constant 0 : i32
            %broadcast_in_dim3A_328 = vector.broadcast %broadcast_in_dim3A_327 : i32 to vector<16xi32>
            %add3A_329 = vector.broadcast %while3A_322 : i32 to vector<16xi32>
            %add3A_330 = arith.addi %broadcast_in_dim3A_328, %add3A_329 : vector<16xi32>
            %gather3A = arith.constant 0 : i32
            %gather3A_331 = tpu.memref_slice %arg13[%gather3A] : memref<16xi32, #tpu.memory_space<vmem>> -> memref<16xi32, #tpu.memory_space<vmem>>
            %gather3A_332 = tpu.vector_load_idx %gather3A_331[%add3A_330] : memref<16xi32, #tpu.memory_space<vmem>>[vector<16xi32>], vector<16xi32>,
            %gather3A_333 = arith.constant 0 : i32
            %gather3A_334 = tpu.memref_slice %arg14[%gather3A_333] : memref<16xi32, #tpu.memory_space<vmem>> -> memref<16xi32, #tpu.memory_space<vmem>>
            %gather3A_335 = tpu.vector_load_idx %gather3A_334[%add3A_330] : memref<16xi32, #tpu.memory_space<vmem>>[vector<16xi32>], vector<16xi32>,
            %sub3A_336 = vector.broadcast %min3A_264 : i32 to vector<16xi32>
            %sub3A_337 = arith.subi %gather3A_332, %sub3A_336 : vector<16xi32>
            %mul3A_338 = arith.constant 16 : i32
            %mul3A_339 = arith.muli %while3A_324, %mul3A_338 : i32
            %add3A_340 = arith.addi %mul3A_339, %while3A_323 : i32
            %gather3A_341 = arith.constant 0 : i32
            %gather3A_342 = arith.constant 0 : i32
            %gather3A_343 = arith.constant 0 : i32
            %gather3A_344 = tpu.memref_slice %arg11[%gather3A_341, %gather3A_342, %gather3A_343] : memref<2x64x512xf32, #tpu.memory_space<vmem>> -> memref<1x64x512xf32, #tpu.memory_space<vmem>>
            %gather3A_345 = tpu.memref_squeeze %gather3A_344 : memref<1x64x512xf32, #tpu.memory_space<vmem>> -> memref<64x512xf32, #tpu.memory_space<vmem>>
            %gather3A_346 = tpu.vector_load_idx %gather3A_345[%add3A_4, %sub3A_337] : memref<64x512xf32, #tpu.memory_space<vmem>>[vector<16xi32>, vector<16xi32>], vector<16xf32>,
            %swap3A_347 = arith.index_cast %add3A_340 : i32 to index
            %swap3A_348 = arith.constant 0 : index
            %swap3A_349 = tpu.vector_load %arg12[%swap3A_347, %swap3A_348] {strides = array<i32>} : memref<32x128xf32, #tpu.memory_space<vmem>>, vector<16xf32>,
            tpu.vector_store %arg12[%swap3A_347, %swap3A_348], %gather3A_346 {strides = array<i32>} : memref<32x128xf32, #tpu.memory_space<vmem>>, vector<16xf32>,
            %gather3A_350 = arith.constant 0 : i32
            %gather3A_351 = arith.constant 0 : i32
            %gather3A_352 = arith.constant 0 : i32
            %gather3A_353 = tpu.memref_slice %arg11[%gather3A_350, %gather3A_351, %gather3A_352] : memref<2x64x512xf32, #tpu.memory_space<vmem>> -> memref<1x64x512xf32, #tpu.memory_space<vmem>>
            %gather3A_354 = tpu.memref_squeeze %gather3A_353 : memref<1x64x512xf32, #tpu.memory_space<vmem>> -> memref<64x512xf32, #tpu.memory_space<vmem>>
            %gather3A_355 = tpu.vector_load_idx %gather3A_354[%add3A_8, %sub3A_337] : memref<64x512xf32, #tpu.memory_space<vmem>>[vector<16xi32>, vector<16xi32>], vector<16xf32>,
            %swap3A_356 = arith.index_cast %add3A_340 : i32 to index
            %swap3A_357 = arith.constant 16 : index
            %swap3A_358 = tpu.vector_load %arg12[%swap3A_356, %swap3A_357] {strides = array<i32>} : memref<32x128xf32, #tpu.memory_space<vmem>>, vector<16xf32>,
            tpu.vector_store %arg12[%swap3A_356, %swap3A_357], %gather3A_355 {strides = array<i32>} : memref<32x128xf32, #tpu.memory_space<vmem>>, vector<16xf32>,
            %gather3A_359 = arith.constant 0 : i32
            %gather3A_360 = arith.constant 0 : i32
            %gather3A_361 = arith.constant 0 : i32
            %gather3A_362 = tpu.memref_slice %arg11[%gather3A_359, %gather3A_360, %gather3A_361] : memref<2x64x512xf32, #tpu.memory_space<vmem>> -> memref<1x64x512xf32, #tpu.memory_space<vmem>>
            %gather3A_363 = tpu.memref_squeeze %gather3A_362 : memref<1x64x512xf32, #tpu.memory_space<vmem>> -> memref<64x512xf32, #tpu.memory_space<vmem>>
            %gather3A_364 = tpu.vector_load_idx %gather3A_363[%add3A_12, %sub3A_337] : memref<64x512xf32, #tpu.memory_space<vmem>>[vector<16xi32>, vector<16xi32>], vector<16xf32>,
            %swap3A_365 = arith.index_cast %add3A_340 : i32 to index
            %swap3A_366 = arith.constant 32 : index
            %swap3A_367 = tpu.vector_load %arg12[%swap3A_365, %swap3A_366] {strides = array<i32>} : memref<32x128xf32, #tpu.memory_space<vmem>>, vector<16xf32>,
            tpu.vector_store %arg12[%swap3A_365, %swap3A_366], %gather3A_364 {strides = array<i32>} : memref<32x128xf32, #tpu.memory_space<vmem>>, vector<16xf32>,
            %gather3A_368 = arith.constant 0 : i32
            %gather3A_369 = arith.constant 0 : i32
            %gather3A_370 = arith.constant 0 : i32
            %gather3A_371 = tpu.memref_slice %arg11[%gather3A_368, %gather3A_369, %gather3A_370] : memref<2x64x512xf32, #tpu.memory_space<vmem>> -> memref<1x64x512xf32, #tpu.memory_space<vmem>>
            %gather3A_372 = tpu.memref_squeeze %gather3A_371 : memref<1x64x512xf32, #tpu.memory_space<vmem>> -> memref<64x512xf32, #tpu.memory_space<vmem>>
            %gather3A_373 = tpu.vector_load_idx %gather3A_372[%add3A_16, %sub3A_337] : memref<64x512xf32, #tpu.memory_space<vmem>>[vector<16xi32>, vector<16xi32>], vector<16xf32>,
            %swap3A_374 = arith.index_cast %add3A_340 : i32 to index
            %swap3A_375 = arith.constant 48 : index
            %swap3A_376 = tpu.vector_load %arg12[%swap3A_374, %swap3A_375] {strides = array<i32>} : memref<32x128xf32, #tpu.memory_space<vmem>>, vector<16xf32>,
            tpu.vector_store %arg12[%swap3A_374, %swap3A_375], %gather3A_373 {strides = array<i32>} : memref<32x128xf32, #tpu.memory_space<vmem>>, vector<16xf32>,
            %eq3A_377 = vector.broadcast %while3A_323 : i32 to vector<16xi32>
            %eq3A_378 = arith.cmpi eq, %iota3A, %eq3A_377 : vector<16xi32>
            %select_n3A_379 = arith.select %eq3A_378, %gather3A_335, %while3A_326 : vector<16xi1>, vector<16xi32>
            %add3A_380 = arith.constant 1 : i32
            %add3A_381 = arith.addi %while3A_323, %add3A_380 : i32
            %eq3A_382 = arith.constant 16 : i32
            %eq3A_383 = arith.cmpi eq, %add3A_381, %eq3A_382 : i32
            %gt3A_384 = arith.constant 0 : i32
            %gt3A_385 = arith.cmpi sgt, %while3A_325, %gt3A_384 : i32
            %and3A_386 = arith.andi %eq3A_383, %gt3A_385 : i1
            %convert_element_type3A_387 = arith.extui %and3A_386 : i1 to i32
            %cond3A_388 = arith.constant 0 : i32
            %cond3A_389 = arith.cmpi ne, %convert_element_type3A_387, %cond3A_388 : i32
            scf.if %cond3A_389 {
              %dma_wait3A_401 = arith.constant 0 : i32
              %dma_wait3A_402 = arith.constant 0 : i32
              %dma_wait3A_403 = tpu.memref_slice %arg12[%dma_wait3A_401, %dma_wait3A_402] : memref<32x128xf32, #tpu.memory_space<vmem>> -> memref<16x128xf32, #tpu.memory_space<vmem>>
              %dma_wait3A_404 = arith.constant 0 : i32
              %dma_wait3A_405 = arith.constant 0 : i32
              %dma_wait3A_406 = tpu.memref_slice %arg7[%dma_wait3A_404, %dma_wait3A_405] : memref<16392x128xf32, #tpu.memory_space<hbm>> -> memref<16x128xf32, #tpu.memory_space<hbm>>
              %dma_wait3A_407 = arith.constant 0 : i32
              %dma_wait3A_408 = arith.constant 0 : i32
              %dma_wait3A_409 = tpu.memref_slice %arg7[%dma_wait3A_407, %dma_wait3A_408] : memref<16392x128xf32, #tpu.memory_space<hbm>> -> memref<16x128xf32, #tpu.memory_space<hbm>>
              %dma_wait3A_410 = arith.constant 0 : i32
              %dma_wait3A_411 = arith.constant 0 : i32
              %dma_wait3A_412 = tpu.memref_slice %arg12[%dma_wait3A_410, %dma_wait3A_411] : memref<32x128xf32, #tpu.memory_space<vmem>> -> memref<16x128xf32, #tpu.memory_space<vmem>>
              tpu.wait_dma2 semaphore(%arg17 : memref<!tpu.dma_semaphore, #tpu.memory_space<semaphore_mem>>) src(%dma_wait3A_412 : memref<16x128xf32, #tpu.memory_space<vmem>>) dst(%dma_wait3A_409 : memref<16x128xf32, #tpu.memory_space<hbm>>)
            } else {
            }
            %convert_element_type3A_390 = arith.extui %eq3A_383 : i1 to i32
            %cond3A_391 = arith.constant 0 : i32
            %cond3A_392 = arith.cmpi ne, %convert_element_type3A_390, %cond3A_391 : i32
            scf.if %cond3A_392 {
              %mul3A_401 = arith.constant 16 : i32
              %mul3A_402 = arith.muli %while3A_324, %mul3A_401 : i32
              %multiple_of3A_403 = tpu.assume_multiple %mul3A_402, 16 : i32
              %dma_start3A_404 = arith.constant 0 : i32
              %dma_start3A_405 = tpu.memref_slice %arg12[%multiple_of3A_403, %dma_start3A_404] : memref<32x128xf32, #tpu.memory_space<vmem>> -> memref<16x128xf32, #tpu.memory_space<vmem>>
              %dma_start3A_406 = arith.constant 0 : i32
              %dma_start3A_407 = arith.constant 0 : i32
              %dma_start3A_408 = tpu.memref_slice %arg7[%dma_start3A_406, %dma_start3A_407] : memref<16392x128xf32, #tpu.memory_space<hbm>> -> memref<16392x128xf32, #tpu.memory_space<hbm>>
              tpu.enqueue_indirect_dma source(%dma_start3A_405 : memref<16x128xf32, #tpu.memory_space<vmem>>) target(%dma_start3A_408 : memref<16392x128xf32, #tpu.memory_space<hbm>>) offsets(%select_n3A_379 : vector<16xi32>) semaphore(%arg17 : memref<!tpu.dma_semaphore, #tpu.memory_space<semaphore_mem>>)
            } else {
            }
            %select_n3A_393 = arith.constant 0 : i32
            %select_n3A_394 = arith.select %eq3A_383, %select_n3A_393, %add3A_381 : i32
            %sub3A_395 = arith.constant 1 : i32
            %sub3A_396 = arith.subi %sub3A_395, %while3A_324 : i32
            %select_n3A_397 = arith.select %eq3A_383, %sub3A_396, %while3A_324 : i32
            %add3A_398 = arith.constant 1 : i32
            %add3A_399 = arith.addi %while3A_325, %add3A_398 : i32
            %select_n3A_400 = arith.select %eq3A_383, %add3A_399, %while3A_325 : i32
            scf.yield %select_n3A_394, %select_n3A_397, %select_n3A_400, %select_n3A_379 : i32, i32, i32, vector<16xi32>
          }
          scf.yield %while3A_321#0, %while3A_321#1, %while3A_321#2, %while3A_321#3 : i32, i32, i32, vector<16xi32>
        }
        %while3A_273 = arith.constant 1 : i32
        %while3A_274:4 = scf.for %while3A_281 = %while3A_270 to %while3A_266 step %while3A_273 iter_args(%while3A_282 = %while3A_272#0, %while3A_283 = %while3A_272#1, %while3A_284 = %while3A_272#2, %while3A_285 = %while3A_272#3) -> (i32, i32, i32, vector<16xi32>)  : i32 {
          %mul3A_286 = arith.constant 16 : i32
          %mul3A_287 = arith.muli %while3A_281, %mul3A_286 : i32
          %get3A = arith.index_cast %mul3A_287 : i32 to index
          %get3A_288 = tpu.vector_load %arg9[%get3A] {strides = array<i32>} : memref<16400xi32, #tpu.memory_space<vmem>>, vector<16xi32>,
          %mul3A_289 = arith.constant 16 : i32
          %mul3A_290 = arith.muli %while3A_281, %mul3A_289 : i32
          %get3A_291 = arith.index_cast %mul3A_290 : i32 to index
          %get3A_292 = tpu.vector_load %arg10[%get3A_291] {strides = array<i32>} : memref<16400xi32, #tpu.memory_space<vmem>>, vector<16xi32>,
          %ge3A_293 = vector.broadcast %mul3A_259 : i32 to vector<16xi32>
          %ge3A_294 = arith.cmpi sge, %get3A_288, %ge3A_293 : vector<16xi32>
          %add3A_295 = arith.constant 512 : i32
          %add3A_296 = arith.addi %mul3A_259, %add3A_295 : i32
          %lt3A_297 = vector.broadcast %add3A_296 : i32 to vector<16xi32>
          %lt3A_298 = arith.cmpi slt, %get3A_288, %lt3A_297 : vector<16xi32>
          %and3A = arith.andi %ge3A_294, %lt3A_298 : vector<16xi1>
          %swap3A_299 = arith.constant 0 : index
          %swap3A_300 = tpu.vector_load %arg13[%swap3A_299] masked %and3A {strides = array<i32>} : memref<16xi32, #tpu.memory_space<vmem>>, vector<16xi32>, vector<16xi1>
          tpu.vector_store %arg13[%swap3A_299], %get3A_288 masked %and3A {strides = array<i32>} : memref<16xi32, #tpu.memory_space<vmem>>, vector<16xi32>, vector<16xi1>
          %swap3A_301 = arith.constant 0 : index
          %swap3A_302 = tpu.vector_load %arg14[%swap3A_301] masked %and3A {strides = array<i32>} : memref<16xi32, #tpu.memory_space<vmem>>, vector<16xi32>, vector<16xi1>
          tpu.vector_store %arg14[%swap3A_301], %get3A_292 masked %and3A {strides = array<i32>} : memref<16xi32, #tpu.memory_space<vmem>>, vector<16xi32>, vector<16xi1>
          %all_reduce_population_count3A = tpu.all_reduce %and3A {dim = 0 : i64, kind = #tpu.reduction_kind<sum>} : vector<16xi1> -> vector<16xi32>
          %eq3A = arith.constant 0 : i32
          %eq3A_303 = vector.broadcast %eq3A : i32 to vector<16xi32>
          %eq3A_304 = arith.cmpi eq, %iota3A, %eq3A_303 : vector<16xi32>
          %jit3A_305 = arith.constant 0 : i32
          %broadcast_in_dim3A_306 = vector.broadcast %jit3A_305 : i32 to vector<16xi32>
          %select_n3A_307 = arith.select %eq3A_304, %all_reduce_population_count3A, %broadcast_in_dim3A_306 : vector<16xi1>, vector<16xi32>
          %reduce_sum3A = arith.constant true
          %reduce_sum3A_308 = vector.broadcast %reduce_sum3A : i1 to vector<16xi1>
          %reduce_sum3A_309 = tpu.scan <sum>, %select_n3A_307 masked %reduce_sum3A_308 : vector<16xi32>, vector<16xi1> -> vector<16xi32>
          %reduce_sum3A_310 = vector.extract %reduce_sum3A_309[15] : i32 from vector<16xi32>
          %while3A_311 = arith.constant 0 : i32
          %while3A_312 = arith.subi %reduce_sum3A_310, %while3A_311 : i32
          %while3A_313 = arith.addi %while3A_311, %while3A_312 : i32
          %while3A_314 = arith.constant 1 : i32
          %while3A_315 = arith.divsi %while3A_312, %while3A_314 : i32
          %while3A_316 = arith.muli %while3A_315, %while3A_314 : i32
          %while3A_317 = arith.addi %while3A_311, %while3A_316 : i32
          %while3A_318 = arith.constant 1 : i32
          %while3A_319:4 = scf.for %while3A_322 = %while3A_311 to %while3A_317 step %while3A_318 iter_args(%while3A_323 = %while3A_282, %while3A_324 = %while3A_283, %while3A_325 = %while3A_284, %while3A_326 = %while3A_285) -> (i32, i32, i32, vector<16xi32>)  : i32 {
            %broadcast_in_dim3A_327 = arith.constant 0 : i32
            %broadcast_in_dim3A_328 = vector.broadcast %broadcast_in_dim3A_327 : i32 to vector<16xi32>
            %add3A_329 = vector.broadcast %while3A_322 : i32 to vector<16xi32>
            %add3A_330 = arith.addi %broadcast_in_dim3A_328, %add3A_329 : vector<16xi32>
            %gather3A = arith.constant 0 : i32
            %gather3A_331 = tpu.memref_slice %arg13[%gather3A] : memref<16xi32, #tpu.memory_space<vmem>> -> memref<16xi32, #tpu.memory_space<vmem>>
            %gather3A_332 = tpu.vector_load_idx %gather3A_331[%add3A_330] : memref<16xi32, #tpu.memory_space<vmem>>[vector<16xi32>], vector<16xi32>,
            %gather3A_333 = arith.constant 0 : i32
            %gather3A_334 = tpu.memref_slice %arg14[%gather3A_333] : memref<16xi32, #tpu.memory_space<vmem>> -> memref<16xi32, #tpu.memory_space<vmem>>
            %gather3A_335 = tpu.vector_load_idx %gather3A_334[%add3A_330] : memref<16xi32, #tpu.memory_space<vmem>>[vector<16xi32>], vector<16xi32>,
            %sub3A_336 = vector.broadcast %min3A_264 : i32 to vector<16xi32>
            %sub3A_337 = arith.subi %gather3A_332, %sub3A_336 : vector<16xi32>
            %mul3A_338 = arith.constant 16 : i32
            %mul3A_339 = arith.muli %while3A_324, %mul3A_338 : i32
            %add3A_340 = arith.addi %mul3A_339, %while3A_323 : i32
            %gather3A_341 = arith.constant 0 : i32
            %gather3A_342 = arith.constant 0 : i32
            %gather3A_343 = arith.constant 0 : i32
            %gather3A_344 = tpu.memref_slice %arg11[%gather3A_341, %gather3A_342, %gather3A_343] : memref<2x64x512xf32, #tpu.memory_space<vmem>> -> memref<1x64x512xf32, #tpu.memory_space<vmem>>
            %gather3A_345 = tpu.memref_squeeze %gather3A_344 : memref<1x64x512xf32, #tpu.memory_space<vmem>> -> memref<64x512xf32, #tpu.memory_space<vmem>>
            %gather3A_346 = tpu.vector_load_idx %gather3A_345[%add3A_4, %sub3A_337] : memref<64x512xf32, #tpu.memory_space<vmem>>[vector<16xi32>, vector<16xi32>], vector<16xf32>,
            %swap3A_347 = arith.index_cast %add3A_340 : i32 to index
            %swap3A_348 = arith.constant 0 : index
            %swap3A_349 = tpu.vector_load %arg12[%swap3A_347, %swap3A_348] {strides = array<i32>} : memref<32x128xf32, #tpu.memory_space<vmem>>, vector<16xf32>,
            tpu.vector_store %arg12[%swap3A_347, %swap3A_348], %gather3A_346 {strides = array<i32>} : memref<32x128xf32, #tpu.memory_space<vmem>>, vector<16xf32>,
            %gather3A_350 = arith.constant 0 : i32
            %gather3A_351 = arith.constant 0 : i32
            %gather3A_352 = arith.constant 0 : i32
            %gather3A_353 = tpu.memref_slice %arg11[%gather3A_350, %gather3A_351, %gather3A_352] : memref<2x64x512xf32, #tpu.memory_space<vmem>> -> memref<1x64x512xf32, #tpu.memory_space<vmem>>
            %gather3A_354 = tpu.memref_squeeze %gather3A_353 : memref<1x64x512xf32, #tpu.memory_space<vmem>> -> memref<64x512xf32, #tpu.memory_space<vmem>>
            %gather3A_355 = tpu.vector_load_idx %gather3A_354[%add3A_8, %sub3A_337] : memref<64x512xf32, #tpu.memory_space<vmem>>[vector<16xi32>, vector<16xi32>], vector<16xf32>,
            %swap3A_356 = arith.index_cast %add3A_340 : i32 to index
            %swap3A_357 = arith.constant 16 : index
            %swap3A_358 = tpu.vector_load %arg12[%swap3A_356, %swap3A_357] {strides = array<i32>} : memref<32x128xf32, #tpu.memory_space<vmem>>, vector<16xf32>,
            tpu.vector_store %arg12[%swap3A_356, %swap3A_357], %gather3A_355 {strides = array<i32>} : memref<32x128xf32, #tpu.memory_space<vmem>>, vector<16xf32>,
            %gather3A_359 = arith.constant 0 : i32
            %gather3A_360 = arith.constant 0 : i32
            %gather3A_361 = arith.constant 0 : i32
            %gather3A_362 = tpu.memref_slice %arg11[%gather3A_359, %gather3A_360, %gather3A_361] : memref<2x64x512xf32, #tpu.memory_space<vmem>> -> memref<1x64x512xf32, #tpu.memory_space<vmem>>
            %gather3A_363 = tpu.memref_squeeze %gather3A_362 : memref<1x64x512xf32, #tpu.memory_space<vmem>> -> memref<64x512xf32, #tpu.memory_space<vmem>>
            %gather3A_364 = tpu.vector_load_idx %gather3A_363[%add3A_12, %sub3A_337] : memref<64x512xf32, #tpu.memory_space<vmem>>[vector<16xi32>, vector<16xi32>], vector<16xf32>,
            %swap3A_365 = arith.index_cast %add3A_340 : i32 to index
            %swap3A_366 = arith.constant 32 : index
            %swap3A_367 = tpu.vector_load %arg12[%swap3A_365, %swap3A_366] {strides = array<i32>} : memref<32x128xf32, #tpu.memory_space<vmem>>, vector<16xf32>,
            tpu.vector_store %arg12[%swap3A_365, %swap3A_366], %gather3A_364 {strides = array<i32>} : memref<32x128xf32, #tpu.memory_space<vmem>>, vector<16xf32>,
            %gather3A_368 = arith.constant 0 : i32
            %gather3A_369 = arith.constant 0 : i32
            %gather3A_370 = arith.constant 0 : i32
            %gather3A_371 = tpu.memref_slice %arg11[%gather3A_368, %gather3A_369, %gather3A_370] : memref<2x64x512xf32, #tpu.memory_space<vmem>> -> memref<1x64x512xf32, #tpu.memory_space<vmem>>
            %gather3A_372 = tpu.memref_squeeze %gather3A_371 : memref<1x64x512xf32, #tpu.memory_space<vmem>> -> memref<64x512xf32, #tpu.memory_space<vmem>>
            %gather3A_373 = tpu.vector_load_idx %gather3A_372[%add3A_16, %sub3A_337] : memref<64x512xf32, #tpu.memory_space<vmem>>[vector<16xi32>, vector<16xi32>], vector<16xf32>,
            %swap3A_374 = arith.index_cast %add3A_340 : i32 to index
            %swap3A_375 = arith.constant 48 : index
            %swap3A_376 = tpu.vector_load %arg12[%swap3A_374, %swap3A_375] {strides = array<i32>} : memref<32x128xf32, #tpu.memory_space<vmem>>, vector<16xf32>,
            tpu.vector_store %arg12[%swap3A_374, %swap3A_375], %gather3A_373 {strides = array<i32>} : memref<32x128xf32, #tpu.memory_space<vmem>>, vector<16xf32>,
            %eq3A_377 = vector.broadcast %while3A_323 : i32 to vector<16xi32>
            %eq3A_378 = arith.cmpi eq, %iota3A, %eq3A_377 : vector<16xi32>
            %select_n3A_379 = arith.select %eq3A_378, %gather3A_335, %while3A_326 : vector<16xi1>, vector<16xi32>
            %add3A_380 = arith.constant 1 : i32
            %add3A_381 = arith.addi %while3A_323, %add3A_380 : i32
            %eq3A_382 = arith.constant 16 : i32
            %eq3A_383 = arith.cmpi eq, %add3A_381, %eq3A_382 : i32
            %gt3A_384 = arith.constant 0 : i32
            %gt3A_385 = arith.cmpi sgt, %while3A_325, %gt3A_384 : i32
            %and3A_386 = arith.andi %eq3A_383, %gt3A_385 : i1
            %convert_element_type3A_387 = arith.extui %and3A_386 : i1 to i32
            %cond3A_388 = arith.constant 0 : i32
            %cond3A_389 = arith.cmpi ne, %convert_element_type3A_387, %cond3A_388 : i32
            scf.if %cond3A_389 {
              %dma_wait3A_401 = arith.constant 0 : i32
              %dma_wait3A_402 = arith.constant 0 : i32
              %dma_wait3A_403 = tpu.memref_slice %arg12[%dma_wait3A_401, %dma_wait3A_402] : memref<32x128xf32, #tpu.memory_space<vmem>> -> memref<16x128xf32, #tpu.memory_space<vmem>>
              %dma_wait3A_404 = arith.constant 0 : i32
              %dma_wait3A_405 = arith.constant 0 : i32
              %dma_wait3A_406 = tpu.memref_slice %arg7[%dma_wait3A_404, %dma_wait3A_405] : memref<16392x128xf32, #tpu.memory_space<hbm>> -> memref<16x128xf32, #tpu.memory_space<hbm>>
              %dma_wait3A_407 = arith.constant 0 : i32
              %dma_wait3A_408 = arith.constant 0 : i32
              %dma_wait3A_409 = tpu.memref_slice %arg7[%dma_wait3A_407, %dma_wait3A_408] : memref<16392x128xf32, #tpu.memory_space<hbm>> -> memref<16x128xf32, #tpu.memory_space<hbm>>
              %dma_wait3A_410 = arith.constant 0 : i32
              %dma_wait3A_411 = arith.constant 0 : i32
              %dma_wait3A_412 = tpu.memref_slice %arg12[%dma_wait3A_410, %dma_wait3A_411] : memref<32x128xf32, #tpu.memory_space<vmem>> -> memref<16x128xf32, #tpu.memory_space<vmem>>
              tpu.wait_dma2 semaphore(%arg17 : memref<!tpu.dma_semaphore, #tpu.memory_space<semaphore_mem>>) src(%dma_wait3A_412 : memref<16x128xf32, #tpu.memory_space<vmem>>) dst(%dma_wait3A_409 : memref<16x128xf32, #tpu.memory_space<hbm>>)
            } else {
            }
            %convert_element_type3A_390 = arith.extui %eq3A_383 : i1 to i32
            %cond3A_391 = arith.constant 0 : i32
            %cond3A_392 = arith.cmpi ne, %convert_element_type3A_390, %cond3A_391 : i32
            scf.if %cond3A_392 {
              %mul3A_401 = arith.constant 16 : i32
              %mul3A_402 = arith.muli %while3A_324, %mul3A_401 : i32
              %multiple_of3A_403 = tpu.assume_multiple %mul3A_402, 16 : i32
              %dma_start3A_404 = arith.constant 0 : i32
              %dma_start3A_405 = tpu.memref_slice %arg12[%multiple_of3A_403, %dma_start3A_404] : memref<32x128xf32, #tpu.memory_space<vmem>> -> memref<16x128xf32, #tpu.memory_space<vmem>>
              %dma_start3A_406 = arith.constant 0 : i32
              %dma_start3A_407 = arith.constant 0 : i32
              %dma_start3A_408 = tpu.memref_slice %arg7[%dma_start3A_406, %dma_start3A_407] : memref<16392x128xf32, #tpu.memory_space<hbm>> -> memref<16392x128xf32, #tpu.memory_space<hbm>>
              tpu.enqueue_indirect_dma source(%dma_start3A_405 : memref<16x128xf32, #tpu.memory_space<vmem>>) target(%dma_start3A_408 : memref<16392x128xf32, #tpu.memory_space<hbm>>) offsets(%select_n3A_379 : vector<16xi32>) semaphore(%arg17 : memref<!tpu.dma_semaphore, #tpu.memory_space<semaphore_mem>>)
            } else {
            }
            %select_n3A_393 = arith.constant 0 : i32
            %select_n3A_394 = arith.select %eq3A_383, %select_n3A_393, %add3A_381 : i32
            %sub3A_395 = arith.constant 1 : i32
            %sub3A_396 = arith.subi %sub3A_395, %while3A_324 : i32
            %select_n3A_397 = arith.select %eq3A_383, %sub3A_396, %while3A_324 : i32
            %add3A_398 = arith.constant 1 : i32
            %add3A_399 = arith.addi %while3A_325, %add3A_398 : i32
            %select_n3A_400 = arith.select %eq3A_383, %add3A_399, %while3A_325 : i32
            scf.yield %select_n3A_394, %select_n3A_397, %select_n3A_400, %select_n3A_379 : i32, i32, i32, vector<16xi32>
          }
          %while3A_320 = arith.constant 1 : i32
          %while3A_321:4 = scf.for %while3A_322 = %while3A_317 to %while3A_313 step %while3A_320 iter_args(%while3A_323 = %while3A_319#0, %while3A_324 = %while3A_319#1, %while3A_325 = %while3A_319#2, %while3A_326 = %while3A_319#3) -> (i32, i32, i32, vector<16xi32>)  : i32 {
            %broadcast_in_dim3A_327 = arith.constant 0 : i32
            %broadcast_in_dim3A_328 = vector.broadcast %broadcast_in_dim3A_327 : i32 to vector<16xi32>
            %add3A_329 = vector.broadcast %while3A_322 : i32 to vector<16xi32>
            %add3A_330 = arith.addi %broadcast_in_dim3A_328, %add3A_329 : vector<16xi32>
            %gather3A = arith.constant 0 : i32
            %gather3A_331 = tpu.memref_slice %arg13[%gather3A] : memref<16xi32, #tpu.memory_space<vmem>> -> memref<16xi32, #tpu.memory_space<vmem>>
            %gather3A_332 = tpu.vector_load_idx %gather3A_331[%add3A_330] : memref<16xi32, #tpu.memory_space<vmem>>[vector<16xi32>], vector<16xi32>,
            %gather3A_333 = arith.constant 0 : i32
            %gather3A_334 = tpu.memref_slice %arg14[%gather3A_333] : memref<16xi32, #tpu.memory_space<vmem>> -> memref<16xi32, #tpu.memory_space<vmem>>
            %gather3A_335 = tpu.vector_load_idx %gather3A_334[%add3A_330] : memref<16xi32, #tpu.memory_space<vmem>>[vector<16xi32>], vector<16xi32>,
            %sub3A_336 = vector.broadcast %min3A_264 : i32 to vector<16xi32>
            %sub3A_337 = arith.subi %gather3A_332, %sub3A_336 : vector<16xi32>
            %mul3A_338 = arith.constant 16 : i32
            %mul3A_339 = arith.muli %while3A_324, %mul3A_338 : i32
            %add3A_340 = arith.addi %mul3A_339, %while3A_323 : i32
            %gather3A_341 = arith.constant 0 : i32
            %gather3A_342 = arith.constant 0 : i32
            %gather3A_343 = arith.constant 0 : i32
            %gather3A_344 = tpu.memref_slice %arg11[%gather3A_341, %gather3A_342, %gather3A_343] : memref<2x64x512xf32, #tpu.memory_space<vmem>> -> memref<1x64x512xf32, #tpu.memory_space<vmem>>
            %gather3A_345 = tpu.memref_squeeze %gather3A_344 : memref<1x64x512xf32, #tpu.memory_space<vmem>> -> memref<64x512xf32, #tpu.memory_space<vmem>>
            %gather3A_346 = tpu.vector_load_idx %gather3A_345[%add3A_4, %sub3A_337] : memref<64x512xf32, #tpu.memory_space<vmem>>[vector<16xi32>, vector<16xi32>], vector<16xf32>,
            %swap3A_347 = arith.index_cast %add3A_340 : i32 to index
            %swap3A_348 = arith.constant 0 : index
            %swap3A_349 = tpu.vector_load %arg12[%swap3A_347, %swap3A_348] {strides = array<i32>} : memref<32x128xf32, #tpu.memory_space<vmem>>, vector<16xf32>,
            tpu.vector_store %arg12[%swap3A_347, %swap3A_348], %gather3A_346 {strides = array<i32>} : memref<32x128xf32, #tpu.memory_space<vmem>>, vector<16xf32>,
            %gather3A_350 = arith.constant 0 : i32
            %gather3A_351 = arith.constant 0 : i32
            %gather3A_352 = arith.constant 0 : i32
            %gather3A_353 = tpu.memref_slice %arg11[%gather3A_350, %gather3A_351, %gather3A_352] : memref<2x64x512xf32, #tpu.memory_space<vmem>> -> memref<1x64x512xf32, #tpu.memory_space<vmem>>
            %gather3A_354 = tpu.memref_squeeze %gather3A_353 : memref<1x64x512xf32, #tpu.memory_space<vmem>> -> memref<64x512xf32, #tpu.memory_space<vmem>>
            %gather3A_355 = tpu.vector_load_idx %gather3A_354[%add3A_8, %sub3A_337] : memref<64x512xf32, #tpu.memory_space<vmem>>[vector<16xi32>, vector<16xi32>], vector<16xf32>,
            %swap3A_356 = arith.index_cast %add3A_340 : i32 to index
            %swap3A_357 = arith.constant 16 : index
            %swap3A_358 = tpu.vector_load %arg12[%swap3A_356, %swap3A_357] {strides = array<i32>} : memref<32x128xf32, #tpu.memory_space<vmem>>, vector<16xf32>,
            tpu.vector_store %arg12[%swap3A_356, %swap3A_357], %gather3A_355 {strides = array<i32>} : memref<32x128xf32, #tpu.memory_space<vmem>>, vector<16xf32>,
            %gather3A_359 = arith.constant 0 : i32
            %gather3A_360 = arith.constant 0 : i32
            %gather3A_361 = arith.constant 0 : i32
            %gather3A_362 = tpu.memref_slice %arg11[%gather3A_359, %gather3A_360, %gather3A_361] : memref<2x64x512xf32, #tpu.memory_space<vmem>> -> memref<1x64x512xf32, #tpu.memory_space<vmem>>
            %gather3A_363 = tpu.memref_squeeze %gather3A_362 : memref<1x64x512xf32, #tpu.memory_space<vmem>> -> memref<64x512xf32, #tpu.memory_space<vmem>>
            %gather3A_364 = tpu.vector_load_idx %gather3A_363[%add3A_12, %sub3A_337] : memref<64x512xf32, #tpu.memory_space<vmem>>[vector<16xi32>, vector<16xi32>], vector<16xf32>,
            %swap3A_365 = arith.index_cast %add3A_340 : i32 to index
            %swap3A_366 = arith.constant 32 : index
            %swap3A_367 = tpu.vector_load %arg12[%swap3A_365, %swap3A_366] {strides = array<i32>} : memref<32x128xf32, #tpu.memory_space<vmem>>, vector<16xf32>,
            tpu.vector_store %arg12[%swap3A_365, %swap3A_366], %gather3A_364 {strides = array<i32>} : memref<32x128xf32, #tpu.memory_space<vmem>>, vector<16xf32>,
            %gather3A_368 = arith.constant 0 : i32
            %gather3A_369 = arith.constant 0 : i32
            %gather3A_370 = arith.constant 0 : i32
            %gather3A_371 = tpu.memref_slice %arg11[%gather3A_368, %gather3A_369, %gather3A_370] : memref<2x64x512xf32, #tpu.memory_space<vmem>> -> memref<1x64x512xf32, #tpu.memory_space<vmem>>
            %gather3A_372 = tpu.memref_squeeze %gather3A_371 : memref<1x64x512xf32, #tpu.memory_space<vmem>> -> memref<64x512xf32, #tpu.memory_space<vmem>>
            %gather3A_373 = tpu.vector_load_idx %gather3A_372[%add3A_16, %sub3A_337] : memref<64x512xf32, #tpu.memory_space<vmem>>[vector<16xi32>, vector<16xi32>], vector<16xf32>,
            %swap3A_374 = arith.index_cast %add3A_340 : i32 to index
            %swap3A_375 = arith.constant 48 : index
            %swap3A_376 = tpu.vector_load %arg12[%swap3A_374, %swap3A_375] {strides = array<i32>} : memref<32x128xf32, #tpu.memory_space<vmem>>, vector<16xf32>,
            tpu.vector_store %arg12[%swap3A_374, %swap3A_375], %gather3A_373 {strides = array<i32>} : memref<32x128xf32, #tpu.memory_space<vmem>>, vector<16xf32>,
            %eq3A_377 = vector.broadcast %while3A_323 : i32 to vector<16xi32>
            %eq3A_378 = arith.cmpi eq, %iota3A, %eq3A_377 : vector<16xi32>
            %select_n3A_379 = arith.select %eq3A_378, %gather3A_335, %while3A_326 : vector<16xi1>, vector<16xi32>
            %add3A_380 = arith.constant 1 : i32
            %add3A_381 = arith.addi %while3A_323, %add3A_380 : i32
            %eq3A_382 = arith.constant 16 : i32
            %eq3A_383 = arith.cmpi eq, %add3A_381, %eq3A_382 : i32
            %gt3A_384 = arith.constant 0 : i32
            %gt3A_385 = arith.cmpi sgt, %while3A_325, %gt3A_384 : i32
            %and3A_386 = arith.andi %eq3A_383, %gt3A_385 : i1
            %convert_element_type3A_387 = arith.extui %and3A_386 : i1 to i32
            %cond3A_388 = arith.constant 0 : i32
            %cond3A_389 = arith.cmpi ne, %convert_element_type3A_387, %cond3A_388 : i32
            scf.if %cond3A_389 {
              %dma_wait3A_401 = arith.constant 0 : i32
              %dma_wait3A_402 = arith.constant 0 : i32
              %dma_wait3A_403 = tpu.memref_slice %arg12[%dma_wait3A_401, %dma_wait3A_402] : memref<32x128xf32, #tpu.memory_space<vmem>> -> memref<16x128xf32, #tpu.memory_space<vmem>>
              %dma_wait3A_404 = arith.constant 0 : i32
              %dma_wait3A_405 = arith.constant 0 : i32
              %dma_wait3A_406 = tpu.memref_slice %arg7[%dma_wait3A_404, %dma_wait3A_405] : memref<16392x128xf32, #tpu.memory_space<hbm>> -> memref<16x128xf32, #tpu.memory_space<hbm>>
              %dma_wait3A_407 = arith.constant 0 : i32
              %dma_wait3A_408 = arith.constant 0 : i32
              %dma_wait3A_409 = tpu.memref_slice %arg7[%dma_wait3A_407, %dma_wait3A_408] : memref<16392x128xf32, #tpu.memory_space<hbm>> -> memref<16x128xf32, #tpu.memory_space<hbm>>
              %dma_wait3A_410 = arith.constant 0 : i32
              %dma_wait3A_411 = arith.constant 0 : i32
              %dma_wait3A_412 = tpu.memref_slice %arg12[%dma_wait3A_410, %dma_wait3A_411] : memref<32x128xf32, #tpu.memory_space<vmem>> -> memref<16x128xf32, #tpu.memory_space<vmem>>
              tpu.wait_dma2 semaphore(%arg17 : memref<!tpu.dma_semaphore, #tpu.memory_space<semaphore_mem>>) src(%dma_wait3A_412 : memref<16x128xf32, #tpu.memory_space<vmem>>) dst(%dma_wait3A_409 : memref<16x128xf32, #tpu.memory_space<hbm>>)
            } else {
            }
            %convert_element_type3A_390 = arith.extui %eq3A_383 : i1 to i32
            %cond3A_391 = arith.constant 0 : i32
            %cond3A_392 = arith.cmpi ne, %convert_element_type3A_390, %cond3A_391 : i32
            scf.if %cond3A_392 {
              %mul3A_401 = arith.constant 16 : i32
              %mul3A_402 = arith.muli %while3A_324, %mul3A_401 : i32
              %multiple_of3A_403 = tpu.assume_multiple %mul3A_402, 16 : i32
              %dma_start3A_404 = arith.constant 0 : i32
              %dma_start3A_405 = tpu.memref_slice %arg12[%multiple_of3A_403, %dma_start3A_404] : memref<32x128xf32, #tpu.memory_space<vmem>> -> memref<16x128xf32, #tpu.memory_space<vmem>>
              %dma_start3A_406 = arith.constant 0 : i32
              %dma_start3A_407 = arith.constant 0 : i32
              %dma_start3A_408 = tpu.memref_slice %arg7[%dma_start3A_406, %dma_start3A_407] : memref<16392x128xf32, #tpu.memory_space<hbm>> -> memref<16392x128xf32, #tpu.memory_space<hbm>>
              tpu.enqueue_indirect_dma source(%dma_start3A_405 : memref<16x128xf32, #tpu.memory_space<vmem>>) target(%dma_start3A_408 : memref<16392x128xf32, #tpu.memory_space<hbm>>) offsets(%select_n3A_379 : vector<16xi32>) semaphore(%arg17 : memref<!tpu.dma_semaphore, #tpu.memory_space<semaphore_mem>>)
            } else {
            }
            %select_n3A_393 = arith.constant 0 : i32
            %select_n3A_394 = arith.select %eq3A_383, %select_n3A_393, %add3A_381 : i32
            %sub3A_395 = arith.constant 1 : i32
            %sub3A_396 = arith.subi %sub3A_395, %while3A_324 : i32
            %select_n3A_397 = arith.select %eq3A_383, %sub3A_396, %while3A_324 : i32
            %add3A_398 = arith.constant 1 : i32
            %add3A_399 = arith.addi %while3A_325, %add3A_398 : i32
            %select_n3A_400 = arith.select %eq3A_383, %add3A_399, %while3A_325 : i32
            scf.yield %select_n3A_394, %select_n3A_397, %select_n3A_400, %select_n3A_379 : i32, i32, i32, vector<16xi32>
          }
          scf.yield %while3A_321#0, %while3A_321#1, %while3A_321#2, %while3A_321#3 : i32, i32, i32, vector<16xi32>
        }
        %add3A_275 = arith.constant 2 : i32
        %add3A_276 = arith.addi %add3A_227, %add3A_275 : i32
        %lt3A_277 = arith.cmpi slt, %add3A_276, %add3A_19 : i32
        %convert_element_type3A_278 = arith.extui %lt3A_277 : i1 to i32
        %cond3A_279 = arith.constant 0 : i32
        %cond3A_280 = arith.cmpi ne, %convert_element_type3A_278, %cond3A_279 : i32
        scf.if %cond3A_280 {
          %add3A_281 = arith.constant 2 : i32
          %add3A_282 = arith.addi %add3A_227, %add3A_281 : i32
          %add3A_283 = arith.addi %add3A_23, %add3A_282 : i32
          %mul3A_284 = arith.constant 512 : i32
          %mul3A_285 = arith.muli %add3A_283, %mul3A_284 : i32
          %min3A_286 = arith.constant 999552 : i32
          %min3A_287 = arith.minsi %mul3A_285, %min3A_286 : i32
          %multiple_of3A_288 = tpu.assume_multiple %min3A_287, 128 : i32
          %dma_start3A_289 = arith.constant 0 : i32
          %dma_start3A_290 = arith.constant 0 : i32
          %dma_start3A_291 = arith.constant 0 : i32
          %dma_start3A_292 = tpu.memref_slice %arg11[%dma_start3A_289, %dma_start3A_290, %dma_start3A_291] : memref<2x64x512xf32, #tpu.memory_space<vmem>> -> memref<1x64x512xf32, #tpu.memory_space<vmem>>
          %dma_start3A_293 = tpu.memref_squeeze %dma_start3A_292 : memref<1x64x512xf32, #tpu.memory_space<vmem>> -> memref<64x512xf32, #tpu.memory_space<vmem>>
          %dma_start3A_294 = arith.constant 0 : i32
          %dma_start3A_295 = tpu.memref_slice %arg5[%dma_start3A_294, %multiple_of3A_288] : memref<64x1000000xf32, #tpu.memory_space<hbm>> -> memref<64x512xf32, #tpu.memory_space<hbm>>
          %dma_start3A_296 = arith.constant 0 : i32
          %dma_start3A_297 = arith.constant 0 : i32
          %dma_start3A_298 = tpu.memref_slice %arg11[%dma_start3A_289, %dma_start3A_296, %dma_start3A_297] : memref<2x64x512xf32, #tpu.memory_space<vmem>> -> memref<1x64x512xf32, #tpu.memory_space<vmem>>
          %dma_start3A_299 = tpu.memref_squeeze %dma_start3A_298 : memref<1x64x512xf32, #tpu.memory_space<vmem>> -> memref<64x512xf32, #tpu.memory_space<vmem>>
          %dma_start3A_300 = arith.constant 0 : i32
          %dma_start3A_301 = tpu.memref_slice %arg5[%dma_start3A_300, %multiple_of3A_288] : memref<64x1000000xf32, #tpu.memory_space<hbm>> -> memref<64x512xf32, #tpu.memory_space<hbm>>
          tpu.enqueue_dma source(%dma_start3A_301 : memref<64x512xf32, #tpu.memory_space<hbm>>) target(%dma_start3A_299 : memref<64x512xf32, #tpu.memory_space<vmem>>) target_semaphore(%arg15 : memref<!tpu.dma_semaphore, #tpu.memory_space<semaphore_mem>>)
        } else {
        }
        scf.yield %while3A_274#0, %while3A_274#1, %while3A_274#2, %while3A_274#3 : i32, i32, i32, vector<16xi32>
      } else {
        scf.yield %scan3A_220, %scan3A_221, %scan3A_222, %scan3A_223 : i32, i32, i32, vector<16xi32>
      }
      %mul3A_233 = arith.constant 2 : i32
      %mul3A_234 = arith.muli %scan3A_219, %mul3A_233 : i32
      %add3A_235 = arith.constant 1 : i32
      %add3A_236 = arith.addi %mul3A_234, %add3A_235 : i32
      %lt3A_237 = arith.cmpi slt, %add3A_236, %add3A_19 : i32
      %convert_element_type3A_238 = arith.extui %lt3A_237 : i1 to i32
      %cond3A_239 = arith.constant 0 : i32
      %cond3A_240 = arith.cmpi ne, %convert_element_type3A_238, %cond3A_239 : i32
      %cond3A_241:4 = scf.if %cond3A_240 -> (i32, i32, i32, vector<16xi32>) {
        %dma_wait3A_242 = arith.constant 1 : i32
        %dma_wait3A_243 = arith.constant 0 : i32
        %dma_wait3A_244 = arith.constant 0 : i32
        %dma_wait3A_245 = tpu.memref_slice %arg11[%dma_wait3A_242, %dma_wait3A_243, %dma_wait3A_244] : memref<2x64x512xf32, #tpu.memory_space<vmem>> -> memref<1x64x512xf32, #tpu.memory_space<vmem>>
        %dma_wait3A_246 = tpu.memref_squeeze %dma_wait3A_245 : memref<1x64x512xf32, #tpu.memory_space<vmem>> -> memref<64x512xf32, #tpu.memory_space<vmem>>
        %dma_wait3A_247 = arith.constant 0 : i32
        %dma_wait3A_248 = arith.constant 0 : i32
        %dma_wait3A_249 = tpu.memref_slice %arg5[%dma_wait3A_247, %dma_wait3A_248] : memref<64x1000000xf32, #tpu.memory_space<hbm>> -> memref<64x512xf32, #tpu.memory_space<hbm>>
        %dma_wait3A_250 = arith.constant 0 : i32
        %dma_wait3A_251 = arith.constant 0 : i32
        %dma_wait3A_252 = tpu.memref_slice %arg11[%dma_wait3A_242, %dma_wait3A_250, %dma_wait3A_251] : memref<2x64x512xf32, #tpu.memory_space<vmem>> -> memref<1x64x512xf32, #tpu.memory_space<vmem>>
        %dma_wait3A_253 = tpu.memref_squeeze %dma_wait3A_252 : memref<1x64x512xf32, #tpu.memory_space<vmem>> -> memref<64x512xf32, #tpu.memory_space<vmem>>
        %dma_wait3A_254 = arith.constant 0 : i32
        %dma_wait3A_255 = arith.constant 0 : i32
        %dma_wait3A_256 = tpu.memref_slice %arg5[%dma_wait3A_254, %dma_wait3A_255] : memref<64x1000000xf32, #tpu.memory_space<hbm>> -> memref<64x512xf32, #tpu.memory_space<hbm>>
        tpu.wait_dma2 semaphore(%arg16 : memref<!tpu.dma_semaphore, #tpu.memory_space<semaphore_mem>>) src(%dma_wait3A_256 : memref<64x512xf32, #tpu.memory_space<hbm>>) dst(%dma_wait3A_253 : memref<64x512xf32, #tpu.memory_space<vmem>>)
        %add3A_257 = arith.addi %add3A_23, %add3A_236 : i32
        %mul3A_258 = arith.constant 512 : i32
        %mul3A_259 = arith.muli %add3A_257, %mul3A_258 : i32
        %add3A_260 = arith.addi %add3A_23, %add3A_236 : i32
        %mul3A_261 = arith.constant 512 : i32
        %mul3A_262 = arith.muli %add3A_260, %mul3A_261 : i32
        %min3A_263 = arith.constant 999552 : i32
        %min3A_264 = arith.minsi %mul3A_262, %min3A_263 : i32
        %while3A = arith.constant 0 : i32
        %while3A_265 = arith.subi %shift_right_arithmetic3A_181, %while3A : i32
        %while3A_266 = arith.addi %while3A, %while3A_265 : i32
        %while3A_267 = arith.constant 1 : i32
        %while3A_268 = arith.divsi %while3A_265, %while3A_267 : i32
        %while3A_269 = arith.muli %while3A_268, %while3A_267 : i32
        %while3A_270 = arith.addi %while3A, %while3A_269 : i32
        %while3A_271 = arith.constant 1 : i32
        %while3A_272:4 = scf.for %while3A_281 = %while3A to %while3A_270 step %while3A_271 iter_args(%while3A_282 = %cond3A_232#0, %while3A_283 = %cond3A_232#1, %while3A_284 = %cond3A_232#2, %while3A_285 = %cond3A_232#3) -> (i32, i32, i32, vector<16xi32>)  : i32 {
          %mul3A_286 = arith.constant 16 : i32
          %mul3A_287 = arith.muli %while3A_281, %mul3A_286 : i32
          %get3A = arith.index_cast %mul3A_287 : i32 to index
          %get3A_288 = tpu.vector_load %arg9[%get3A] {strides = array<i32>} : memref<16400xi32, #tpu.memory_space<vmem>>, vector<16xi32>,
          %mul3A_289 = arith.constant 16 : i32
          %mul3A_290 = arith.muli %while3A_281, %mul3A_289 : i32
          %get3A_291 = arith.index_cast %mul3A_290 : i32 to index
          %get3A_292 = tpu.vector_load %arg10[%get3A_291] {strides = array<i32>} : memref<16400xi32, #tpu.memory_space<vmem>>, vector<16xi32>,
          %ge3A_293 = vector.broadcast %mul3A_259 : i32 to vector<16xi32>
          %ge3A_294 = arith.cmpi sge, %get3A_288, %ge3A_293 : vector<16xi32>
          %add3A_295 = arith.constant 512 : i32
          %add3A_296 = arith.addi %mul3A_259, %add3A_295 : i32
          %lt3A_297 = vector.broadcast %add3A_296 : i32 to vector<16xi32>
          %lt3A_298 = arith.cmpi slt, %get3A_288, %lt3A_297 : vector<16xi32>
          %and3A = arith.andi %ge3A_294, %lt3A_298 : vector<16xi1>
          %swap3A_299 = arith.constant 0 : index
          %swap3A_300 = tpu.vector_load %arg13[%swap3A_299] masked %and3A {strides = array<i32>} : memref<16xi32, #tpu.memory_space<vmem>>, vector<16xi32>, vector<16xi1>
          tpu.vector_store %arg13[%swap3A_299], %get3A_288 masked %and3A {strides = array<i32>} : memref<16xi32, #tpu.memory_space<vmem>>, vector<16xi32>, vector<16xi1>
          %swap3A_301 = arith.constant 0 : index
          %swap3A_302 = tpu.vector_load %arg14[%swap3A_301] masked %and3A {strides = array<i32>} : memref<16xi32, #tpu.memory_space<vmem>>, vector<16xi32>, vector<16xi1>
          tpu.vector_store %arg14[%swap3A_301], %get3A_292 masked %and3A {strides = array<i32>} : memref<16xi32, #tpu.memory_space<vmem>>, vector<16xi32>, vector<16xi1>
          %all_reduce_population_count3A = tpu.all_reduce %and3A {dim = 0 : i64, kind = #tpu.reduction_kind<sum>} : vector<16xi1> -> vector<16xi32>
          %eq3A = arith.constant 0 : i32
          %eq3A_303 = vector.broadcast %eq3A : i32 to vector<16xi32>
          %eq3A_304 = arith.cmpi eq, %iota3A, %eq3A_303 : vector<16xi32>
          %jit3A_305 = arith.constant 0 : i32
          %broadcast_in_dim3A_306 = vector.broadcast %jit3A_305 : i32 to vector<16xi32>
          %select_n3A_307 = arith.select %eq3A_304, %all_reduce_population_count3A, %broadcast_in_dim3A_306 : vector<16xi1>, vector<16xi32>
          %reduce_sum3A = arith.constant true
          %reduce_sum3A_308 = vector.broadcast %reduce_sum3A : i1 to vector<16xi1>
          %reduce_sum3A_309 = tpu.scan <sum>, %select_n3A_307 masked %reduce_sum3A_308 : vector<16xi32>, vector<16xi1> -> vector<16xi32>
          %reduce_sum3A_310 = vector.extract %reduce_sum3A_309[15] : i32 from vector<16xi32>
          %while3A_311 = arith.constant 0 : i32
          %while3A_312 = arith.subi %reduce_sum3A_310, %while3A_311 : i32
          %while3A_313 = arith.addi %while3A_311, %while3A_312 : i32
          %while3A_314 = arith.constant 1 : i32
          %while3A_315 = arith.divsi %while3A_312, %while3A_314 : i32
          %while3A_316 = arith.muli %while3A_315, %while3A_314 : i32
          %while3A_317 = arith.addi %while3A_311, %while3A_316 : i32
          %while3A_318 = arith.constant 1 : i32
          %while3A_319:4 = scf.for %while3A_322 = %while3A_311 to %while3A_317 step %while3A_318 iter_args(%while3A_323 = %while3A_282, %while3A_324 = %while3A_283, %while3A_325 = %while3A_284, %while3A_326 = %while3A_285) -> (i32, i32, i32, vector<16xi32>)  : i32 {
            %broadcast_in_dim3A_327 = arith.constant 0 : i32
            %broadcast_in_dim3A_328 = vector.broadcast %broadcast_in_dim3A_327 : i32 to vector<16xi32>
            %add3A_329 = vector.broadcast %while3A_322 : i32 to vector<16xi32>
            %add3A_330 = arith.addi %broadcast_in_dim3A_328, %add3A_329 : vector<16xi32>
            %gather3A = arith.constant 0 : i32
            %gather3A_331 = tpu.memref_slice %arg13[%gather3A] : memref<16xi32, #tpu.memory_space<vmem>> -> memref<16xi32, #tpu.memory_space<vmem>>
            %gather3A_332 = tpu.vector_load_idx %gather3A_331[%add3A_330] : memref<16xi32, #tpu.memory_space<vmem>>[vector<16xi32>], vector<16xi32>,
            %gather3A_333 = arith.constant 0 : i32
            %gather3A_334 = tpu.memref_slice %arg14[%gather3A_333] : memref<16xi32, #tpu.memory_space<vmem>> -> memref<16xi32, #tpu.memory_space<vmem>>
            %gather3A_335 = tpu.vector_load_idx %gather3A_334[%add3A_330] : memref<16xi32, #tpu.memory_space<vmem>>[vector<16xi32>], vector<16xi32>,
            %sub3A_336 = vector.broadcast %min3A_264 : i32 to vector<16xi32>
            %sub3A_337 = arith.subi %gather3A_332, %sub3A_336 : vector<16xi32>
            %mul3A_338 = arith.constant 16 : i32
            %mul3A_339 = arith.muli %while3A_324, %mul3A_338 : i32
            %add3A_340 = arith.addi %mul3A_339, %while3A_323 : i32
            %gather3A_341 = arith.constant 1 : i32
            %gather3A_342 = arith.constant 0 : i32
            %gather3A_343 = arith.constant 0 : i32
            %gather3A_344 = tpu.memref_slice %arg11[%gather3A_341, %gather3A_342, %gather3A_343] : memref<2x64x512xf32, #tpu.memory_space<vmem>> -> memref<1x64x512xf32, #tpu.memory_space<vmem>>
            %gather3A_345 = tpu.memref_squeeze %gather3A_344 : memref<1x64x512xf32, #tpu.memory_space<vmem>> -> memref<64x512xf32, #tpu.memory_space<vmem>>
            %gather3A_346 = tpu.vector_load_idx %gather3A_345[%add3A_4, %sub3A_337] : memref<64x512xf32, #tpu.memory_space<vmem>>[vector<16xi32>, vector<16xi32>], vector<16xf32>,
            %swap3A_347 = arith.index_cast %add3A_340 : i32 to index
            %swap3A_348 = arith.constant 0 : index
            %swap3A_349 = tpu.vector_load %arg12[%swap3A_347, %swap3A_348] {strides = array<i32>} : memref<32x128xf32, #tpu.memory_space<vmem>>, vector<16xf32>,
            tpu.vector_store %arg12[%swap3A_347, %swap3A_348], %gather3A_346 {strides = array<i32>} : memref<32x128xf32, #tpu.memory_space<vmem>>, vector<16xf32>,
            %gather3A_350 = arith.constant 1 : i32
            %gather3A_351 = arith.constant 0 : i32
            %gather3A_352 = arith.constant 0 : i32
            %gather3A_353 = tpu.memref_slice %arg11[%gather3A_350, %gather3A_351, %gather3A_352] : memref<2x64x512xf32, #tpu.memory_space<vmem>> -> memref<1x64x512xf32, #tpu.memory_space<vmem>>
            %gather3A_354 = tpu.memref_squeeze %gather3A_353 : memref<1x64x512xf32, #tpu.memory_space<vmem>> -> memref<64x512xf32, #tpu.memory_space<vmem>>
            %gather3A_355 = tpu.vector_load_idx %gather3A_354[%add3A_8, %sub3A_337] : memref<64x512xf32, #tpu.memory_space<vmem>>[vector<16xi32>, vector<16xi32>], vector<16xf32>,
            %swap3A_356 = arith.index_cast %add3A_340 : i32 to index
            %swap3A_357 = arith.constant 16 : index
            %swap3A_358 = tpu.vector_load %arg12[%swap3A_356, %swap3A_357] {strides = array<i32>} : memref<32x128xf32, #tpu.memory_space<vmem>>, vector<16xf32>,
            tpu.vector_store %arg12[%swap3A_356, %swap3A_357], %gather3A_355 {strides = array<i32>} : memref<32x128xf32, #tpu.memory_space<vmem>>, vector<16xf32>,
            %gather3A_359 = arith.constant 1 : i32
            %gather3A_360 = arith.constant 0 : i32
            %gather3A_361 = arith.constant 0 : i32
            %gather3A_362 = tpu.memref_slice %arg11[%gather3A_359, %gather3A_360, %gather3A_361] : memref<2x64x512xf32, #tpu.memory_space<vmem>> -> memref<1x64x512xf32, #tpu.memory_space<vmem>>
            %gather3A_363 = tpu.memref_squeeze %gather3A_362 : memref<1x64x512xf32, #tpu.memory_space<vmem>> -> memref<64x512xf32, #tpu.memory_space<vmem>>
            %gather3A_364 = tpu.vector_load_idx %gather3A_363[%add3A_12, %sub3A_337] : memref<64x512xf32, #tpu.memory_space<vmem>>[vector<16xi32>, vector<16xi32>], vector<16xf32>,
            %swap3A_365 = arith.index_cast %add3A_340 : i32 to index
            %swap3A_366 = arith.constant 32 : index
            %swap3A_367 = tpu.vector_load %arg12[%swap3A_365, %swap3A_366] {strides = array<i32>} : memref<32x128xf32, #tpu.memory_space<vmem>>, vector<16xf32>,
            tpu.vector_store %arg12[%swap3A_365, %swap3A_366], %gather3A_364 {strides = array<i32>} : memref<32x128xf32, #tpu.memory_space<vmem>>, vector<16xf32>,
            %gather3A_368 = arith.constant 1 : i32
            %gather3A_369 = arith.constant 0 : i32
            %gather3A_370 = arith.constant 0 : i32
            %gather3A_371 = tpu.memref_slice %arg11[%gather3A_368, %gather3A_369, %gather3A_370] : memref<2x64x512xf32, #tpu.memory_space<vmem>> -> memref<1x64x512xf32, #tpu.memory_space<vmem>>
            %gather3A_372 = tpu.memref_squeeze %gather3A_371 : memref<1x64x512xf32, #tpu.memory_space<vmem>> -> memref<64x512xf32, #tpu.memory_space<vmem>>
            %gather3A_373 = tpu.vector_load_idx %gather3A_372[%add3A_16, %sub3A_337] : memref<64x512xf32, #tpu.memory_space<vmem>>[vector<16xi32>, vector<16xi32>], vector<16xf32>,
            %swap3A_374 = arith.index_cast %add3A_340 : i32 to index
            %swap3A_375 = arith.constant 48 : index
            %swap3A_376 = tpu.vector_load %arg12[%swap3A_374, %swap3A_375] {strides = array<i32>} : memref<32x128xf32, #tpu.memory_space<vmem>>, vector<16xf32>,
            tpu.vector_store %arg12[%swap3A_374, %swap3A_375], %gather3A_373 {strides = array<i32>} : memref<32x128xf32, #tpu.memory_space<vmem>>, vector<16xf32>,
            %eq3A_377 = vector.broadcast %while3A_323 : i32 to vector<16xi32>
            %eq3A_378 = arith.cmpi eq, %iota3A, %eq3A_377 : vector<16xi32>
            %select_n3A_379 = arith.select %eq3A_378, %gather3A_335, %while3A_326 : vector<16xi1>, vector<16xi32>
            %add3A_380 = arith.constant 1 : i32
            %add3A_381 = arith.addi %while3A_323, %add3A_380 : i32
            %eq3A_382 = arith.constant 16 : i32
            %eq3A_383 = arith.cmpi eq, %add3A_381, %eq3A_382 : i32
            %gt3A_384 = arith.constant 0 : i32
            %gt3A_385 = arith.cmpi sgt, %while3A_325, %gt3A_384 : i32
            %and3A_386 = arith.andi %eq3A_383, %gt3A_385 : i1
            %convert_element_type3A_387 = arith.extui %and3A_386 : i1 to i32
            %cond3A_388 = arith.constant 0 : i32
            %cond3A_389 = arith.cmpi ne, %convert_element_type3A_387, %cond3A_388 : i32
            scf.if %cond3A_389 {
              %dma_wait3A_401 = arith.constant 0 : i32
              %dma_wait3A_402 = arith.constant 0 : i32
              %dma_wait3A_403 = tpu.memref_slice %arg12[%dma_wait3A_401, %dma_wait3A_402] : memref<32x128xf32, #tpu.memory_space<vmem>> -> memref<16x128xf32, #tpu.memory_space<vmem>>
              %dma_wait3A_404 = arith.constant 0 : i32
              %dma_wait3A_405 = arith.constant 0 : i32
              %dma_wait3A_406 = tpu.memref_slice %arg7[%dma_wait3A_404, %dma_wait3A_405] : memref<16392x128xf32, #tpu.memory_space<hbm>> -> memref<16x128xf32, #tpu.memory_space<hbm>>
              %dma_wait3A_407 = arith.constant 0 : i32
              %dma_wait3A_408 = arith.constant 0 : i32
              %dma_wait3A_409 = tpu.memref_slice %arg7[%dma_wait3A_407, %dma_wait3A_408] : memref<16392x128xf32, #tpu.memory_space<hbm>> -> memref<16x128xf32, #tpu.memory_space<hbm>>
              %dma_wait3A_410 = arith.constant 0 : i32
              %dma_wait3A_411 = arith.constant 0 : i32
              %dma_wait3A_412 = tpu.memref_slice %arg12[%dma_wait3A_410, %dma_wait3A_411] : memref<32x128xf32, #tpu.memory_space<vmem>> -> memref<16x128xf32, #tpu.memory_space<vmem>>
              tpu.wait_dma2 semaphore(%arg17 : memref<!tpu.dma_semaphore, #tpu.memory_space<semaphore_mem>>) src(%dma_wait3A_412 : memref<16x128xf32, #tpu.memory_space<vmem>>) dst(%dma_wait3A_409 : memref<16x128xf32, #tpu.memory_space<hbm>>)
            } else {
            }
            %convert_element_type3A_390 = arith.extui %eq3A_383 : i1 to i32
            %cond3A_391 = arith.constant 0 : i32
            %cond3A_392 = arith.cmpi ne, %convert_element_type3A_390, %cond3A_391 : i32
            scf.if %cond3A_392 {
              %mul3A_401 = arith.constant 16 : i32
              %mul3A_402 = arith.muli %while3A_324, %mul3A_401 : i32
              %multiple_of3A_403 = tpu.assume_multiple %mul3A_402, 16 : i32
              %dma_start3A_404 = arith.constant 0 : i32
              %dma_start3A_405 = tpu.memref_slice %arg12[%multiple_of3A_403, %dma_start3A_404] : memref<32x128xf32, #tpu.memory_space<vmem>> -> memref<16x128xf32, #tpu.memory_space<vmem>>
              %dma_start3A_406 = arith.constant 0 : i32
              %dma_start3A_407 = arith.constant 0 : i32
              %dma_start3A_408 = tpu.memref_slice %arg7[%dma_start3A_406, %dma_start3A_407] : memref<16392x128xf32, #tpu.memory_space<hbm>> -> memref<16392x128xf32, #tpu.memory_space<hbm>>
              tpu.enqueue_indirect_dma source(%dma_start3A_405 : memref<16x128xf32, #tpu.memory_space<vmem>>) target(%dma_start3A_408 : memref<16392x128xf32, #tpu.memory_space<hbm>>) offsets(%select_n3A_379 : vector<16xi32>) semaphore(%arg17 : memref<!tpu.dma_semaphore, #tpu.memory_space<semaphore_mem>>)
            } else {
            }
            %select_n3A_393 = arith.constant 0 : i32
            %select_n3A_394 = arith.select %eq3A_383, %select_n3A_393, %add3A_381 : i32
            %sub3A_395 = arith.constant 1 : i32
            %sub3A_396 = arith.subi %sub3A_395, %while3A_324 : i32
            %select_n3A_397 = arith.select %eq3A_383, %sub3A_396, %while3A_324 : i32
            %add3A_398 = arith.constant 1 : i32
            %add3A_399 = arith.addi %while3A_325, %add3A_398 : i32
            %select_n3A_400 = arith.select %eq3A_383, %add3A_399, %while3A_325 : i32
            scf.yield %select_n3A_394, %select_n3A_397, %select_n3A_400, %select_n3A_379 : i32, i32, i32, vector<16xi32>
          }
          %while3A_320 = arith.constant 1 : i32
          %while3A_321:4 = scf.for %while3A_322 = %while3A_317 to %while3A_313 step %while3A_320 iter_args(%while3A_323 = %while3A_319#0, %while3A_324 = %while3A_319#1, %while3A_325 = %while3A_319#2, %while3A_326 = %while3A_319#3) -> (i32, i32, i32, vector<16xi32>)  : i32 {
            %broadcast_in_dim3A_327 = arith.constant 0 : i32
            %broadcast_in_dim3A_328 = vector.broadcast %broadcast_in_dim3A_327 : i32 to vector<16xi32>
            %add3A_329 = vector.broadcast %while3A_322 : i32 to vector<16xi32>
            %add3A_330 = arith.addi %broadcast_in_dim3A_328, %add3A_329 : vector<16xi32>
            %gather3A = arith.constant 0 : i32
            %gather3A_331 = tpu.memref_slice %arg13[%gather3A] : memref<16xi32, #tpu.memory_space<vmem>> -> memref<16xi32, #tpu.memory_space<vmem>>
            %gather3A_332 = tpu.vector_load_idx %gather3A_331[%add3A_330] : memref<16xi32, #tpu.memory_space<vmem>>[vector<16xi32>], vector<16xi32>,
            %gather3A_333 = arith.constant 0 : i32
            %gather3A_334 = tpu.memref_slice %arg14[%gather3A_333] : memref<16xi32, #tpu.memory_space<vmem>> -> memref<16xi32, #tpu.memory_space<vmem>>
            %gather3A_335 = tpu.vector_load_idx %gather3A_334[%add3A_330] : memref<16xi32, #tpu.memory_space<vmem>>[vector<16xi32>], vector<16xi32>,
            %sub3A_336 = vector.broadcast %min3A_264 : i32 to vector<16xi32>
            %sub3A_337 = arith.subi %gather3A_332, %sub3A_336 : vector<16xi32>
            %mul3A_338 = arith.constant 16 : i32
            %mul3A_339 = arith.muli %while3A_324, %mul3A_338 : i32
            %add3A_340 = arith.addi %mul3A_339, %while3A_323 : i32
            %gather3A_341 = arith.constant 1 : i32
            %gather3A_342 = arith.constant 0 : i32
            %gather3A_343 = arith.constant 0 : i32
            %gather3A_344 = tpu.memref_slice %arg11[%gather3A_341, %gather3A_342, %gather3A_343] : memref<2x64x512xf32, #tpu.memory_space<vmem>> -> memref<1x64x512xf32, #tpu.memory_space<vmem>>
            %gather3A_345 = tpu.memref_squeeze %gather3A_344 : memref<1x64x512xf32, #tpu.memory_space<vmem>> -> memref<64x512xf32, #tpu.memory_space<vmem>>
            %gather3A_346 = tpu.vector_load_idx %gather3A_345[%add3A_4, %sub3A_337] : memref<64x512xf32, #tpu.memory_space<vmem>>[vector<16xi32>, vector<16xi32>], vector<16xf32>,
            %swap3A_347 = arith.index_cast %add3A_340 : i32 to index
            %swap3A_348 = arith.constant 0 : index
            %swap3A_349 = tpu.vector_load %arg12[%swap3A_347, %swap3A_348] {strides = array<i32>} : memref<32x128xf32, #tpu.memory_space<vmem>>, vector<16xf32>,
            tpu.vector_store %arg12[%swap3A_347, %swap3A_348], %gather3A_346 {strides = array<i32>} : memref<32x128xf32, #tpu.memory_space<vmem>>, vector<16xf32>,
            %gather3A_350 = arith.constant 1 : i32
            %gather3A_351 = arith.constant 0 : i32
            %gather3A_352 = arith.constant 0 : i32
            %gather3A_353 = tpu.memref_slice %arg11[%gather3A_350, %gather3A_351, %gather3A_352] : memref<2x64x512xf32, #tpu.memory_space<vmem>> -> memref<1x64x512xf32, #tpu.memory_space<vmem>>
            %gather3A_354 = tpu.memref_squeeze %gather3A_353 : memref<1x64x512xf32, #tpu.memory_space<vmem>> -> memref<64x512xf32, #tpu.memory_space<vmem>>
            %gather3A_355 = tpu.vector_load_idx %gather3A_354[%add3A_8, %sub3A_337] : memref<64x512xf32, #tpu.memory_space<vmem>>[vector<16xi32>, vector<16xi32>], vector<16xf32>,
            %swap3A_356 = arith.index_cast %add3A_340 : i32 to index
            %swap3A_357 = arith.constant 16 : index
            %swap3A_358 = tpu.vector_load %arg12[%swap3A_356, %swap3A_357] {strides = array<i32>} : memref<32x128xf32, #tpu.memory_space<vmem>>, vector<16xf32>,
            tpu.vector_store %arg12[%swap3A_356, %swap3A_357], %gather3A_355 {strides = array<i32>} : memref<32x128xf32, #tpu.memory_space<vmem>>, vector<16xf32>,
            %gather3A_359 = arith.constant 1 : i32
            %gather3A_360 = arith.constant 0 : i32
            %gather3A_361 = arith.constant 0 : i32
            %gather3A_362 = tpu.memref_slice %arg11[%gather3A_359, %gather3A_360, %gather3A_361] : memref<2x64x512xf32, #tpu.memory_space<vmem>> -> memref<1x64x512xf32, #tpu.memory_space<vmem>>
            %gather3A_363 = tpu.memref_squeeze %gather3A_362 : memref<1x64x512xf32, #tpu.memory_space<vmem>> -> memref<64x512xf32, #tpu.memory_space<vmem>>
            %gather3A_364 = tpu.vector_load_idx %gather3A_363[%add3A_12, %sub3A_337] : memref<64x512xf32, #tpu.memory_space<vmem>>[vector<16xi32>, vector<16xi32>], vector<16xf32>,
            %swap3A_365 = arith.index_cast %add3A_340 : i32 to index
            %swap3A_366 = arith.constant 32 : index
            %swap3A_367 = tpu.vector_load %arg12[%swap3A_365, %swap3A_366] {strides = array<i32>} : memref<32x128xf32, #tpu.memory_space<vmem>>, vector<16xf32>,
            tpu.vector_store %arg12[%swap3A_365, %swap3A_366], %gather3A_364 {strides = array<i32>} : memref<32x128xf32, #tpu.memory_space<vmem>>, vector<16xf32>,
            %gather3A_368 = arith.constant 1 : i32
            %gather3A_369 = arith.constant 0 : i32
            %gather3A_370 = arith.constant 0 : i32
            %gather3A_371 = tpu.memref_slice %arg11[%gather3A_368, %gather3A_369, %gather3A_370] : memref<2x64x512xf32, #tpu.memory_space<vmem>> -> memref<1x64x512xf32, #tpu.memory_space<vmem>>
            %gather3A_372 = tpu.memref_squeeze %gather3A_371 : memref<1x64x512xf32, #tpu.memory_space<vmem>> -> memref<64x512xf32, #tpu.memory_space<vmem>>
            %gather3A_373 = tpu.vector_load_idx %gather3A_372[%add3A_16, %sub3A_337] : memref<64x512xf32, #tpu.memory_space<vmem>>[vector<16xi32>, vector<16xi32>], vector<16xf32>,
            %swap3A_374 = arith.index_cast %add3A_340 : i32 to index
            %swap3A_375 = arith.constant 48 : index
            %swap3A_376 = tpu.vector_load %arg12[%swap3A_374, %swap3A_375] {strides = array<i32>} : memref<32x128xf32, #tpu.memory_space<vmem>>, vector<16xf32>,
            tpu.vector_store %arg12[%swap3A_374, %swap3A_375], %gather3A_373 {strides = array<i32>} : memref<32x128xf32, #tpu.memory_space<vmem>>, vector<16xf32>,
            %eq3A_377 = vector.broadcast %while3A_323 : i32 to vector<16xi32>
            %eq3A_378 = arith.cmpi eq, %iota3A, %eq3A_377 : vector<16xi32>
            %select_n3A_379 = arith.select %eq3A_378, %gather3A_335, %while3A_326 : vector<16xi1>, vector<16xi32>
            %add3A_380 = arith.constant 1 : i32
            %add3A_381 = arith.addi %while3A_323, %add3A_380 : i32
            %eq3A_382 = arith.constant 16 : i32
            %eq3A_383 = arith.cmpi eq, %add3A_381, %eq3A_382 : i32
            %gt3A_384 = arith.constant 0 : i32
            %gt3A_385 = arith.cmpi sgt, %while3A_325, %gt3A_384 : i32
            %and3A_386 = arith.andi %eq3A_383, %gt3A_385 : i1
            %convert_element_type3A_387 = arith.extui %and3A_386 : i1 to i32
            %cond3A_388 = arith.constant 0 : i32
            %cond3A_389 = arith.cmpi ne, %convert_element_type3A_387, %cond3A_388 : i32
            scf.if %cond3A_389 {
              %dma_wait3A_401 = arith.constant 0 : i32
              %dma_wait3A_402 = arith.constant 0 : i32
              %dma_wait3A_403 = tpu.memref_slice %arg12[%dma_wait3A_401, %dma_wait3A_402] : memref<32x128xf32, #tpu.memory_space<vmem>> -> memref<16x128xf32, #tpu.memory_space<vmem>>
              %dma_wait3A_404 = arith.constant 0 : i32
              %dma_wait3A_405 = arith.constant 0 : i32
              %dma_wait3A_406 = tpu.memref_slice %arg7[%dma_wait3A_404, %dma_wait3A_405] : memref<16392x128xf32, #tpu.memory_space<hbm>> -> memref<16x128xf32, #tpu.memory_space<hbm>>
              %dma_wait3A_407 = arith.constant 0 : i32
              %dma_wait3A_408 = arith.constant 0 : i32
              %dma_wait3A_409 = tpu.memref_slice %arg7[%dma_wait3A_407, %dma_wait3A_408] : memref<16392x128xf32, #tpu.memory_space<hbm>> -> memref<16x128xf32, #tpu.memory_space<hbm>>
              %dma_wait3A_410 = arith.constant 0 : i32
              %dma_wait3A_411 = arith.constant 0 : i32
              %dma_wait3A_412 = tpu.memref_slice %arg12[%dma_wait3A_410, %dma_wait3A_411] : memref<32x128xf32, #tpu.memory_space<vmem>> -> memref<16x128xf32, #tpu.memory_space<vmem>>
              tpu.wait_dma2 semaphore(%arg17 : memref<!tpu.dma_semaphore, #tpu.memory_space<semaphore_mem>>) src(%dma_wait3A_412 : memref<16x128xf32, #tpu.memory_space<vmem>>) dst(%dma_wait3A_409 : memref<16x128xf32, #tpu.memory_space<hbm>>)
            } else {
            }
            %convert_element_type3A_390 = arith.extui %eq3A_383 : i1 to i32
            %cond3A_391 = arith.constant 0 : i32
            %cond3A_392 = arith.cmpi ne, %convert_element_type3A_390, %cond3A_391 : i32
            scf.if %cond3A_392 {
              %mul3A_401 = arith.constant 16 : i32
              %mul3A_402 = arith.muli %while3A_324, %mul3A_401 : i32
              %multiple_of3A_403 = tpu.assume_multiple %mul3A_402, 16 : i32
              %dma_start3A_404 = arith.constant 0 : i32
              %dma_start3A_405 = tpu.memref_slice %arg12[%multiple_of3A_403, %dma_start3A_404] : memref<32x128xf32, #tpu.memory_space<vmem>> -> memref<16x128xf32, #tpu.memory_space<vmem>>
              %dma_start3A_406 = arith.constant 0 : i32
              %dma_start3A_407 = arith.constant 0 : i32
              %dma_start3A_408 = tpu.memref_slice %arg7[%dma_start3A_406, %dma_start3A_407] : memref<16392x128xf32, #tpu.memory_space<hbm>> -> memref<16392x128xf32, #tpu.memory_space<hbm>>
              tpu.enqueue_indirect_dma source(%dma_start3A_405 : memref<16x128xf32, #tpu.memory_space<vmem>>) target(%dma_start3A_408 : memref<16392x128xf32, #tpu.memory_space<hbm>>) offsets(%select_n3A_379 : vector<16xi32>) semaphore(%arg17 : memref<!tpu.dma_semaphore, #tpu.memory_space<semaphore_mem>>)
            } else {
            }
            %select_n3A_393 = arith.constant 0 : i32
            %select_n3A_394 = arith.select %eq3A_383, %select_n3A_393, %add3A_381 : i32
            %sub3A_395 = arith.constant 1 : i32
            %sub3A_396 = arith.subi %sub3A_395, %while3A_324 : i32
            %select_n3A_397 = arith.select %eq3A_383, %sub3A_396, %while3A_324 : i32
            %add3A_398 = arith.constant 1 : i32
            %add3A_399 = arith.addi %while3A_325, %add3A_398 : i32
            %select_n3A_400 = arith.select %eq3A_383, %add3A_399, %while3A_325 : i32
            scf.yield %select_n3A_394, %select_n3A_397, %select_n3A_400, %select_n3A_379 : i32, i32, i32, vector<16xi32>
          }
          scf.yield %while3A_321#0, %while3A_321#1, %while3A_321#2, %while3A_321#3 : i32, i32, i32, vector<16xi32>
        }
        %while3A_273 = arith.constant 1 : i32
        %while3A_274:4 = scf.for %while3A_281 = %while3A_270 to %while3A_266 step %while3A_273 iter_args(%while3A_282 = %while3A_272#0, %while3A_283 = %while3A_272#1, %while3A_284 = %while3A_272#2, %while3A_285 = %while3A_272#3) -> (i32, i32, i32, vector<16xi32>)  : i32 {
          %mul3A_286 = arith.constant 16 : i32
          %mul3A_287 = arith.muli %while3A_281, %mul3A_286 : i32
          %get3A = arith.index_cast %mul3A_287 : i32 to index
          %get3A_288 = tpu.vector_load %arg9[%get3A] {strides = array<i32>} : memref<16400xi32, #tpu.memory_space<vmem>>, vector<16xi32>,
          %mul3A_289 = arith.constant 16 : i32
          %mul3A_290 = arith.muli %while3A_281, %mul3A_289 : i32
          %get3A_291 = arith.index_cast %mul3A_290 : i32 to index
          %get3A_292 = tpu.vector_load %arg10[%get3A_291] {strides = array<i32>} : memref<16400xi32, #tpu.memory_space<vmem>>, vector<16xi32>,
          %ge3A_293 = vector.broadcast %mul3A_259 : i32 to vector<16xi32>
          %ge3A_294 = arith.cmpi sge, %get3A_288, %ge3A_293 : vector<16xi32>
          %add3A_295 = arith.constant 512 : i32
          %add3A_296 = arith.addi %mul3A_259, %add3A_295 : i32
          %lt3A_297 = vector.broadcast %add3A_296 : i32 to vector<16xi32>
          %lt3A_298 = arith.cmpi slt, %get3A_288, %lt3A_297 : vector<16xi32>
          %and3A = arith.andi %ge3A_294, %lt3A_298 : vector<16xi1>
          %swap3A_299 = arith.constant 0 : index
          %swap3A_300 = tpu.vector_load %arg13[%swap3A_299] masked %and3A {strides = array<i32>} : memref<16xi32, #tpu.memory_space<vmem>>, vector<16xi32>, vector<16xi1>
          tpu.vector_store %arg13[%swap3A_299], %get3A_288 masked %and3A {strides = array<i32>} : memref<16xi32, #tpu.memory_space<vmem>>, vector<16xi32>, vector<16xi1>
          %swap3A_301 = arith.constant 0 : index
          %swap3A_302 = tpu.vector_load %arg14[%swap3A_301] masked %and3A {strides = array<i32>} : memref<16xi32, #tpu.memory_space<vmem>>, vector<16xi32>, vector<16xi1>
          tpu.vector_store %arg14[%swap3A_301], %get3A_292 masked %and3A {strides = array<i32>} : memref<16xi32, #tpu.memory_space<vmem>>, vector<16xi32>, vector<16xi1>
          %all_reduce_population_count3A = tpu.all_reduce %and3A {dim = 0 : i64, kind = #tpu.reduction_kind<sum>} : vector<16xi1> -> vector<16xi32>
          %eq3A = arith.constant 0 : i32
          %eq3A_303 = vector.broadcast %eq3A : i32 to vector<16xi32>
          %eq3A_304 = arith.cmpi eq, %iota3A, %eq3A_303 : vector<16xi32>
          %jit3A_305 = arith.constant 0 : i32
          %broadcast_in_dim3A_306 = vector.broadcast %jit3A_305 : i32 to vector<16xi32>
          %select_n3A_307 = arith.select %eq3A_304, %all_reduce_population_count3A, %broadcast_in_dim3A_306 : vector<16xi1>, vector<16xi32>
          %reduce_sum3A = arith.constant true
          %reduce_sum3A_308 = vector.broadcast %reduce_sum3A : i1 to vector<16xi1>
          %reduce_sum3A_309 = tpu.scan <sum>, %select_n3A_307 masked %reduce_sum3A_308 : vector<16xi32>, vector<16xi1> -> vector<16xi32>
          %reduce_sum3A_310 = vector.extract %reduce_sum3A_309[15] : i32 from vector<16xi32>
          %while3A_311 = arith.constant 0 : i32
          %while3A_312 = arith.subi %reduce_sum3A_310, %while3A_311 : i32
          %while3A_313 = arith.addi %while3A_311, %while3A_312 : i32
          %while3A_314 = arith.constant 1 : i32
          %while3A_315 = arith.divsi %while3A_312, %while3A_314 : i32
          %while3A_316 = arith.muli %while3A_315, %while3A_314 : i32
          %while3A_317 = arith.addi %while3A_311, %while3A_316 : i32
          %while3A_318 = arith.constant 1 : i32
          %while3A_319:4 = scf.for %while3A_322 = %while3A_311 to %while3A_317 step %while3A_318 iter_args(%while3A_323 = %while3A_282, %while3A_324 = %while3A_283, %while3A_325 = %while3A_284, %while3A_326 = %while3A_285) -> (i32, i32, i32, vector<16xi32>)  : i32 {
            %broadcast_in_dim3A_327 = arith.constant 0 : i32
            %broadcast_in_dim3A_328 = vector.broadcast %broadcast_in_dim3A_327 : i32 to vector<16xi32>
            %add3A_329 = vector.broadcast %while3A_322 : i32 to vector<16xi32>
            %add3A_330 = arith.addi %broadcast_in_dim3A_328, %add3A_329 : vector<16xi32>
            %gather3A = arith.constant 0 : i32
            %gather3A_331 = tpu.memref_slice %arg13[%gather3A] : memref<16xi32, #tpu.memory_space<vmem>> -> memref<16xi32, #tpu.memory_space<vmem>>
            %gather3A_332 = tpu.vector_load_idx %gather3A_331[%add3A_330] : memref<16xi32, #tpu.memory_space<vmem>>[vector<16xi32>], vector<16xi32>,
            %gather3A_333 = arith.constant 0 : i32
            %gather3A_334 = tpu.memref_slice %arg14[%gather3A_333] : memref<16xi32, #tpu.memory_space<vmem>> -> memref<16xi32, #tpu.memory_space<vmem>>
            %gather3A_335 = tpu.vector_load_idx %gather3A_334[%add3A_330] : memref<16xi32, #tpu.memory_space<vmem>>[vector<16xi32>], vector<16xi32>,
            %sub3A_336 = vector.broadcast %min3A_264 : i32 to vector<16xi32>
            %sub3A_337 = arith.subi %gather3A_332, %sub3A_336 : vector<16xi32>
            %mul3A_338 = arith.constant 16 : i32
            %mul3A_339 = arith.muli %while3A_324, %mul3A_338 : i32
            %add3A_340 = arith.addi %mul3A_339, %while3A_323 : i32
            %gather3A_341 = arith.constant 1 : i32
            %gather3A_342 = arith.constant 0 : i32
            %gather3A_343 = arith.constant 0 : i32
            %gather3A_344 = tpu.memref_slice %arg11[%gather3A_341, %gather3A_342, %gather3A_343] : memref<2x64x512xf32, #tpu.memory_space<vmem>> -> memref<1x64x512xf32, #tpu.memory_space<vmem>>
            %gather3A_345 = tpu.memref_squeeze %gather3A_344 : memref<1x64x512xf32, #tpu.memory_space<vmem>> -> memref<64x512xf32, #tpu.memory_space<vmem>>
            %gather3A_346 = tpu.vector_load_idx %gather3A_345[%add3A_4, %sub3A_337] : memref<64x512xf32, #tpu.memory_space<vmem>>[vector<16xi32>, vector<16xi32>], vector<16xf32>,
            %swap3A_347 = arith.index_cast %add3A_340 : i32 to index
            %swap3A_348 = arith.constant 0 : index
            %swap3A_349 = tpu.vector_load %arg12[%swap3A_347, %swap3A_348] {strides = array<i32>} : memref<32x128xf32, #tpu.memory_space<vmem>>, vector<16xf32>,
            tpu.vector_store %arg12[%swap3A_347, %swap3A_348], %gather3A_346 {strides = array<i32>} : memref<32x128xf32, #tpu.memory_space<vmem>>, vector<16xf32>,
            %gather3A_350 = arith.constant 1 : i32
            %gather3A_351 = arith.constant 0 : i32
            %gather3A_352 = arith.constant 0 : i32
            %gather3A_353 = tpu.memref_slice %arg11[%gather3A_350, %gather3A_351, %gather3A_352] : memref<2x64x512xf32, #tpu.memory_space<vmem>> -> memref<1x64x512xf32, #tpu.memory_space<vmem>>
            %gather3A_354 = tpu.memref_squeeze %gather3A_353 : memref<1x64x512xf32, #tpu.memory_space<vmem>> -> memref<64x512xf32, #tpu.memory_space<vmem>>
            %gather3A_355 = tpu.vector_load_idx %gather3A_354[%add3A_8, %sub3A_337] : memref<64x512xf32, #tpu.memory_space<vmem>>[vector<16xi32>, vector<16xi32>], vector<16xf32>,
            %swap3A_356 = arith.index_cast %add3A_340 : i32 to index
            %swap3A_357 = arith.constant 16 : index
            %swap3A_358 = tpu.vector_load %arg12[%swap3A_356, %swap3A_357] {strides = array<i32>} : memref<32x128xf32, #tpu.memory_space<vmem>>, vector<16xf32>,
            tpu.vector_store %arg12[%swap3A_356, %swap3A_357], %gather3A_355 {strides = array<i32>} : memref<32x128xf32, #tpu.memory_space<vmem>>, vector<16xf32>,
            %gather3A_359 = arith.constant 1 : i32
            %gather3A_360 = arith.constant 0 : i32
            %gather3A_361 = arith.constant 0 : i32
            %gather3A_362 = tpu.memref_slice %arg11[%gather3A_359, %gather3A_360, %gather3A_361] : memref<2x64x512xf32, #tpu.memory_space<vmem>> -> memref<1x64x512xf32, #tpu.memory_space<vmem>>
            %gather3A_363 = tpu.memref_squeeze %gather3A_362 : memref<1x64x512xf32, #tpu.memory_space<vmem>> -> memref<64x512xf32, #tpu.memory_space<vmem>>
            %gather3A_364 = tpu.vector_load_idx %gather3A_363[%add3A_12, %sub3A_337] : memref<64x512xf32, #tpu.memory_space<vmem>>[vector<16xi32>, vector<16xi32>], vector<16xf32>,
            %swap3A_365 = arith.index_cast %add3A_340 : i32 to index
            %swap3A_366 = arith.constant 32 : index
            %swap3A_367 = tpu.vector_load %arg12[%swap3A_365, %swap3A_366] {strides = array<i32>} : memref<32x128xf32, #tpu.memory_space<vmem>>, vector<16xf32>,
            tpu.vector_store %arg12[%swap3A_365, %swap3A_366], %gather3A_364 {strides = array<i32>} : memref<32x128xf32, #tpu.memory_space<vmem>>, vector<16xf32>,
            %gather3A_368 = arith.constant 1 : i32
            %gather3A_369 = arith.constant 0 : i32
            %gather3A_370 = arith.constant 0 : i32
            %gather3A_371 = tpu.memref_slice %arg11[%gather3A_368, %gather3A_369, %gather3A_370] : memref<2x64x512xf32, #tpu.memory_space<vmem>> -> memref<1x64x512xf32, #tpu.memory_space<vmem>>
            %gather3A_372 = tpu.memref_squeeze %gather3A_371 : memref<1x64x512xf32, #tpu.memory_space<vmem>> -> memref<64x512xf32, #tpu.memory_space<vmem>>
            %gather3A_373 = tpu.vector_load_idx %gather3A_372[%add3A_16, %sub3A_337] : memref<64x512xf32, #tpu.memory_space<vmem>>[vector<16xi32>, vector<16xi32>], vector<16xf32>,
            %swap3A_374 = arith.index_cast %add3A_340 : i32 to index
            %swap3A_375 = arith.constant 48 : index
            %swap3A_376 = tpu.vector_load %arg12[%swap3A_374, %swap3A_375] {strides = array<i32>} : memref<32x128xf32, #tpu.memory_space<vmem>>, vector<16xf32>,
            tpu.vector_store %arg12[%swap3A_374, %swap3A_375], %gather3A_373 {strides = array<i32>} : memref<32x128xf32, #tpu.memory_space<vmem>>, vector<16xf32>,
            %eq3A_377 = vector.broadcast %while3A_323 : i32 to vector<16xi32>
            %eq3A_378 = arith.cmpi eq, %iota3A, %eq3A_377 : vector<16xi32>
            %select_n3A_379 = arith.select %eq3A_378, %gather3A_335, %while3A_326 : vector<16xi1>, vector<16xi32>
            %add3A_380 = arith.constant 1 : i32
            %add3A_381 = arith.addi %while3A_323, %add3A_380 : i32
            %eq3A_382 = arith.constant 16 : i32
            %eq3A_383 = arith.cmpi eq, %add3A_381, %eq3A_382 : i32
            %gt3A_384 = arith.constant 0 : i32
            %gt3A_385 = arith.cmpi sgt, %while3A_325, %gt3A_384 : i32
            %and3A_386 = arith.andi %eq3A_383, %gt3A_385 : i1
            %convert_element_type3A_387 = arith.extui %and3A_386 : i1 to i32
            %cond3A_388 = arith.constant 0 : i32
            %cond3A_389 = arith.cmpi ne, %convert_element_type3A_387, %cond3A_388 : i32
            scf.if %cond3A_389 {
              %dma_wait3A_401 = arith.constant 0 : i32
              %dma_wait3A_402 = arith.constant 0 : i32
              %dma_wait3A_403 = tpu.memref_slice %arg12[%dma_wait3A_401, %dma_wait3A_402] : memref<32x128xf32, #tpu.memory_space<vmem>> -> memref<16x128xf32, #tpu.memory_space<vmem>>
              %dma_wait3A_404 = arith.constant 0 : i32
              %dma_wait3A_405 = arith.constant 0 : i32
              %dma_wait3A_406 = tpu.memref_slice %arg7[%dma_wait3A_404, %dma_wait3A_405] : memref<16392x128xf32, #tpu.memory_space<hbm>> -> memref<16x128xf32, #tpu.memory_space<hbm>>
              %dma_wait3A_407 = arith.constant 0 : i32
              %dma_wait3A_408 = arith.constant 0 : i32
              %dma_wait3A_409 = tpu.memref_slice %arg7[%dma_wait3A_407, %dma_wait3A_408] : memref<16392x128xf32, #tpu.memory_space<hbm>> -> memref<16x128xf32, #tpu.memory_space<hbm>>
              %dma_wait3A_410 = arith.constant 0 : i32
              %dma_wait3A_411 = arith.constant 0 : i32
              %dma_wait3A_412 = tpu.memref_slice %arg12[%dma_wait3A_410, %dma_wait3A_411] : memref<32x128xf32, #tpu.memory_space<vmem>> -> memref<16x128xf32, #tpu.memory_space<vmem>>
              tpu.wait_dma2 semaphore(%arg17 : memref<!tpu.dma_semaphore, #tpu.memory_space<semaphore_mem>>) src(%dma_wait3A_412 : memref<16x128xf32, #tpu.memory_space<vmem>>) dst(%dma_wait3A_409 : memref<16x128xf32, #tpu.memory_space<hbm>>)
            } else {
            }
            %convert_element_type3A_390 = arith.extui %eq3A_383 : i1 to i32
            %cond3A_391 = arith.constant 0 : i32
            %cond3A_392 = arith.cmpi ne, %convert_element_type3A_390, %cond3A_391 : i32
            scf.if %cond3A_392 {
              %mul3A_401 = arith.constant 16 : i32
              %mul3A_402 = arith.muli %while3A_324, %mul3A_401 : i32
              %multiple_of3A_403 = tpu.assume_multiple %mul3A_402, 16 : i32
              %dma_start3A_404 = arith.constant 0 : i32
              %dma_start3A_405 = tpu.memref_slice %arg12[%multiple_of3A_403, %dma_start3A_404] : memref<32x128xf32, #tpu.memory_space<vmem>> -> memref<16x128xf32, #tpu.memory_space<vmem>>
              %dma_start3A_406 = arith.constant 0 : i32
              %dma_start3A_407 = arith.constant 0 : i32
              %dma_start3A_408 = tpu.memref_slice %arg7[%dma_start3A_406, %dma_start3A_407] : memref<16392x128xf32, #tpu.memory_space<hbm>> -> memref<16392x128xf32, #tpu.memory_space<hbm>>
              tpu.enqueue_indirect_dma source(%dma_start3A_405 : memref<16x128xf32, #tpu.memory_space<vmem>>) target(%dma_start3A_408 : memref<16392x128xf32, #tpu.memory_space<hbm>>) offsets(%select_n3A_379 : vector<16xi32>) semaphore(%arg17 : memref<!tpu.dma_semaphore, #tpu.memory_space<semaphore_mem>>)
            } else {
            }
            %select_n3A_393 = arith.constant 0 : i32
            %select_n3A_394 = arith.select %eq3A_383, %select_n3A_393, %add3A_381 : i32
            %sub3A_395 = arith.constant 1 : i32
            %sub3A_396 = arith.subi %sub3A_395, %while3A_324 : i32
            %select_n3A_397 = arith.select %eq3A_383, %sub3A_396, %while3A_324 : i32
            %add3A_398 = arith.constant 1 : i32
            %add3A_399 = arith.addi %while3A_325, %add3A_398 : i32
            %select_n3A_400 = arith.select %eq3A_383, %add3A_399, %while3A_325 : i32
            scf.yield %select_n3A_394, %select_n3A_397, %select_n3A_400, %select_n3A_379 : i32, i32, i32, vector<16xi32>
          }
          %while3A_320 = arith.constant 1 : i32
          %while3A_321:4 = scf.for %while3A_322 = %while3A_317 to %while3A_313 step %while3A_320 iter_args(%while3A_323 = %while3A_319#0, %while3A_324 = %while3A_319#1, %while3A_325 = %while3A_319#2, %while3A_326 = %while3A_319#3) -> (i32, i32, i32, vector<16xi32>)  : i32 {
            %broadcast_in_dim3A_327 = arith.constant 0 : i32
            %broadcast_in_dim3A_328 = vector.broadcast %broadcast_in_dim3A_327 : i32 to vector<16xi32>
            %add3A_329 = vector.broadcast %while3A_322 : i32 to vector<16xi32>
            %add3A_330 = arith.addi %broadcast_in_dim3A_328, %add3A_329 : vector<16xi32>
            %gather3A = arith.constant 0 : i32
            %gather3A_331 = tpu.memref_slice %arg13[%gather3A] : memref<16xi32, #tpu.memory_space<vmem>> -> memref<16xi32, #tpu.memory_space<vmem>>
            %gather3A_332 = tpu.vector_load_idx %gather3A_331[%add3A_330] : memref<16xi32, #tpu.memory_space<vmem>>[vector<16xi32>], vector<16xi32>,
            %gather3A_333 = arith.constant 0 : i32
            %gather3A_334 = tpu.memref_slice %arg14[%gather3A_333] : memref<16xi32, #tpu.memory_space<vmem>> -> memref<16xi32, #tpu.memory_space<vmem>>
            %gather3A_335 = tpu.vector_load_idx %gather3A_334[%add3A_330] : memref<16xi32, #tpu.memory_space<vmem>>[vector<16xi32>], vector<16xi32>,
            %sub3A_336 = vector.broadcast %min3A_264 : i32 to vector<16xi32>
            %sub3A_337 = arith.subi %gather3A_332, %sub3A_336 : vector<16xi32>
            %mul3A_338 = arith.constant 16 : i32
            %mul3A_339 = arith.muli %while3A_324, %mul3A_338 : i32
            %add3A_340 = arith.addi %mul3A_339, %while3A_323 : i32
            %gather3A_341 = arith.constant 1 : i32
            %gather3A_342 = arith.constant 0 : i32
            %gather3A_343 = arith.constant 0 : i32
            %gather3A_344 = tpu.memref_slice %arg11[%gather3A_341, %gather3A_342, %gather3A_343] : memref<2x64x512xf32, #tpu.memory_space<vmem>> -> memref<1x64x512xf32, #tpu.memory_space<vmem>>
            %gather3A_345 = tpu.memref_squeeze %gather3A_344 : memref<1x64x512xf32, #tpu.memory_space<vmem>> -> memref<64x512xf32, #tpu.memory_space<vmem>>
            %gather3A_346 = tpu.vector_load_idx %gather3A_345[%add3A_4, %sub3A_337] : memref<64x512xf32, #tpu.memory_space<vmem>>[vector<16xi32>, vector<16xi32>], vector<16xf32>,
            %swap3A_347 = arith.index_cast %add3A_340 : i32 to index
            %swap3A_348 = arith.constant 0 : index
            %swap3A_349 = tpu.vector_load %arg12[%swap3A_347, %swap3A_348] {strides = array<i32>} : memref<32x128xf32, #tpu.memory_space<vmem>>, vector<16xf32>,
            tpu.vector_store %arg12[%swap3A_347, %swap3A_348], %gather3A_346 {strides = array<i32>} : memref<32x128xf32, #tpu.memory_space<vmem>>, vector<16xf32>,
            %gather3A_350 = arith.constant 1 : i32
            %gather3A_351 = arith.constant 0 : i32
            %gather3A_352 = arith.constant 0 : i32
            %gather3A_353 = tpu.memref_slice %arg11[%gather3A_350, %gather3A_351, %gather3A_352] : memref<2x64x512xf32, #tpu.memory_space<vmem>> -> memref<1x64x512xf32, #tpu.memory_space<vmem>>
            %gather3A_354 = tpu.memref_squeeze %gather3A_353 : memref<1x64x512xf32, #tpu.memory_space<vmem>> -> memref<64x512xf32, #tpu.memory_space<vmem>>
            %gather3A_355 = tpu.vector_load_idx %gather3A_354[%add3A_8, %sub3A_337] : memref<64x512xf32, #tpu.memory_space<vmem>>[vector<16xi32>, vector<16xi32>], vector<16xf32>,
            %swap3A_356 = arith.index_cast %add3A_340 : i32 to index
            %swap3A_357 = arith.constant 16 : index
            %swap3A_358 = tpu.vector_load %arg12[%swap3A_356, %swap3A_357] {strides = array<i32>} : memref<32x128xf32, #tpu.memory_space<vmem>>, vector<16xf32>,
            tpu.vector_store %arg12[%swap3A_356, %swap3A_357], %gather3A_355 {strides = array<i32>} : memref<32x128xf32, #tpu.memory_space<vmem>>, vector<16xf32>,
            %gather3A_359 = arith.constant 1 : i32
            %gather3A_360 = arith.constant 0 : i32
            %gather3A_361 = arith.constant 0 : i32
            %gather3A_362 = tpu.memref_slice %arg11[%gather3A_359, %gather3A_360, %gather3A_361] : memref<2x64x512xf32, #tpu.memory_space<vmem>> -> memref<1x64x512xf32, #tpu.memory_space<vmem>>
            %gather3A_363 = tpu.memref_squeeze %gather3A_362 : memref<1x64x512xf32, #tpu.memory_space<vmem>> -> memref<64x512xf32, #tpu.memory_space<vmem>>
            %gather3A_364 = tpu.vector_load_idx %gather3A_363[%add3A_12, %sub3A_337] : memref<64x512xf32, #tpu.memory_space<vmem>>[vector<16xi32>, vector<16xi32>], vector<16xf32>,
            %swap3A_365 = arith.index_cast %add3A_340 : i32 to index
            %swap3A_366 = arith.constant 32 : index
            %swap3A_367 = tpu.vector_load %arg12[%swap3A_365, %swap3A_366] {strides = array<i32>} : memref<32x128xf32, #tpu.memory_space<vmem>>, vector<16xf32>,
            tpu.vector_store %arg12[%swap3A_365, %swap3A_366], %gather3A_364 {strides = array<i32>} : memref<32x128xf32, #tpu.memory_space<vmem>>, vector<16xf32>,
            %gather3A_368 = arith.constant 1 : i32
            %gather3A_369 = arith.constant 0 : i32
            %gather3A_370 = arith.constant 0 : i32
            %gather3A_371 = tpu.memref_slice %arg11[%gather3A_368, %gather3A_369, %gather3A_370] : memref<2x64x512xf32, #tpu.memory_space<vmem>> -> memref<1x64x512xf32, #tpu.memory_space<vmem>>
            %gather3A_372 = tpu.memref_squeeze %gather3A_371 : memref<1x64x512xf32, #tpu.memory_space<vmem>> -> memref<64x512xf32, #tpu.memory_space<vmem>>
            %gather3A_373 = tpu.vector_load_idx %gather3A_372[%add3A_16, %sub3A_337] : memref<64x512xf32, #tpu.memory_space<vmem>>[vector<16xi32>, vector<16xi32>], vector<16xf32>,
            %swap3A_374 = arith.index_cast %add3A_340 : i32 to index
            %swap3A_375 = arith.constant 48 : index
            %swap3A_376 = tpu.vector_load %arg12[%swap3A_374, %swap3A_375] {strides = array<i32>} : memref<32x128xf32, #tpu.memory_space<vmem>>, vector<16xf32>,
            tpu.vector_store %arg12[%swap3A_374, %swap3A_375], %gather3A_373 {strides = array<i32>} : memref<32x128xf32, #tpu.memory_space<vmem>>, vector<16xf32>,
            %eq3A_377 = vector.broadcast %while3A_323 : i32 to vector<16xi32>
            %eq3A_378 = arith.cmpi eq, %iota3A, %eq3A_377 : vector<16xi32>
            %select_n3A_379 = arith.select %eq3A_378, %gather3A_335, %while3A_326 : vector<16xi1>, vector<16xi32>
            %add3A_380 = arith.constant 1 : i32
            %add3A_381 = arith.addi %while3A_323, %add3A_380 : i32
            %eq3A_382 = arith.constant 16 : i32
            %eq3A_383 = arith.cmpi eq, %add3A_381, %eq3A_382 : i32
            %gt3A_384 = arith.constant 0 : i32
            %gt3A_385 = arith.cmpi sgt, %while3A_325, %gt3A_384 : i32
            %and3A_386 = arith.andi %eq3A_383, %gt3A_385 : i1
            %convert_element_type3A_387 = arith.extui %and3A_386 : i1 to i32
            %cond3A_388 = arith.constant 0 : i32
            %cond3A_389 = arith.cmpi ne, %convert_element_type3A_387, %cond3A_388 : i32
            scf.if %cond3A_389 {
              %dma_wait3A_401 = arith.constant 0 : i32
              %dma_wait3A_402 = arith.constant 0 : i32
              %dma_wait3A_403 = tpu.memref_slice %arg12[%dma_wait3A_401, %dma_wait3A_402] : memref<32x128xf32, #tpu.memory_space<vmem>> -> memref<16x128xf32, #tpu.memory_space<vmem>>
              %dma_wait3A_404 = arith.constant 0 : i32
              %dma_wait3A_405 = arith.constant 0 : i32
              %dma_wait3A_406 = tpu.memref_slice %arg7[%dma_wait3A_404, %dma_wait3A_405] : memref<16392x128xf32, #tpu.memory_space<hbm>> -> memref<16x128xf32, #tpu.memory_space<hbm>>
              %dma_wait3A_407 = arith.constant 0 : i32
              %dma_wait3A_408 = arith.constant 0 : i32
              %dma_wait3A_409 = tpu.memref_slice %arg7[%dma_wait3A_407, %dma_wait3A_408] : memref<16392x128xf32, #tpu.memory_space<hbm>> -> memref<16x128xf32, #tpu.memory_space<hbm>>
              %dma_wait3A_410 = arith.constant 0 : i32
              %dma_wait3A_411 = arith.constant 0 : i32
              %dma_wait3A_412 = tpu.memref_slice %arg12[%dma_wait3A_410, %dma_wait3A_411] : memref<32x128xf32, #tpu.memory_space<vmem>> -> memref<16x128xf32, #tpu.memory_space<vmem>>
              tpu.wait_dma2 semaphore(%arg17 : memref<!tpu.dma_semaphore, #tpu.memory_space<semaphore_mem>>) src(%dma_wait3A_412 : memref<16x128xf32, #tpu.memory_space<vmem>>) dst(%dma_wait3A_409 : memref<16x128xf32, #tpu.memory_space<hbm>>)
            } else {
            }
            %convert_element_type3A_390 = arith.extui %eq3A_383 : i1 to i32
            %cond3A_391 = arith.constant 0 : i32
            %cond3A_392 = arith.cmpi ne, %convert_element_type3A_390, %cond3A_391 : i32
            scf.if %cond3A_392 {
              %mul3A_401 = arith.constant 16 : i32
              %mul3A_402 = arith.muli %while3A_324, %mul3A_401 : i32
              %multiple_of3A_403 = tpu.assume_multiple %mul3A_402, 16 : i32
              %dma_start3A_404 = arith.constant 0 : i32
              %dma_start3A_405 = tpu.memref_slice %arg12[%multiple_of3A_403, %dma_start3A_404] : memref<32x128xf32, #tpu.memory_space<vmem>> -> memref<16x128xf32, #tpu.memory_space<vmem>>
              %dma_start3A_406 = arith.constant 0 : i32
              %dma_start3A_407 = arith.constant 0 : i32
              %dma_start3A_408 = tpu.memref_slice %arg7[%dma_start3A_406, %dma_start3A_407] : memref<16392x128xf32, #tpu.memory_space<hbm>> -> memref<16392x128xf32, #tpu.memory_space<hbm>>
              tpu.enqueue_indirect_dma source(%dma_start3A_405 : memref<16x128xf32, #tpu.memory_space<vmem>>) target(%dma_start3A_408 : memref<16392x128xf32, #tpu.memory_space<hbm>>) offsets(%select_n3A_379 : vector<16xi32>) semaphore(%arg17 : memref<!tpu.dma_semaphore, #tpu.memory_space<semaphore_mem>>)
            } else {
            }
            %select_n3A_393 = arith.constant 0 : i32
            %select_n3A_394 = arith.select %eq3A_383, %select_n3A_393, %add3A_381 : i32
            %sub3A_395 = arith.constant 1 : i32
            %sub3A_396 = arith.subi %sub3A_395, %while3A_324 : i32
            %select_n3A_397 = arith.select %eq3A_383, %sub3A_396, %while3A_324 : i32
            %add3A_398 = arith.constant 1 : i32
            %add3A_399 = arith.addi %while3A_325, %add3A_398 : i32
            %select_n3A_400 = arith.select %eq3A_383, %add3A_399, %while3A_325 : i32
            scf.yield %select_n3A_394, %select_n3A_397, %select_n3A_400, %select_n3A_379 : i32, i32, i32, vector<16xi32>
          }
          scf.yield %while3A_321#0, %while3A_321#1, %while3A_321#2, %while3A_321#3 : i32, i32, i32, vector<16xi32>
        }
        %add3A_275 = arith.constant 2 : i32
        %add3A_276 = arith.addi %add3A_236, %add3A_275 : i32
        %lt3A_277 = arith.cmpi slt, %add3A_276, %add3A_19 : i32
        %convert_element_type3A_278 = arith.extui %lt3A_277 : i1 to i32
        %cond3A_279 = arith.constant 0 : i32
        %cond3A_280 = arith.cmpi ne, %convert_element_type3A_278, %cond3A_279 : i32
        scf.if %cond3A_280 {
          %add3A_281 = arith.constant 2 : i32
          %add3A_282 = arith.addi %add3A_236, %add3A_281 : i32
          %add3A_283 = arith.addi %add3A_23, %add3A_282 : i32
          %mul3A_284 = arith.constant 512 : i32
          %mul3A_285 = arith.muli %add3A_283, %mul3A_284 : i32
          %min3A_286 = arith.constant 999552 : i32
          %min3A_287 = arith.minsi %mul3A_285, %min3A_286 : i32
          %multiple_of3A_288 = tpu.assume_multiple %min3A_287, 128 : i32
          %dma_start3A_289 = arith.constant 1 : i32
          %dma_start3A_290 = arith.constant 0 : i32
          %dma_start3A_291 = arith.constant 0 : i32
          %dma_start3A_292 = tpu.memref_slice %arg11[%dma_start3A_289, %dma_start3A_290, %dma_start3A_291] : memref<2x64x512xf32, #tpu.memory_space<vmem>> -> memref<1x64x512xf32, #tpu.memory_space<vmem>>
          %dma_start3A_293 = tpu.memref_squeeze %dma_start3A_292 : memref<1x64x512xf32, #tpu.memory_space<vmem>> -> memref<64x512xf32, #tpu.memory_space<vmem>>
          %dma_start3A_294 = arith.constant 0 : i32
          %dma_start3A_295 = tpu.memref_slice %arg5[%dma_start3A_294, %multiple_of3A_288] : memref<64x1000000xf32, #tpu.memory_space<hbm>> -> memref<64x512xf32, #tpu.memory_space<hbm>>
          %dma_start3A_296 = arith.constant 0 : i32
          %dma_start3A_297 = arith.constant 0 : i32
          %dma_start3A_298 = tpu.memref_slice %arg11[%dma_start3A_289, %dma_start3A_296, %dma_start3A_297] : memref<2x64x512xf32, #tpu.memory_space<vmem>> -> memref<1x64x512xf32, #tpu.memory_space<vmem>>
          %dma_start3A_299 = tpu.memref_squeeze %dma_start3A_298 : memref<1x64x512xf32, #tpu.memory_space<vmem>> -> memref<64x512xf32, #tpu.memory_space<vmem>>
          %dma_start3A_300 = arith.constant 0 : i32
          %dma_start3A_301 = tpu.memref_slice %arg5[%dma_start3A_300, %multiple_of3A_288] : memref<64x1000000xf32, #tpu.memory_space<hbm>> -> memref<64x512xf32, #tpu.memory_space<hbm>>
          tpu.enqueue_dma source(%dma_start3A_301 : memref<64x512xf32, #tpu.memory_space<hbm>>) target(%dma_start3A_299 : memref<64x512xf32, #tpu.memory_space<vmem>>) target_semaphore(%arg16 : memref<!tpu.dma_semaphore, #tpu.memory_space<semaphore_mem>>)
        } else {
        }
        scf.yield %while3A_274#0, %while3A_274#1, %while3A_274#2, %while3A_274#3 : i32, i32, i32, vector<16xi32>
      } else {
        scf.yield %cond3A_232#0, %cond3A_232#1, %cond3A_232#2, %cond3A_232#3 : i32, i32, i32, vector<16xi32>
      }
      scf.yield %cond3A_241#0, %cond3A_241#1, %cond3A_241#2, %cond3A_241#3 : i32, i32, i32, vector<16xi32>
    }
    %scan3A_195 = arith.constant 31 : i32
    %gt3A_196 = arith.constant 0 : i32
    %gt3A_197 = arith.cmpi sgt, %scan3A_194#2, %gt3A_196 : i32
    %convert_element_type3A_198 = arith.extui %gt3A_197 : i1 to i32
    %cond3A_199 = arith.constant 0 : i32
    %cond3A_200 = arith.cmpi ne, %convert_element_type3A_198, %cond3A_199 : i32
    scf.if %cond3A_200 {
      %dma_wait3A_219 = arith.constant 0 : i32
      %dma_wait3A_220 = arith.constant 0 : i32
      %dma_wait3A_221 = tpu.memref_slice %arg12[%dma_wait3A_219, %dma_wait3A_220] : memref<32x128xf32, #tpu.memory_space<vmem>> -> memref<16x128xf32, #tpu.memory_space<vmem>>
      %dma_wait3A_222 = arith.constant 0 : i32
      %dma_wait3A_223 = arith.constant 0 : i32
      %dma_wait3A_224 = tpu.memref_slice %arg7[%dma_wait3A_222, %dma_wait3A_223] : memref<16392x128xf32, #tpu.memory_space<hbm>> -> memref<16x128xf32, #tpu.memory_space<hbm>>
      %dma_wait3A_225 = arith.constant 0 : i32
      %dma_wait3A_226 = arith.constant 0 : i32
      %dma_wait3A_227 = tpu.memref_slice %arg7[%dma_wait3A_225, %dma_wait3A_226] : memref<16392x128xf32, #tpu.memory_space<hbm>> -> memref<16x128xf32, #tpu.memory_space<hbm>>
      %dma_wait3A_228 = arith.constant 0 : i32
      %dma_wait3A_229 = arith.constant 0 : i32
      %dma_wait3A_230 = tpu.memref_slice %arg12[%dma_wait3A_228, %dma_wait3A_229] : memref<32x128xf32, #tpu.memory_space<vmem>> -> memref<16x128xf32, #tpu.memory_space<vmem>>
      tpu.wait_dma2 semaphore(%arg17 : memref<!tpu.dma_semaphore, #tpu.memory_space<semaphore_mem>>) src(%dma_wait3A_230 : memref<16x128xf32, #tpu.memory_space<vmem>>) dst(%dma_wait3A_227 : memref<16x128xf32, #tpu.memory_space<hbm>>)
    } else {
    }
    %ge3A_201 = vector.broadcast %scan3A_194#0 : i32 to vector<16xi32>
    %ge3A_202 = arith.cmpi sge, %iota3A, %ge3A_201 : vector<16xi32>
    %jit3A_203 = arith.constant 16384 : i32
    %broadcast_in_dim3A_204 = vector.broadcast %jit3A_203 : i32 to vector<16xi32>
    %select_n3A_205 = arith.select %ge3A_202, %broadcast_in_dim3A_204, %scan3A_194#3 : vector<16xi1>, vector<16xi32>
    %mul3A_206 = arith.constant 16 : i32
    %mul3A_207 = arith.muli %scan3A_194#1, %mul3A_206 : i32
    %multiple_of3A_208 = tpu.assume_multiple %mul3A_207, 16 : i32
    %dma_start3A_209 = arith.constant 0 : i32
    %dma_start3A_210 = tpu.memref_slice %arg12[%multiple_of3A_208, %dma_start3A_209] : memref<32x128xf32, #tpu.memory_space<vmem>> -> memref<16x128xf32, #tpu.memory_space<vmem>>
    %dma_start3A_211 = arith.constant 0 : i32
    %dma_start3A_212 = arith.constant 0 : i32
    %dma_start3A_213 = tpu.memref_slice %arg7[%dma_start3A_211, %dma_start3A_212] : memref<16392x128xf32, #tpu.memory_space<hbm>> -> memref<16392x128xf32, #tpu.memory_space<hbm>>
    tpu.enqueue_indirect_dma source(%dma_start3A_210 : memref<16x128xf32, #tpu.memory_space<vmem>>) target(%dma_start3A_213 : memref<16392x128xf32, #tpu.memory_space<hbm>>) offsets(%select_n3A_205 : vector<16xi32>) semaphore(%arg17 : memref<!tpu.dma_semaphore, #tpu.memory_space<semaphore_mem>>)
    %dma_wait3A_214 = arith.constant 0 : i32
    %dma_wait3A_215 = tpu.memref_slice %arg12[%multiple_of3A_208, %dma_wait3A_214] : memref<32x128xf32, #tpu.memory_space<vmem>> -> memref<16x128xf32, #tpu.memory_space<vmem>>
    %dma_wait3A_216 = arith.constant 0 : i32
    %dma_wait3A_217 = arith.constant 0 : i32
    %dma_wait3A_218 = tpu.memref_slice %arg7[%dma_wait3A_216, %dma_wait3A_217] : memref<16392x128xf32, #tpu.memory_space<hbm>> -> memref<16392x128xf32, #tpu.memory_space<hbm>>
    tpu.wait_indirect_dma semaphore(%arg17 : memref<!tpu.dma_semaphore, #tpu.memory_space<semaphore_mem>>) src(%dma_wait3A_215 : memref<16x128xf32, #tpu.memory_space<vmem>>) dst(%dma_wait3A_218 : memref<16392x128xf32, #tpu.memory_space<hbm>>)
    return
  }
}

</mosaic_0001>

<sc_bundles>
// kernel: kernel.3.cloned.1.call-start
scs
__scs_entry_jumppad:
0x0: {  	(pc) =	sbr.rel $0x88, $3  }
0x1: {  	(tag) =	ssettag $0x0;
	lr =	simm.s32 $0x1  }
0x2: {  	[smem:$0x3F9D] =	sst lr;
	_ =	strace $0xD0000000  }
0x3: {  	_ = 	snop  }
0x4: {  	_ = 	snop  }
0x5: {  	_ = 	snop  }
0x6: {  	_ = 	snop  }
0x7: {  	_ = 	snop  }
__scs_overlays_trampoline_lowered:
0x8: {  	[smem:$0x3FAC] =	sst s0  }
0x9: {  	[smem:$0x3FAD] =	sst s1  }
0xa: {  	[smem:$0x3FAE] =	sst s2  }
0xb: {  	[smem:$0x3FAF] =	sst s3  }
0xc: {  	[smem:$0x3FB0] =	sst s4  }
0xd: {  	[smem:$0x3FB1] =	sst s5  }
0xe: {  	[smem:$0x3FB2] =	sst s6  }
0xf: {  	[smem:$0x3FB3] =	sst s7  }
0x10: {  	[smem:$0x3FB4] =	sst s8  }
0x11: {  	[smem:$0x3FB5] =	sst s9;
	s0 =	simm.s32 @!p0 $0x0  }
0x12: {  	s1 =	sld [smem:$0x3F9B];
	s0 =	simm.s32 @p0 $0x1  }
0x13: {  	[smem:$0x3FB6] =	sst s0;
	s0 =	simm.s32 @!p1 $0x0  }
0x14: {  	s2 =	sld [smem:$0x3F9A];
	s0 =	simm.s32 @p1 $0x1  }
0x15: {  	[smem:$0x3FB7] =	sst s0;
	s0 =	simm.s32 @!p2 $0x0  }
0x16: {  	s3 =	sld [smem:$0x3FDB];
	s0 =	simm.s32 @p2 $0x1  }
0x17: {  	s4 =	simm.s32 $0x1BF5;
	[smem:$0x3FB9] =	sst s0  }
0x18: {  	s0 =	sld [smem:$0x3F9C];
	_ =	swait.ge [sflag:s4], $0x0  }
0x19: {  	s7 =	sld [smem:$0x3F9D]  }
0x1a: {  	s8 =	sadd.s32 $0xFFFFE003, lr  }
0x1b: {  	s9 =	sadd.s32 $0xFFFFFEF7, lr;
	s5 =	simm.s32 $0xFFFFFFFF;
	p2 =	slt.u32 s8, $0xFFFFF086  }
0x1c: {  	p1 =	slt.u32 s9, $0xF7A;
	s5 =	simm.s32 @!p2 $0x0  }
0x1d: {  	s5 =	simm.s32 @p1 $0x1;
	p0 =	seq.s32 s7, s2  }
0x1e: {  	s7 =	smul.u32 @!p0 $0xF7A, s2;
	p2 =	seq.s32 @!p0 s5, $0x0  }
0x1f: {  	s9 =	smul.u32 $0xF7A, s1;
	s8 =	simm.s32 @!p0 $0x1BF5;
	p2 =	por !p2, p0  }
0x20: {  	[sflag:s8] =	ssyncset.s32 @!p0 $0xFFFFF086;
	s6 =	sadd.s32 @!p0 s3, s7;
	s7 =	simm.s32 @!p0 $0x108  }
0x21: {  	s3 =	sadd.s32 s3, s9;
	s6 =	sadd.s32 @!p0 $0x88, s6;
	s7 =	simm.s32 @p2 $0x1082  }
0x22: {  	[simem:s7], [sflag:s8] =	dma.local @!p0 [hbm:s6], $0xF7A  }
0x23: {  	s9 =	sor.u32 $0xD0000000, s2;
	s6 =	simm.s32 $0x108;
	_ =	swait.ge @!p0 [sflag:s8], $0x0  }
0x24: {  	s3 =	sadd.s32 $0x88, s3;
	s6 =	simm.s32 @!p1 $0x1082;
	[sflag:s4] =	ssyncset.s32 $0xFFFFF086  }
0x25: {  	[simem:s6], [sflag:s4] =	dma.local [hbm:s3], $0xF7A  }
0x26: {  	[smem:$0x3F9D] =	sst s1;
	(tag) =	ssettag s2;
	_ =	strace s9  }
0x27: {  	s1 =	sld [smem:$0x3FAD]  }
0x28: {  	s2 =	sld [smem:$0x3FAE]  }
0x29: {  	s4 =	sld [smem:$0x3FB0]  }
0x2a: {  	p0 =	seq.s32 s5, $0x0;
	s5 =	sld [smem:$0x3FB1]  }
0x2b: {  	s6 =	sld [smem:$0x3FB2]  }
0x2c: {  	s7 =	sld [smem:$0x3FB3]  }
0x2d: {  	s3 =	simm.s32 $0x108;
	s8 =	sld [smem:$0x3FB4]  }
0x2e: {  	s3 =	simm.s32 @!p0 $0x1082;
	s9 =	sld [smem:$0x3FB5]  }
0x2f: {  	lr =	sadd.s32 s0, s3;
	s0 =	sld [smem:$0x3FAC]  }
0x30: {  	s3 =	sld [smem:$0x3FAF]  }
0x31: {  	[smem:$0x3FB8] =	sst s10  }
0x32: {  	s10 =	sld [smem:$0x3FB6];
	_ =	sdelay $0x3  }
0x33: {  	p0 =	seq.s32 s10, $0x1;
	s10 =	sld [smem:$0x3FB8];
	_ =	sdelay $0x3  }
0x34: {  	[smem:$0x3FB8] =	sst s10  }
0x35: {  	s10 =	sld [smem:$0x3FB7];
	_ =	sdelay $0x3  }
0x36: {  	p1 =	seq.s32 s10, $0x1;
	s10 =	sld [smem:$0x3FB8];
	_ =	sdelay $0x3  }
0x37: {  	[smem:$0x3FB8] =	sst s10  }
0x38: {  	s10 =	sld [smem:$0x3FB9]  }
0x39: {  	_ = 	snop;
	(pc) =	sbr.ind lr, $3  }
0x3a: {  	_ = 	snop  }
0x3b: {  	_ = 	snop  }
0x3c: {  	p2 =	seq.s32 s10, $0x1;
	s10 =	sld [smem:$0x3FB8]  }
0x3d: {  	_ =	shalt  }
0x3e: {  	_ =	shalt  }
0x3f: {  	_ =	shalt  }
0x40: {  	_ =	shalt  }
0x41: {  	_ =	shalt  }
0x42: {  	_ =	shalt  }
0x43: {  	_ =	shalt  }
0x44: {  	_ =	shalt  }
0x45: {  	_ =	shalt  }
0x46: {  	_ =	shalt  }
0x47: {  	_ =	shalt  }
0x48: {  	_ =	shalt  }
0x49: {  	_ =	shalt  }
0x4a: {  	_ =	shalt  }
0x4b: {  	_ =	shalt  }
0x4c: {  	_ =	shalt  }
0x4d: {  	_ =	shalt  }
0x4e: {  	_ =	shalt  }
0x4f: {  	_ =	shalt  }
0x50: {  	_ =	shalt  }
0x51: {  	_ =	shalt  }
0x52: {  	_ =	shalt  }
0x53: {  	_ =	shalt  }
0x54: {  	_ =	shalt  }
0x55: {  	_ =	shalt  }
0x56: {  	_ =	shalt  }
0x57: {  	_ =	shalt  }
0x58: {  	_ =	shalt  }
0x59: {  	_ =	shalt  }
0x5a: {  	_ =	shalt  }
0x5b: {  	_ =	shalt  }
0x5c: {  	_ =	shalt  }
0x5d: {  	_ =	shalt  }
0x5e: {  	_ =	shalt  }
0x5f: {  	_ =	shalt  }
0x60: {  	_ =	shalt  }
0x61: {  	_ =	shalt  }
0x62: {  	_ =	shalt  }
0x63: {  	_ =	shalt  }
0x64: {  	_ =	shalt  }
0x65: {  	_ =	shalt  }
0x66: {  	_ =	shalt  }
0x67: {  	_ =	shalt  }
0x68: {  	_ =	shalt  }
0x69: {  	_ =	shalt  }
0x6a: {  	_ =	shalt  }
0x6b: {  	_ =	shalt  }
0x6c: {  	_ =	shalt  }
0x6d: {  	_ =	shalt  }
0x6e: {  	_ =	shalt  }
0x6f: {  	_ =	shalt  }
0x70: {  	_ =	shalt  }
0x71: {  	_ =	shalt  }
0x72: {  	_ =	shalt  }
0x73: {  	_ =	shalt  }
0x74: {  	_ =	shalt  }
0x75: {  	_ =	shalt  }
0x76: {  	_ =	shalt  }
0x77: {  	_ =	shalt  }
0x78: {  	_ =	shalt  }
0x79: {  	_ =	shalt  }
0x7a: {  	_ =	shalt  }
0x7b: {  	_ =	shalt  }
0x7c: {  	_ =	shalt  }
0x7d: {  	_ =	shalt  }
0x7e: {  	_ =	shalt  }
0x7f: {  	_ =	shalt  }
0x80: {  	_ =	shalt  }
0x81: {  	_ =	shalt  }
0x82: {  	_ =	shalt  }
0x83: {  	_ =	shalt  }
0x84: {  	_ =	shalt  }
0x85: {  	_ =	shalt  }
0x86: {  	_ =	shalt  }
0x87: {  	_ =	shalt  }
.Lfunc_end0:
.L_simem_size_0:
called_computation_lowered:
.L_overlay_start_0:
0x88: {  	s2 =	sld [smem:$0x3FD9]  }
0x89: {  	s3 =	sld [smem:$0x3FFE];
	_ =	sdelay $0x1  }
0x8a: {  	s1 =	srdreg.scid  }
0x8b: {  	s0 =	sand.u32 $0x1, s1  }
0x8c: {  	s17 =	sshll.u32 s0, $0xA;
	s2 =	sadd.s32 s3, s2  }
0x8d: {  	s2 =	sadd.s32 s2, s17  }
0x8e: {  	[smem:$0x3FC4] =	sst s2  }
0x8f: {  	_ = 	snop  }
0x90: {  	s2 =	sld [smem:$0x3FC9]  }
0x91: {  	s18 =	sld [smem:$0x3FC8]  }
0x92: {  	s4 =	sld [smem:$0x3FC7]  }
0x93: {  	s5 =	sld [smem:$0x3FC6];
	(tm) =	ssettm $0x1  }
0x94: {  	s6 =	sld [smem:$0x3FFB];
	_ =	sdelay $0x3  }
0x95: {  	_ =	strace s6  }
0x96: {  	s6 =	sld [smem:$0x3FFC];
	_ =	sdelay $0x3  }
0x97: {  	_ =	strace s6  }
0x98: {  	s6 =	sld [smem:$0x3FFD];
	_ =	sdelay $0x3  }
0x99: {  	_ =	strace s6  }
0x9a: {  	_ =	strace $0x8FFFFFFF  }
0x9b: {  	s19 =	sld [smem:$0x3FDB];
	_ =	sdelay $0x1  }
0x9c: {  	s7 =	simm.s32 $_scs_section_size  }
0x9d: {  	s8 =	simm.s32 $_size__tile_overlayer_lowered;
	s9 =	simm.s32 $_tile_overlayer_lowered  }
0x9e: {  	s22 =	simm.s32 $0x1BFF;
	s21 =	sshll.u32 s9, $0x1;
	s6 =	sadd.s32 s7, s19  }
0x9f: {  	s10 =	simm.s32 $0x0;
	s20 =	sshll.u32 s8, $0x1;
	s8 =	sadd.s32 s21, s6  }
0xa0: {  	[timem:s10], [sflag:s22] =	dma.local [hbm:s8], s20  }
0xa1: {  	_ =	swait.ge [sflag:s22], s20  }
0xa2: {  	s7 =	ssub.s32 $0x0, s20;
	[sflag:s22] =	ssyncset.done $0x0  }
0xa3: {  	[sflag:s22] =	ssyncadd.s32 s7;
	_ =	sdelay $0x1  }
0xa4: {  	s23 =	simm.s32 $0x1B8B  }
0xa5: {  	_ =	swait.ge [sflag:s23], $0x1  }
0xa6: {  	[sflag:s23] =	ssyncset.done $0x0  }
0xa7: {  	s25 =	simm.s32 $0x1B8E;
	s24 =	sld [smem:$0x3FFE];
	[sflag:s23] =	ssyncadd.s32 $0xFFFFFFFF  }
0xa8: {  	s26 =	simm.s32 $execute0_lowered;
	[smem:$0x3FD2] =	sst s25  }
0xa9: {  	s8 =	sshll.u32 s26, $0x1;
	_ =	strace $0x80000046;
	[dreg:$0x1] =	wrdreg $0xFFFFFFFF  }
0xaa: {  	s28 =	simm.s32 $_size_execute0_lowered;
	s6 =	sadd.s32 s6, s8;
	[dreg:$0x0] =	wrdreg $0x0  }
0xab: {  	s8 =	sshll.u32 s28, $0x1;
	[dreg:$0x2] =	wrdreg s6  }
0xac: {  	[dreg:$0x3] =	wrdreg s8  }
0xad: {  	[dreg:$0x4] =	wrdreg $0xC0  }
0xae: {  	_ =	task [dreg:s10], $0x5FFFF  }
0xaf: {  	[dreg:$0x1] =	wrdreg $0xFFFFFFFF  }
0xb0: {  	[dreg:$0x0] =	wrdreg $0x60  }
0xb1: {  	[dreg:$0x2] =	wrdreg s2  }
0xb2: {  	[dreg:$0x3] =	wrdreg s18  }
0xb3: {  	[dreg:$0x4] =	wrdreg s4  }
0xb4: {  	[dreg:$0x5] =	wrdreg s5  }
0xb5: {  	[dreg:$0x6] =	wrdreg s24  }
0xb6: {  	[dreg:$0x7] =	wrdreg $0x9  }
0xb7: {  	_ =	task.clear_ibuf [dreg:s10], $0x8FFFF;
	_ =	strace $0x90000046  }
0xb8: {  	s29 =	simm.s32 $0x9;
	_ =	strace $0x80000048  }
0xb9: {  	_ =	swait.ge [sflag:s29], $0x1  }
0xba: {  	[sflag:s29] =	ssyncadd.s32 $0xFFFFFFFF  }
0xbb: {  	_ =	strace $0x90000048  }
0xbc: {  	_ =	sfence  }
0xbd: {  	s30 =	sld [smem:$0x0];
	_ =	sdelay $0x2  }
0xbe: {  	s31 =	sshll.u32 s1, $0xD;
	s1 =	sshrl.u32 s1, $0x2  }
0xbf: {  	s3 =	sand.u32 $0x4000, s31;
	s1 =	sadd.s32 s1, s30  }
0xc0: {  	s0 =	sor.u32 s3, s0;
	s1 =	sshll.u32 s1, $0x11  }
0xc1: {  	s0 =	sor.u32 s1, s0  }
0xc2: {  	s0 =	sadd.s32 $0x8F2B, s0  }
0xc3: {  	[sflag:s0] =	ssyncadd.remote.s32 $0x1  }
0xc4: {  	_ =	sfence.sel $0xFFFF  }
0xc5: {  	[dreg:$0x0] =	wrdreg $0xFFFFFFFF;
	(pc) =	sbr.abs _section_cstart, $3  }
0xc6: {  	[dreg:$0x1] =	wrdreg $0xFFFFFFFF  }
0xc7: {  	_ =	task.clear_ibuf [dreg:s10], $0x2FFFF;
	_ =	strace $0x9FFFFFFF  }
0xc8: {  	(tm) =	ssettm $0x7FFFFFFF  }
0xc9: {  	_ =	shalt  }
tec
execute0_lowered:
.L_overlay_start_1:
0x0: {  	(tag) =	ssettag $0x1  }
0x1: {  	v0 =	vimm.s32 $0x1380;
	vm15 =	vcmask $0x300  }
0x2: {  	vm12 =	vcmask $0x704;
	vm13 =	vcmask $0xB08;
	vm14 =	vcmask $0xF0C  }
0x3: {  	vm11 =	vcmask $0x1310;
	vm8 =	vcmask $0x1714;
	vm10 =	vcmask $0x1B18  }
0x4: {  	vm9 =	vcmask $0x1F1C;
	vm7 =	vcmask $0x2320;
	vm6 =	vcmask $0x2724  }
0x5: {  	vm5 =	vcmask $0x2B28;
	vm4 =	vcmask $0x2F2C;
	vm3 =	vcmask $0x3330  }
0x6: {  	vm0 =	vmmov $0x1;
	vm1 =	vcmask $0x3734;
	vm2 =	vcmask $0x3B38  }
0x7: {  	v5 =	vimm.s32 $0x3380;
	v6 =	vimm.s32 $0x5380;
	v7 =	vimm.s32 $0x7380  }
0x8: {  	v0 =	vsel vm15, $0x0, v0;
	v5 =	vsel vm15, $0x2000, v5;
	v6 =	vsel vm15, $0x4000, v6  }
0x9: {  	v7 =	vsel vm15, $0x6000, v7;
	v0 =	vsel vm12, $0x80, v0;
	v5 =	vsel vm12, $0x2080, v5  }
0xa: {  	v6 =	vsel vm12, $0x4080, v6;
	v7 =	vsel vm12, $0x6080, v7;
	v0 =	vsel vm13, $0x100, v0  }
0xb: {  	s0 =	srdreg.scid;
	s4 =	stileid.u32;
	v5 =	vsel vm13, $0x2100, v5;
	v6 =	vsel vm13, $0x4100, v6;
	v7 =	vsel vm13, $0x6100, v7  }
0xc: {  	s0 =	sand.u32 $0x1, s0;
	s1 =	sshll.u32 s4, $0x1;
	v0 =	vsel vm14, $0x180, v0;
	v5 =	vsel vm14, $0x2180, v5;
	v6 =	vsel vm14, $0x4180, v6  }
0xd: {  	s2 =	sor.u32 s0, s1;
	v7 =	vsel vm14, $0x6180, v7;
	v0 =	vsel vm11, $0x200, v0;
	v5 =	vsel vm11, $0x2200, v5  }
0xe: {  	s3 =	smul.u32 $0x3D, s2;
	v6 =	vsel vm11, $0x4200, v6;
	v7 =	vsel vm11, $0x6200, v7;
	v0 =	vsel vm8, $0x280, v0  }
0xf: {  	p0 =	seq.s32 s4, $0x0;
	s1 =	simm.s32 $0x3E;
	s2 =	smin.u32 s2, $0x2;
	v5 =	vsel vm8, $0x2280, v5;
	v6 =	vsel vm8, $0x4280, v6;
	v7 =	vsel vm8, $0x6280, v7  }
0x10: {  	s1 =	simm.s32 @!p0 $0x3D;
	s2 =	sadd.s32 s2, s3;
	v0 =	vsel vm10, $0x300, v0;
	v5 =	vsel vm10, $0x2300, v5;
	v6 =	vsel vm10, $0x4300, v6  }
0x11: {  	s5 =	rddreg [dreg:$0x2];
	s25 =	sadd.s32 s1, s2;
	v7 =	vsel vm10, $0x6300, v7;
	v0 =	vsel vm9, $0x380, v0;
	v5 =	vsel vm9, $0x2380, v5  }
0x12: {  	s6 =	rddreg [dreg:$0x3];
	s3 =	sshll.u32 s2, $0x9;
	s4 =	sshll.u32 s25, $0x9;
	v6 =	vsel vm9, $0x4380, v6;
	v7 =	vsel vm9, $0x6380, v7;
	v1 =	vsel vm7, $0x1000, v0  }
0x13: {  	s26 =	rddreg [dreg:$0x4];
	s4 =	smin.u32 s4, $0xF4240;
	v0 =	vmov s3;
	v5 =	vsel vm7, $0x3000, v5;
	v6 =	vsel vm7, $0x5000, v6  }
0x14: {  	s8 =	simm.s32 $0x0;
	s16 =	simm.s32 $0x1000;
	s17 =	simm.s32 $0x7A1400;
	v7 =	vsel vm7, $0x7000, v7;
	v2 =	vsel vm6, $0x1080, v1;
	v1 =	vmov s4  }
0x15: {  	s18 =	simm.s32 $0xC100;
	s19 =	simm.s32 $0x14100;
	s20 =	simm.s32 $0x4;
	v5 =	vsel vm6, $0x3080, v5;
	v6 =	vsel vm6, $0x5080, v6;
	v7 =	vsel vm6, $0x7080, v7  }
0x16: {  	s21 =	simm.s32 $0x1;
	s22 =	simm.s32 $0x1D100;
	s23 =	simm.s32 $0x1D180;
	v3 =	vsel vm5, $0x1100, v2;
	v2 =	vlaneseq.u32;
	v5 =	vsel vm5, $0x3100, v5  }
0x17: {  	s24 =	simm.s32 $0x3;
	[smem:$0x7FF] =	sst s8;
	s9 =	sadd.s32 $0x1400, s26;
	v6 =	vsel vm5, $0x5100, v6;
	v7 =	vsel vm5, $0x7100, v7;
	v3 =	vsel vm4, $0x1180, v3  }
0x18: {  	s10 =	sadd.s32 $0x41600, s26;
	s26 =	simm.s32 $0x0;
	_ =	strace $0x80000047;
	v5 =	vsel vm4, $0x3180, v5;
	v6 =	vsel vm4, $0x5180, v6;
	v7 =	vsel vm4, $0x7180, v7  }
.Ltmp0:
0x19: {  	s29 =	sadd.s32 s5, s3;
	s30 =	sadd.s32 $0x200, s3;
	v8 =	vadd.s32 $0x1, v2;
	v4 =	vsel vm3, $0x1200, v3;
	v3 =	vimm.s32 $0xFFFFFFFF;
	(pc) =	sbr.rel .LBB2_1-.Ltmp0, $4  }
0x1a: {  	s0 =	ssub.s32 $0x2, s0;
	[dreg:$0x6] =	wrdreg s29;
	s7 =	sadd.s32 s5, s30;
	v5 =	vsel vm3, $0x3200, v5;
	v6 =	vsel vm3, $0x5200, v6;
	v7 =	vsel vm3, $0x7200, v7  }
0x1b: {  	s28 =	sshrl.u32 s0, $0x1;
	s31 =	sadd.s32 s6, s30;
	[dreg:$0x7] =	wrdreg s7;
	v4 =	vsel vm1, $0x1280, v4;
	v5 =	vsel vm1, $0x3280, v5;
	v6 =	vsel vm1, $0x5280, v6  }
0x1c: {  	s0 =	ssub.s32 s0, s28;
	s3 =	sadd.s32 s6, s3;
	[dreg:$0x9] =	wrdreg s31;
	v7 =	vsel vm1, $0x7280, v7;
	vm1 =	vmmov $0xffff;
	v4 =	vsel vm2, $0x1300, v4  }
0x1d: {  	s15 =	smax.u32 s0, $0x1;
	s25 =	simm.s32 $0x2;
	[dreg:$0x8] =	wrdreg s3;
	v5 =	vsel vm2, $0x3300, v5;
	v6 =	vsel vm2, $0x5300, v6;
	v7 =	vsel vm2, $0x7300, v7  }
.LBB2_53:
0x1e: {  	v10 =	vmov s0  }
0x1f: {  	p0 =	slt.s32 s30, $0x1;
	vm2 =	vlt.s32 v10, v8  }
0x20: {  	s0 =	simm.s32 @!p0 $0x3;
	v9 =	vsel vm2, $0x4000, v9  }
0x21: {  	_ =	swait.ge @!p0 [sflag:s0], $0x800  }
0x22: {  	s3 =	sshll.u32 s28, $0xB;
	s26 =	sadd.s32 $0x1, s26;
	[sflag:s0] =	ssyncset.done @!p0 $0x0  }
0x23: {  	s3 =	sand.u32 $0x3FFFF800, s3;
	[sflag:s0] =	ssyncadd.s32 @!p0 $0xFFFFF800;
	p0 =	sne.s32 s26, s15  }
.Ltmp1:
0x24: {  	s31 =	sadd.s32 $0x1C100, s3;
	(pc) =	sbr.rel @!p0 .LBB2_54-.Ltmp1, $4  }
0x25: {  	[hbm4b:s10+s8] =	stream.indirect_vreg.scatter [tilespmem:s31], [sflag:$0x3], $0x80, v9, vm1, $0xb8;
	[tilespmem:$0x1D200] =	vst v63  }
0x26: {  	_ =	swait.ge [sflag:s24], $0x800  }
0x27: {  	[sflag:s24] =	ssyncset.done $0x0  }
0x28: {  	[sflag:s24] =	ssyncadd.s32 $0xFFFFF800  }
.LBB2_1:
0x29: {  	s0 =	rddreg [dreg:$0x6]  }
0x2a: {  	[tilespmem:s18], [sflag:$0x1] =	stream.strided.gather [hbm4b:s0+s16], $0x8000, s17, s16, $0x38;
	[tilespmem:$0x1D200] =	vst v63  }
0x2b: {  	s30 =	rddreg [dreg:$0x7]  }
0x2c: {  	[tilespmem:s19], [sflag:$0x2] =	stream.strided.gather [hbm4b:s30+s16], $0x8000, s17, s16, $0x38;
	[tilespmem:$0x1D200] =	vst v63  }
0x2d: {  	s31 =	rddreg [dreg:$0x0]  }
0x2e: {  	[tilespmem:s8], [sflag:$0x4] =	stream.linear.gather [hbm4b:s31+s8], $0x4000, $0x38;
	[tilespmem:$0x1D200] =	vst v63  }
0x2f: {  	_ =	swait.ge [sflag:s20], $0x4000  }
0x30: {  	[sflag:s20] =	ssyncset.done $0x0  }
0x31: {  	[sflag:s20] =	ssyncadd.s32 $0xFFFFC000  }
0x32: {  	v9 =	vld [tilespmem:s8+$0x0];
	_ =	sdelay $0x4  }
0x33: {  	vm2 =	vge.s32 v9, v0;
	vm3 =	vlt.s32 v9, v1  }
0x34: {  	vm2 =	vmand vm2, vm3  }
0x35: {  	v10 =	vmpcnt.ones.xlane vm2;
	_ =	sdelay $0x1  }
0x36: {  	v10 =	vnsel vm0, $0x0, v10  }
0x37: {  	(xrf0) =	vadd.scan.msk.s32 $0xffff, v10;
	_ =	sdelay $0x5  }
0x38: {  	[tilespmem:s8+$0x4000] =	vst.msk vm2, v9;
	v10 =	vor.u32 s8, v2;
	v9, _, _ =	vpop (xrf0)  }
0x39: {  	s0 =	simm.s32 $0x10;
	[tilespmem:s8+$0x8080] =	vst.msk vm2, v10;
	(v2sf) =	vpush v9, $0xF  }
0x3a: {  	s4 =	simm.s32 $0x20;
	s3 =	simm.s32 $0x0;
	s7 =	simm.s32 $0x10;
	v9 =	vld [tilespmem:s0+$0x0]  }
.LBB2_2:
0x3b: {  	p0 =	sne.s32 s4, $0x3FF0;
	_ =	sdelay $0x3  }
0x3c: {  	vm2 =	vge.s32 v9, v0;
	vm3 =	vlt.s32 v9, v1  }
0x3d: {  	vm2 =	vmand vm2, vm3  }
0x3e: {  	v10 =	vmpcnt.ones.xlane vm2;
	_ =	sdelay $0x1  }
0x3f: {  	v10 =	vnsel vm0, $0x0, v10  }
0x40: {  	(xrf0) =	vadd.scan.msk.s32 $0xffff, v10;
	_ =	sdelay $0x3  }
.Ltmp2:
0x41: {  	s11 =	spop (v2sf);
	(pc) =	sbr.rel @p0 .LBB2_2-.Ltmp2, $4  }
0x42: {  	s3 =	sadd.s32 s3, s11  }
0x43: {  	v10 =	vor.u32 s0, v2;
	s0 =	smov.u32 s4;
	[tilespmem:s3+$0x4000] =	vst.msk vm2, v9;
	v9, _, _ =	vpop (xrf0)  }
0x44: {  	s7 =	sadd.s32 $0x10, s7;
	[tilespmem:s3+$0x8080] =	vst.msk vm2, v10;
	(v2sf) =	vpush v9, $0xF  }
0x45: {  	s4 =	sadd.s32 $0x10, s4;
	v9 =	vld [tilespmem:s7+$0x0]  }
0x46: {  	_ =	sdelay $0x3  }
0x47: {  	vm2 =	vge.s32 v9, v0;
	vm3 =	vlt.s32 v9, v1  }
0x48: {  	vm2 =	vmand vm2, vm3  }
0x49: {  	v10 =	vmpcnt.ones.xlane vm2;
	_ =	sdelay $0x1  }
0x4a: {  	v10 =	vnsel vm0, $0x0, v10  }
0x4b: {  	(xrf0) =	vadd.scan.msk.s32 $0xffff, v10;
	_ =	sdelay $0x5  }
0x4c: {  	v10, _, _ =	vpop (xrf0)  }
0x4d: {  	(v2sf) =	vpush v10, $0xF;
	_ =	sdelay $0xd  }
0x4e: {  	s4 =	spop (v2sf)  }
.Ltmp3:
0x4f: {  	s3 =	sadd.s32 s3, s4;
	s14 =	spop (v2sf);
	(pc) =	sbr.rel .LBB2_4-.Ltmp3, $4  }
0x50: {  	s4 =	sadd.s32 s3, s14  }
0x51: {  	[tilespmem:s3+$0x4000] =	vst.msk vm2, v9;
	v10 =	vor.u32 s0, v2;
	s7 =	sadd.s32 $0xF, s4  }
0x52: {  	s13 =	simm.s32 $0x0;
	s30 =	simm.s32 $0x0;
	[tilespmem:s3+$0x8080] =	vst.msk vm2, v10;
	s29 =	sshra.s32 s7, $0x4  }
0x53: {  	s28 =	simm.s32 $0x0;
	s31 =	simm.s32 $0x0;
	v9 =	vimm.s32 $0x4000;
	[tilespmem:s4+$0x4000] =	vst v3;
	p0 =	slt.s32 s29, $0x1  }
.LBB2_25:
0x54: {  	s0 =	sadd.s32 $0x3, s7  }
0x55: {  	p1 =	sge.u32 s0, s1  }
0x56: {  	s0 =	sadd.s32 @!p1 s2, s0  }
0x57: {  	s0 =	sshll.u32 @!p1 s0, $0x9  }
0x58: {  	s3 =	simm.s32 @!p1 $0x1000;
	s0 =	smin.u32 @!p1 s0, $0xF4080  }
0x59: {  	s4 =	simm.s32 @!p1 $0x7A1400;
	s7 =	simm.s32 @!p1 $0x14100;
	s0 =	sadd.s32 @!p1 s5, s0  }
0x5a: {  	[tilespmem:s7], [sflag:$0x2] =	stream.strided.gather @!p1 [hbm4b:s0+s3], $0x8000, s4, s3, $0x38;
	[tilespmem:$0x1D200] =	vst v63  }
.LBB2_26:
0x5b: {  	s31 =	sadd.s32 $0x1, s31  }
0x5c: {  	p1 =	sne.s32 s31, $0x1F  }
.Ltmp4:
0x5d: {  	_ = 	snop;
	(pc) =	sbr.rel @!p1 .LBB2_27-.Ltmp4, $1  }
0x5e: {  	_ =	sdelay $0x3  }
.LBB2_4:
0x5f: {  	s7 =	sshll.u32 s31, $0x1  }
0x60: {  	p1 =	sge.u32 s7, s1  }
.Ltmp5:
0x61: {  	_ = 	snop;
	(pc) =	sbr.rel @p1 .LBB2_15-.Ltmp5, $1  }
0x62: {  	_ =	sdelay $0x3  }
.Ltmp6:
0x63: {  	(pc) =	sbr.rel @p0 .LBB2_14-.Ltmp6, $4  }
0x64: {  	_ = 	snop  }
0x65: {  	_ =	swait.ge [sflag:s21], $0x8000  }
0x66: {  	[sflag:s21] =	ssyncset.done $0x0  }
0x67: {  	[sflag:s21] =	ssyncadd.s32 $0xFFFF8000  }
.Ltmp7:
0x68: {  	(pc) =	sbr.rel .LBB2_7-.Ltmp7, $4  }
0x69: {  	s0 =	sadd.s32 s2, s7  }
0x6a: {  	s0 =	sshll.u32 s0, $0x9  }
0x6b: {  	s3 =	smin.u32 s0, $0xF4080;
	s4 =	sadd.s32 $0x200, s0  }
0x6c: {  	v10 =	vmov s0;
	v11 =	vmov s4;
	v12 =	vmov s3;
	s3 =	simm.s32 $0x0  }
.LBB2_13:
0x6d: {  	s3 =	sadd.s32 $0x1, s3  }
0x6e: {  	p1 =	sne.s32 s3, s29  }
.Ltmp8:
0x6f: {  	_ = 	snop;
	(pc) =	sbr.rel @!p1 .LBB2_14-.Ltmp8, $1  }
0x70: {  	_ =	sdelay $0x3  }
.LBB2_7:
0x71: {  	s0 =	sshll.u32 s3, $0x4  }
0x72: {  	v13 =	vld [tilespmem:s0+$0x4000];
	_ =	sdelay $0x4  }
0x73: {  	vm2 =	vge.s32 v13, v10;
	vm3 =	vlt.s32 v13, v11  }
0x74: {  	vm2 =	vmand vm2, vm3  }
0x75: {  	v14 =	vmpcnt.ones.xlane vm2;
	_ =	sdelay $0x1  }
0x76: {  	v14 =	vnsel vm0, $0x0, v14  }
0x77: {  	(xrf0) =	vadd.scan.msk.s32 $0xffff, v14;
	_ =	sdelay $0x5  }
0x78: {  	v14, _, _ =	vpop (xrf0)  }
0x79: {  	(v2sf) =	vpush v14, $0xF;
	_ =	sdelay $0xe  }
0x7a: {  	s4 =	spop (v2sf)  }
0x7b: {  	v14 =	vld [tilespmem:s0+$0x8080];
	p1 =	slt.s32 s4, $0x1  }
.Ltmp9:
0x7c: {  	_ = 	snop;
	(pc) =	sbr.rel @!p1 .LBB2_8-.Ltmp9, $4  }
.Ltmp10:
0x7d: {  	_ = 	snop;
	(pc) =	sbr.rel @p1 .LBB2_13-.Ltmp10, $4  }
0x7e: {  	_ = 	snop  }
0x7f: {  	[tilespmem:s22+$0x0] =	vst.msk vm2, v13  }
0x80: {  	s11 =	simm.s32 $0x0;
	[tilespmem:s23+$0x0] =	vst.msk vm2, v14  }
0x81: {  	_ = 	snop  }
.LBB2_10:
.Ltmp11:
0x82: {  	(pc) =	sbr.rel @!p1 .LBB2_11-.Ltmp11, $2  }
0x83: {  	_ =	sdelay $0x2  }
0x84: {  	s13 =	smov.u32 s0  }
.LBB2_12:
0x85: {  	s11 =	sadd.s32 $0x1, s11  }
0x86: {  	p2 =	sne.s32 s4, s11  }
.Ltmp12:
0x87: {  	_ = 	snop;
	(pc) =	sbr.rel @!p2 .LBB2_13-.Ltmp12, $4  }
0x88: {  	_ = 	snop  }
0x89: {  	p1 =	seq.s32 s0, $0x10;
	s0 =	simm.s32 $0x1  }
0x8a: {  	s12 =	sxor.u32 $0x1, s28;
	s0 =	simm.s32 @!p1 $0x0  }
0x8b: {  	s28 =	smov.u32 @p1 s12;
	s30 =	sadd.s32 s0, s30  }
.LBB2_8:
0x8c: {  	v13 =	vmov s11;
	_ =	sdelay $0x4  }
0x8d: {  	v14 =	vld.idx.msk [tilespmem:v13+s22+$0x0], $0xffff;
	_ =	sdelay $0x4  }
0x8e: {  	v15 =	vsub.s32 v14, v12  }
0x8f: {  	v15 =	vshll.u32 v15, $0x3  }
0x90: {  	v14 =	vand.u32 $0x7F, v14;
	v15 =	vand.u32 $0xFFFFFC00, v15  }
0x91: {  	v14 =	vor.u32 v14, v15  }
0x92: {  	v15 =	vadd.s32 v4, v14;
	_ =	sdelay $0x4  }
0x93: {  	v15 =	vld.idx.msk [tilespmem:v15+s18+$0x0], $0xffff  }
0x94: {  	s0 =	sshll.u32 s28, $0xB;
	v16 =	vadd.s32 v5, v14  }
0x95: {  	s14 =	sshll.u32 s13, $0x9;
	s0 =	sand.u32 $0x3FFFF800, s0  }
0x96: {  	s14 =	sshra.s32 s14, $0x2;
	s12 =	sadd.s32 $0x1C100, s0  }
0x97: {  	s14 =	sadd.s32 s14, s12  }
0x98: {  	v13 =	vld.idx.msk [tilespmem:v13+s23+$0x0], $0xffff;
	[tilespmem:s14+$0x0] =	vst v15  }
0x99: {  	v15 =	vld.idx.msk [tilespmem:v16+s18+$0x0], $0xffff  }
0x9a: {  	v63 =	vadd.s32 v6, v14;
	_ =	sdelay $0x3  }
0x9b: {  	[tilespmem:s14+$0x10] =	vst v15  }
0x9c: {  	v15 =	vld.idx.msk [tilespmem:v63+s18+$0x0], $0xffff  }
0x9d: {  	v14 =	vadd.s32 v7, v14;
	_ =	sdelay $0x1  }
0x9e: {  	s0 =	sadd.s32 $0x1, s13  }
0x9f: {  	p1 =	sne.s32 s0, $0x10  }
0xa0: {  	p2 =	slt.s32 @!p1 s30, $0x1;
	[tilespmem:s14+$0x20] =	vst v15  }
0xa1: {  	p2 =	por p1, p2;
	v14 =	vld.idx.msk [tilespmem:v14+s18+$0x0], $0xffff  }
.Ltmp13:
0xa2: {  	_ = 	snop;
	(pc) =	sbr.rel @p2 .LBB2_10-.Ltmp13, $4  }
0xa3: {  	_ = 	snop  }
0xa4: {  	v15 =	vmov s13  }
0xa5: {  	vm2 =	veq.s32 v15, v2  }
0xa6: {  	v9 =	vsel vm2, v13, v9;
	[tilespmem:s14+$0x30] =	vst v14  }
0xa7: {  	_ =	swait.ge [sflag:s24], $0x800  }
0xa8: {  	[sflag:s24] =	ssyncset.done $0x0  }
0xa9: {  	[sflag:s24] =	ssyncadd.s32 $0xFFFFF800  }
.LBB2_11:
.Ltmp14:
0xaa: {  	_ = 	snop;
	(pc) =	sbr.rel .LBB2_12-.Ltmp14, $3  }
0xab: {  	_ =	sdelay $0x1  }
0xac: {  	s13 =	simm.s32 $0x0  }
0xad: {  	[hbm4b:s9+s13] =	stream.indirect_vreg.scatter [tilespmem:s12], [sflag:$0x3], $0x80, v9, vm1, $0xb8;
	[tilespmem:$0x1D200] =	vst v63  }
.LBB2_14:
0xae: {  	s0 =	sadd.s32 $0x2, s7  }
0xaf: {  	p1 =	sge.u32 s0, s1  }
0xb0: {  	s0 =	sadd.s32 @!p1 s2, s0  }
0xb1: {  	s0 =	sshll.u32 @!p1 s0, $0x9  }
0xb2: {  	s3 =	simm.s32 @!p1 $0x1000;
	s0 =	smin.u32 @!p1 s0, $0xF4080  }
0xb3: {  	s4 =	simm.s32 @!p1 $0x7A1400;
	s11 =	simm.s32 @!p1 $0xC100;
	s0 =	sadd.s32 @!p1 s5, s0  }
0xb4: {  	[tilespmem:s11], [sflag:$0x1] =	stream.strided.gather @!p1 [hbm4b:s0+s3], $0x8000, s4, s3, $0x38;
	[tilespmem:$0x1D200] =	vst v63  }
.LBB2_15:
0xb5: {  	s0 =	sor.u32 $0x1, s7  }
0xb6: {  	p1 =	sge.u32 s0, s1  }
.Ltmp15:
0xb7: {  	_ = 	snop;
	(pc) =	sbr.rel @p1 .LBB2_26-.Ltmp15, $1  }
0xb8: {  	_ =	sdelay $0x3  }
.Ltmp16:
0xb9: {  	(pc) =	sbr.rel @p0 .LBB2_25-.Ltmp16, $4  }
0xba: {  	_ = 	snop  }
0xbb: {  	_ =	swait.ge [sflag:s25], $0x8000  }
0xbc: {  	[sflag:s25] =	ssyncset.done $0x0  }
0xbd: {  	[sflag:s25] =	ssyncadd.s32 $0xFFFF8000  }
.Ltmp17:
0xbe: {  	(pc) =	sbr.rel .LBB2_18-.Ltmp17, $4  }
0xbf: {  	s0 =	sadd.s32 s2, s0  }
0xc0: {  	s0 =	sshll.u32 s0, $0x9  }
0xc1: {  	s3 =	smin.u32 s0, $0xF4080;
	s4 =	sadd.s32 $0x200, s0  }
0xc2: {  	v10 =	vmov s0;
	v11 =	vmov s4;
	v12 =	vmov s3;
	s3 =	simm.s32 $0x0  }
.LBB2_24:
0xc3: {  	s3 =	sadd.s32 $0x1, s3  }
0xc4: {  	p1 =	sne.s32 s3, s29  }
.Ltmp18:
0xc5: {  	_ = 	snop;
	(pc) =	sbr.rel @!p1 .LBB2_25-.Ltmp18, $1  }
0xc6: {  	_ =	sdelay $0x3  }
.LBB2_18:
0xc7: {  	s0 =	sshll.u32 s3, $0x4  }
0xc8: {  	v13 =	vld [tilespmem:s0+$0x4000];
	_ =	sdelay $0x4  }
0xc9: {  	vm2 =	vge.s32 v13, v10;
	vm3 =	vlt.s32 v13, v11  }
0xca: {  	vm2 =	vmand vm2, vm3  }
0xcb: {  	v14 =	vmpcnt.ones.xlane vm2;
	_ =	sdelay $0x1  }
0xcc: {  	v14 =	vnsel vm0, $0x0, v14  }
0xcd: {  	(xrf0) =	vadd.scan.msk.s32 $0xffff, v14;
	_ =	sdelay $0x5  }
0xce: {  	v14, _, _ =	vpop (xrf0)  }
0xcf: {  	(v2sf) =	vpush v14, $0xF;
	_ =	sdelay $0xe  }
0xd0: {  	s4 =	spop (v2sf)  }
0xd1: {  	v14 =	vld [tilespmem:s0+$0x8080];
	p1 =	slt.s32 s4, $0x1  }
.Ltmp19:
0xd2: {  	_ = 	snop;
	(pc) =	sbr.rel @!p1 .LBB2_19-.Ltmp19, $4  }
.Ltmp20:
0xd3: {  	_ = 	snop;
	(pc) =	sbr.rel @p1 .LBB2_24-.Ltmp20, $4  }
0xd4: {  	_ = 	snop  }
0xd5: {  	[tilespmem:s22+$0x0] =	vst.msk vm2, v13  }
0xd6: {  	s11 =	simm.s32 $0x0;
	[tilespmem:s23+$0x0] =	vst.msk vm2, v14  }
0xd7: {  	_ = 	snop  }
.LBB2_21:
.Ltmp21:
0xd8: {  	(pc) =	sbr.rel @!p1 .LBB2_22-.Ltmp21, $2  }
0xd9: {  	_ =	sdelay $0x2  }
0xda: {  	s13 =	smov.u32 s0  }
.LBB2_23:
0xdb: {  	s11 =	sadd.s32 $0x1, s11  }
0xdc: {  	p2 =	sne.s32 s4, s11  }
.Ltmp22:
0xdd: {  	_ = 	snop;
	(pc) =	sbr.rel @!p2 .LBB2_24-.Ltmp22, $4  }
0xde: {  	_ = 	snop  }
0xdf: {  	p1 =	seq.s32 s0, $0x10;
	s0 =	simm.s32 $0x1  }
0xe0: {  	s12 =	sxor.u32 $0x1, s28;
	s0 =	simm.s32 @!p1 $0x0  }
0xe1: {  	s28 =	smov.u32 @p1 s12;
	s30 =	sadd.s32 s0, s30  }
.LBB2_19:
0xe2: {  	v13 =	vmov s11;
	_ =	sdelay $0x4  }
0xe3: {  	v14 =	vld.idx.msk [tilespmem:v13+s22+$0x0], $0xffff;
	_ =	sdelay $0x4  }
0xe4: {  	v15 =	vsub.s32 v14, v12  }
0xe5: {  	v15 =	vshll.u32 v15, $0x3  }
0xe6: {  	v14 =	vand.u32 $0x7F, v14;
	v15 =	vand.u32 $0xFFFFFC00, v15  }
0xe7: {  	v14 =	vor.u32 v14, v15  }
0xe8: {  	v15 =	vadd.s32 v4, v14;
	_ =	sdelay $0x4  }
0xe9: {  	v15 =	vld.idx.msk [tilespmem:v15+s19+$0x0], $0xffff  }
0xea: {  	s0 =	sshll.u32 s28, $0xB;
	v16 =	vadd.s32 v5, v14  }
0xeb: {  	s14 =	sshll.u32 s13, $0x9;
	s0 =	sand.u32 $0x3FFFF800, s0  }
0xec: {  	s14 =	sshra.s32 s14, $0x2;
	s12 =	sadd.s32 $0x1C100, s0  }
0xed: {  	s14 =	sadd.s32 s14, s12  }
0xee: {  	v13 =	vld.idx.msk [tilespmem:v13+s23+$0x0], $0xffff;
	[tilespmem:s14+$0x0] =	vst v15  }
0xef: {  	v15 =	vld.idx.msk [tilespmem:v16+s19+$0x0], $0xffff  }
0xf0: {  	v63 =	vadd.s32 v6, v14;
	_ =	sdelay $0x3  }
0xf1: {  	[tilespmem:s14+$0x10] =	vst v15  }
0xf2: {  	v15 =	vld.idx.msk [tilespmem:v63+s19+$0x0], $0xffff  }
0xf3: {  	v14 =	vadd.s32 v7, v14;
	_ =	sdelay $0x1  }
0xf4: {  	s0 =	sadd.s32 $0x1, s13  }
0xf5: {  	p1 =	sne.s32 s0, $0x10  }
0xf6: {  	p2 =	slt.s32 @!p1 s30, $0x1;
	[tilespmem:s14+$0x20] =	vst v15  }
0xf7: {  	p2 =	por p1, p2;
	v14 =	vld.idx.msk [tilespmem:v14+s19+$0x0], $0xffff  }
.Ltmp23:
0xf8: {  	_ = 	snop;
	(pc) =	sbr.rel @p2 .LBB2_21-.Ltmp23, $4  }
0xf9: {  	_ = 	snop  }
0xfa: {  	v15 =	vmov s13  }
0xfb: {  	vm2 =	veq.s32 v15, v2  }
0xfc: {  	v9 =	vsel vm2, v13, v9;
	[tilespmem:s14+$0x30] =	vst v14  }
0xfd: {  	_ =	swait.ge [sflag:s24], $0x800  }
0xfe: {  	[sflag:s24] =	ssyncset.done $0x0  }
0xff: {  	[sflag:s24] =	ssyncadd.s32 $0xFFFFF800  }
.LBB2_22:
.Ltmp24:
0x100: {  	_ = 	snop;
	(pc) =	sbr.rel .LBB2_23-.Ltmp24, $3  }
0x101: {  	_ =	sdelay $0x1  }
0x102: {  	s13 =	simm.s32 $0x0  }
0x103: {  	[hbm4b:s9+s13] =	stream.indirect_vreg.scatter [tilespmem:s12], [sflag:$0x3], $0x80, v9, vm1, $0xb8;
	[tilespmem:$0x1D200] =	vst v63  }
.LBB2_27:
0x104: {  	v10 =	vmov s13  }
0x105: {  	vm2 =	vlt.s32 v10, v8  }
0x106: {  	p0 =	slt.s32 s30, $0x1;
	v9 =	vsel vm2, $0x4000, v9  }
0x107: {  	s0 =	simm.s32 @!p0 $0x3  }
0x108: {  	s3 =	sshll.u32 s28, $0xB;
	_ =	swait.ge @!p0 [sflag:s0], $0x800  }
0x109: {  	s3 =	sand.u32 $0x3FFFF800, s3;
	[sflag:s0] =	ssyncset.done @!p0 $0x0  }
0x10a: {  	s3 =	sadd.s32 $0x1C100, s3;
	[sflag:s0] =	ssyncadd.s32 @!p0 $0xFFFFF800;
	s0 =	simm.s32 $0x0  }
0x10b: {  	[hbm4b:s9+s0] =	stream.indirect_vreg.scatter [tilespmem:s3], [sflag:$0x3], $0x80, v9, vm1, $0xb8;
	[tilespmem:$0x1D200] =	vst v63  }
0x10c: {  	_ =	swait.ge [sflag:s24], $0x800  }
0x10d: {  	[sflag:s24] =	ssyncset.done $0x0  }
0x10e: {  	s29 =	rddreg [dreg:$0x8];
	[sflag:s24] =	ssyncadd.s32 $0xFFFFF800  }
0x10f: {  	[tilespmem:s18], [sflag:$0x1] =	stream.strided.gather [hbm4b:s29+s16], $0x8000, s17, s16, $0x38;
	[tilespmem:$0x1D200] =	vst v63  }
0x110: {  	s30 =	rddreg [dreg:$0x9]  }
0x111: {  	[tilespmem:s19], [sflag:$0x2] =	stream.strided.gather [hbm4b:s30+s16], $0x8000, s17, s16, $0x38;
	[tilespmem:$0x1D200] =	vst v63  }
0x112: {  	s31 =	rddreg [dreg:$0x1]  }
0x113: {  	[tilespmem:s0], [sflag:$0x4] =	stream.linear.gather [hbm4b:s31+s0], $0x4000, $0x38;
	[tilespmem:$0x1D200] =	vst v63  }
0x114: {  	_ =	swait.ge [sflag:s20], $0x4000  }
0x115: {  	[sflag:s20] =	ssyncset.done $0x0  }
0x116: {  	[sflag:s20] =	ssyncadd.s32 $0xFFFFC000  }
0x117: {  	v9 =	vld [tilespmem:s0+$0x0];
	_ =	sdelay $0x4  }
0x118: {  	vm2 =	vge.s32 v9, v0;
	vm3 =	vlt.s32 v9, v1  }
0x119: {  	vm2 =	vmand vm2, vm3  }
0x11a: {  	v10 =	vmpcnt.ones.xlane vm2;
	_ =	sdelay $0x1  }
0x11b: {  	v10 =	vnsel vm0, $0x0, v10  }
0x11c: {  	(xrf0) =	vadd.scan.msk.s32 $0xffff, v10;
	_ =	sdelay $0x5  }
0x11d: {  	[tilespmem:s0+$0x4000] =	vst.msk vm2, v9;
	v10 =	vor.u32 s0, v2;
	v9, _, _ =	vpop (xrf0)  }
0x11e: {  	s3 =	simm.s32 $0x10;
	[tilespmem:s0+$0x8080] =	vst.msk vm2, v10;
	(v2sf) =	vpush v9, $0xF  }
0x11f: {  	s4 =	simm.s32 $0x20;
	s7 =	simm.s32 $0x10;
	v9 =	vld [tilespmem:s3+$0x0]  }
.LBB2_28:
0x120: {  	p0 =	sne.s32 s4, $0x3FF0;
	_ =	sdelay $0x3  }
0x121: {  	vm2 =	vge.s32 v9, v0;
	vm3 =	vlt.s32 v9, v1  }
0x122: {  	vm2 =	vmand vm2, vm3  }
0x123: {  	v10 =	vmpcnt.ones.xlane vm2;
	_ =	sdelay $0x1  }
0x124: {  	v10 =	vnsel vm0, $0x0, v10  }
0x125: {  	(xrf0) =	vadd.scan.msk.s32 $0xffff, v10;
	_ =	sdelay $0x3  }
.Ltmp25:
0x126: {  	s11 =	spop (v2sf);
	(pc) =	sbr.rel @p0 .LBB2_28-.Ltmp25, $4  }
0x127: {  	s0 =	sadd.s32 s0, s11  }
0x128: {  	v10 =	vor.u32 s3, v2;
	s3 =	smov.u32 s4;
	[tilespmem:s0+$0x4000] =	vst.msk vm2, v9;
	v9, _, _ =	vpop (xrf0)  }
0x129: {  	s7 =	sadd.s32 $0x10, s7;
	[tilespmem:s0+$0x8080] =	vst.msk vm2, v10;
	(v2sf) =	vpush v9, $0xF  }
0x12a: {  	s4 =	sadd.s32 $0x10, s4;
	v9 =	vld [tilespmem:s7+$0x0]  }
0x12b: {  	_ =	sdelay $0x3  }
0x12c: {  	vm2 =	vge.s32 v9, v0;
	vm3 =	vlt.s32 v9, v1  }
0x12d: {  	vm2 =	vmand vm2, vm3  }
0x12e: {  	v10 =	vmpcnt.ones.xlane vm2;
	_ =	sdelay $0x1  }
0x12f: {  	v10 =	vnsel vm0, $0x0, v10  }
0x130: {  	(xrf0) =	vadd.scan.msk.s32 $0xffff, v10;
	_ =	sdelay $0x5  }
0x131: {  	v10, _, _ =	vpop (xrf0)  }
0x132: {  	(v2sf) =	vpush v10, $0xF;
	_ =	sdelay $0xd  }
0x133: {  	s4 =	spop (v2sf)  }
.Ltmp26:
0x134: {  	s0 =	sadd.s32 s0, s4;
	s14 =	spop (v2sf);
	(pc) =	sbr.rel .LBB2_30-.Ltmp26, $4  }
0x135: {  	s4 =	sadd.s32 s0, s14  }
0x136: {  	[tilespmem:s0+$0x4000] =	vst.msk vm2, v9;
	v10 =	vor.u32 s3, v2;
	s7 =	sadd.s32 $0xF, s4  }
0x137: {  	s30 =	simm.s32 $0x0;
	s28 =	simm.s32 $0x0;
	[tilespmem:s0+$0x8080] =	vst.msk vm2, v10;
	s29 =	sshra.s32 s7, $0x4  }
0x138: {  	s31 =	simm.s32 $0x0;
	v9 =	vimm.s32 $0x4000;
	s0 =	simm.s32 $0x0;
	[tilespmem:s4+$0x4000] =	vst v3;
	p0 =	slt.s32 s29, $0x1  }
.LBB2_51:
0x139: {  	s3 =	sadd.s32 $0x3, s7  }
0x13a: {  	p1 =	sge.u32 s3, s1  }
0x13b: {  	s3 =	sadd.s32 @!p1 s2, s3  }
0x13c: {  	s3 =	sshll.u32 @!p1 s3, $0x9  }
0x13d: {  	s4 =	simm.s32 @!p1 $0x1000;
	s3 =	smin.u32 @!p1 s3, $0xF4080  }
0x13e: {  	s7 =	simm.s32 @!p1 $0x7A1400;
	s11 =	simm.s32 @!p1 $0x14100;
	s3 =	sadd.s32 @!p1 s6, s3  }
0x13f: {  	[tilespmem:s11], [sflag:$0x2] =	stream.strided.gather @!p1 [hbm4b:s3+s4], $0x8000, s7, s4, $0x38;
	[tilespmem:$0x1D200] =	vst v63  }
.LBB2_52:
0x140: {  	s31 =	sadd.s32 $0x1, s31  }
0x141: {  	p1 =	sne.s32 s31, $0x1F  }
.Ltmp27:
0x142: {  	_ = 	snop;
	(pc) =	sbr.rel @!p1 .LBB2_53-.Ltmp27, $1  }
0x143: {  	_ =	sdelay $0x3  }
.LBB2_30:
0x144: {  	s7 =	sshll.u32 s31, $0x1  }
0x145: {  	p1 =	sge.u32 s7, s1  }
.Ltmp28:
0x146: {  	_ = 	snop;
	(pc) =	sbr.rel @p1 .LBB2_41-.Ltmp28, $1  }
0x147: {  	_ =	sdelay $0x3  }
.Ltmp29:
0x148: {  	(pc) =	sbr.rel @p0 .LBB2_40-.Ltmp29, $4  }
0x149: {  	_ = 	snop  }
0x14a: {  	_ =	swait.ge [sflag:s21], $0x8000  }
0x14b: {  	[sflag:s21] =	ssyncset.done $0x0  }
0x14c: {  	[sflag:s21] =	ssyncadd.s32 $0xFFFF8000  }
.Ltmp30:
0x14d: {  	(pc) =	sbr.rel .LBB2_33-.Ltmp30, $4  }
0x14e: {  	s3 =	sadd.s32 s2, s7  }
0x14f: {  	s3 =	sshll.u32 s3, $0x9  }
0x150: {  	s4 =	smin.u32 s3, $0xF4080;
	s11 =	sadd.s32 $0x200, s3  }
0x151: {  	v10 =	vmov s3;
	s3 =	simm.s32 $0x0;
	v11 =	vmov s11;
	v12 =	vmov s4  }
.LBB2_39:
0x152: {  	s3 =	sadd.s32 $0x1, s3  }
0x153: {  	p1 =	sne.s32 s3, s29  }
.Ltmp31:
0x154: {  	_ = 	snop;
	(pc) =	sbr.rel @!p1 .LBB2_40-.Ltmp31, $1  }
0x155: {  	_ =	sdelay $0x3  }
.LBB2_33:
0x156: {  	s4 =	sshll.u32 s3, $0x4  }
0x157: {  	v13 =	vld [tilespmem:s4+$0x4000];
	_ =	sdelay $0x4  }
0x158: {  	vm2 =	vge.s32 v13, v10;
	vm3 =	vlt.s32 v13, v11  }
0x159: {  	vm2 =	vmand vm2, vm3  }
0x15a: {  	v14 =	vmpcnt.ones.xlane vm2;
	_ =	sdelay $0x1  }
0x15b: {  	v14 =	vnsel vm0, $0x0, v14  }
0x15c: {  	(xrf0) =	vadd.scan.msk.s32 $0xffff, v14;
	_ =	sdelay $0x5  }
0x15d: {  	v14, _, _ =	vpop (xrf0)  }
0x15e: {  	(v2sf) =	vpush v14, $0xF;
	_ =	sdelay $0xe  }
0x15f: {  	v14 =	vld [tilespmem:s4+$0x8080];
	s4 =	spop (v2sf)  }
0x160: {  	p1 =	slt.s32 s4, $0x1  }
.Ltmp32:
0x161: {  	_ = 	snop;
	(pc) =	sbr.rel @!p1 .LBB2_34-.Ltmp32, $4  }
.Ltmp33:
0x162: {  	_ = 	snop;
	(pc) =	sbr.rel @p1 .LBB2_39-.Ltmp33, $4  }
0x163: {  	_ = 	snop  }
0x164: {  	[tilespmem:s22+$0x0] =	vst.msk vm2, v13  }
0x165: {  	s11 =	simm.s32 $0x0;
	[tilespmem:s23+$0x0] =	vst.msk vm2, v14  }
0x166: {  	_ = 	snop  }
.LBB2_36:
.Ltmp34:
0x167: {  	(pc) =	sbr.rel @!p1 .LBB2_37-.Ltmp34, $2  }
0x168: {  	_ =	sdelay $0x2  }
0x169: {  	s0 =	smov.u32 s13  }
.LBB2_38:
0x16a: {  	s11 =	sadd.s32 $0x1, s11  }
0x16b: {  	p2 =	sne.s32 s4, s11  }
.Ltmp35:
0x16c: {  	_ = 	snop;
	(pc) =	sbr.rel @!p2 .LBB2_39-.Ltmp35, $4  }
0x16d: {  	_ = 	snop  }
0x16e: {  	p1 =	seq.s32 s13, $0x10;
	s12 =	simm.s32 $0x1  }
0x16f: {  	s13 =	sxor.u32 $0x1, s28;
	s12 =	simm.s32 @!p1 $0x0  }
0x170: {  	s28 =	smov.u32 @p1 s13;
	s30 =	sadd.s32 s12, s30  }
.LBB2_34:
0x171: {  	v13 =	vmov s11;
	_ =	sdelay $0x4  }
0x172: {  	v14 =	vld.idx.msk [tilespmem:v13+s22+$0x0], $0xffff;
	_ =	sdelay $0x4  }
0x173: {  	v15 =	vsub.s32 v14, v12  }
0x174: {  	v15 =	vshll.u32 v15, $0x3  }
0x175: {  	v14 =	vand.u32 $0x7F, v14;
	v15 =	vand.u32 $0xFFFFFC00, v15  }
0x176: {  	v14 =	vor.u32 v14, v15  }
0x177: {  	v15 =	vadd.s32 v4, v14;
	_ =	sdelay $0x4  }
0x178: {  	v15 =	vld.idx.msk [tilespmem:v15+s18+$0x0], $0xffff  }
0x179: {  	s12 =	sshll.u32 s28, $0xB;
	v16 =	vadd.s32 v5, v14  }
0x17a: {  	s13 =	sshll.u32 s0, $0x9;
	s12 =	sand.u32 $0x3FFFF800, s12  }
0x17b: {  	s13 =	sshra.s32 s13, $0x2;
	s12 =	sadd.s32 $0x1C100, s12  }
0x17c: {  	s14 =	sadd.s32 s13, s12  }
0x17d: {  	v13 =	vld.idx.msk [tilespmem:v13+s23+$0x0], $0xffff;
	[tilespmem:s14+$0x0] =	vst v15  }
0x17e: {  	v15 =	vld.idx.msk [tilespmem:v16+s18+$0x0], $0xffff  }
0x17f: {  	v63 =	vadd.s32 v6, v14;
	_ =	sdelay $0x3  }
0x180: {  	[tilespmem:s14+$0x10] =	vst v15  }
0x181: {  	v15 =	vld.idx.msk [tilespmem:v63+s18+$0x0], $0xffff  }
0x182: {  	v14 =	vadd.s32 v7, v14;
	_ =	sdelay $0x1  }
0x183: {  	s13 =	sadd.s32 $0x1, s0  }
0x184: {  	p1 =	sne.s32 s13, $0x10  }
0x185: {  	p2 =	slt.s32 @!p1 s30, $0x1;
	[tilespmem:s14+$0x20] =	vst v15  }
0x186: {  	p2 =	por p1, p2;
	v14 =	vld.idx.msk [tilespmem:v14+s18+$0x0], $0xffff  }
.Ltmp36:
0x187: {  	_ = 	snop;
	(pc) =	sbr.rel @p2 .LBB2_36-.Ltmp36, $4  }
0x188: {  	_ = 	snop  }
0x189: {  	v15 =	vmov s0  }
0x18a: {  	vm2 =	veq.s32 v15, v2  }
0x18b: {  	v9 =	vsel vm2, v13, v9;
	[tilespmem:s14+$0x30] =	vst v14  }
0x18c: {  	_ =	swait.ge [sflag:s24], $0x800  }
0x18d: {  	[sflag:s24] =	ssyncset.done $0x0  }
0x18e: {  	[sflag:s24] =	ssyncadd.s32 $0xFFFFF800  }
.LBB2_37:
.Ltmp37:
0x18f: {  	_ = 	snop;
	(pc) =	sbr.rel .LBB2_38-.Ltmp37, $3  }
0x190: {  	_ =	sdelay $0x1  }
0x191: {  	s0 =	simm.s32 $0x0  }
0x192: {  	[hbm4b:s10+s0] =	stream.indirect_vreg.scatter [tilespmem:s12], [sflag:$0x3], $0x80, v9, vm1, $0xb8;
	[tilespmem:$0x1D200] =	vst v63  }
.LBB2_40:
0x193: {  	s3 =	sadd.s32 $0x2, s7  }
0x194: {  	p1 =	sge.u32 s3, s1  }
0x195: {  	s3 =	sadd.s32 @!p1 s2, s3  }
0x196: {  	s3 =	sshll.u32 @!p1 s3, $0x9  }
0x197: {  	s4 =	simm.s32 @!p1 $0x1000;
	s3 =	smin.u32 @!p1 s3, $0xF4080  }
0x198: {  	s11 =	simm.s32 @!p1 $0x7A1400;
	s12 =	simm.s32 @!p1 $0xC100;
	s3 =	sadd.s32 @!p1 s6, s3  }
0x199: {  	[tilespmem:s12], [sflag:$0x1] =	stream.strided.gather @!p1 [hbm4b:s3+s4], $0x8000, s11, s4, $0x38;
	[tilespmem:$0x1D200] =	vst v63  }
.LBB2_41:
0x19a: {  	s3 =	sor.u32 $0x1, s7  }
0x19b: {  	p1 =	sge.u32 s3, s1  }
.Ltmp38:
0x19c: {  	_ = 	snop;
	(pc) =	sbr.rel @p1 .LBB2_52-.Ltmp38, $1  }
0x19d: {  	_ =	sdelay $0x3  }
.Ltmp39:
0x19e: {  	(pc) =	sbr.rel @p0 .LBB2_51-.Ltmp39, $4  }
0x19f: {  	_ = 	snop  }
0x1a0: {  	_ =	swait.ge [sflag:s25], $0x8000  }
0x1a1: {  	[sflag:s25] =	ssyncset.done $0x0  }
0x1a2: {  	[sflag:s25] =	ssyncadd.s32 $0xFFFF8000  }
.Ltmp40:
0x1a3: {  	(pc) =	sbr.rel .LBB2_44-.Ltmp40, $4  }
0x1a4: {  	s3 =	sadd.s32 s2, s3  }
0x1a5: {  	s3 =	sshll.u32 s3, $0x9  }
0x1a6: {  	s4 =	smin.u32 s3, $0xF4080;
	s11 =	sadd.s32 $0x200, s3  }
0x1a7: {  	v10 =	vmov s3;
	s3 =	simm.s32 $0x0;
	v11 =	vmov s11;
	v12 =	vmov s4  }
.LBB2_50:
0x1a8: {  	s3 =	sadd.s32 $0x1, s3  }
0x1a9: {  	p1 =	sne.s32 s3, s29  }
.Ltmp41:
0x1aa: {  	_ = 	snop;
	(pc) =	sbr.rel @!p1 .LBB2_51-.Ltmp41, $1  }
0x1ab: {  	_ =	sdelay $0x3  }
.LBB2_44:
0x1ac: {  	s4 =	sshll.u32 s3, $0x4  }
0x1ad: {  	v13 =	vld [tilespmem:s4+$0x4000];
	_ =	sdelay $0x4  }
0x1ae: {  	vm2 =	vge.s32 v13, v10;
	vm3 =	vlt.s32 v13, v11  }
0x1af: {  	vm2 =	vmand vm2, vm3  }
0x1b0: {  	v14 =	vmpcnt.ones.xlane vm2;
	_ =	sdelay $0x1  }
0x1b1: {  	v14 =	vnsel vm0, $0x0, v14  }
0x1b2: {  	(xrf0) =	vadd.scan.msk.s32 $0xffff, v14;
	_ =	sdelay $0x5  }
0x1b3: {  	v14, _, _ =	vpop (xrf0)  }
0x1b4: {  	(v2sf) =	vpush v14, $0xF;
	_ =	sdelay $0xe  }
0x1b5: {  	v14 =	vld [tilespmem:s4+$0x8080];
	s4 =	spop (v2sf)  }
0x1b6: {  	p1 =	slt.s32 s4, $0x1  }
.Ltmp42:
0x1b7: {  	_ = 	snop;
	(pc) =	sbr.rel @!p1 .LBB2_45-.Ltmp42, $4  }
.Ltmp43:
0x1b8: {  	_ = 	snop;
	(pc) =	sbr.rel @p1 .LBB2_50-.Ltmp43, $4  }
0x1b9: {  	_ = 	snop  }
0x1ba: {  	[tilespmem:s22+$0x0] =	vst.msk vm2, v13  }
0x1bb: {  	s11 =	simm.s32 $0x0;
	[tilespmem:s23+$0x0] =	vst.msk vm2, v14  }
0x1bc: {  	_ = 	snop  }
.LBB2_47:
.Ltmp44:
0x1bd: {  	(pc) =	sbr.rel @!p1 .LBB2_48-.Ltmp44, $2  }
0x1be: {  	_ =	sdelay $0x2  }
0x1bf: {  	s0 =	smov.u32 s13  }
.LBB2_49:
0x1c0: {  	s11 =	sadd.s32 $0x1, s11  }
0x1c1: {  	p2 =	sne.s32 s4, s11  }
.Ltmp45:
0x1c2: {  	_ = 	snop;
	(pc) =	sbr.rel @!p2 .LBB2_50-.Ltmp45, $4  }
0x1c3: {  	_ = 	snop  }
0x1c4: {  	p1 =	seq.s32 s13, $0x10;
	s12 =	simm.s32 $0x1  }
0x1c5: {  	s13 =	sxor.u32 $0x1, s28;
	s12 =	simm.s32 @!p1 $0x0  }
0x1c6: {  	s28 =	smov.u32 @p1 s13;
	s30 =	sadd.s32 s12, s30  }
.LBB2_45:
0x1c7: {  	v13 =	vmov s11;
	_ =	sdelay $0x4  }
0x1c8: {  	v14 =	vld.idx.msk [tilespmem:v13+s22+$0x0], $0xffff;
	_ =	sdelay $0x4  }
0x1c9: {  	v15 =	vsub.s32 v14, v12  }
0x1ca: {  	v15 =	vshll.u32 v15, $0x3  }
0x1cb: {  	v14 =	vand.u32 $0x7F, v14;
	v15 =	vand.u32 $0xFFFFFC00, v15  }
0x1cc: {  	v14 =	vor.u32 v14, v15  }
0x1cd: {  	v15 =	vadd.s32 v4, v14;
	_ =	sdelay $0x4  }
0x1ce: {  	v15 =	vld.idx.msk [tilespmem:v15+s19+$0x0], $0xffff  }
0x1cf: {  	s12 =	sshll.u32 s28, $0xB;
	v16 =	vadd.s32 v5, v14  }
0x1d0: {  	s13 =	sshll.u32 s0, $0x9;
	s12 =	sand.u32 $0x3FFFF800, s12  }
0x1d1: {  	s13 =	sshra.s32 s13, $0x2;
	s12 =	sadd.s32 $0x1C100, s12  }
0x1d2: {  	s14 =	sadd.s32 s13, s12  }
0x1d3: {  	v13 =	vld.idx.msk [tilespmem:v13+s23+$0x0], $0xffff;
	[tilespmem:s14+$0x0] =	vst v15  }
0x1d4: {  	v15 =	vld.idx.msk [tilespmem:v16+s19+$0x0], $0xffff  }
0x1d5: {  	v63 =	vadd.s32 v6, v14;
	_ =	sdelay $0x3  }
0x1d6: {  	[tilespmem:s14+$0x10] =	vst v15  }
0x1d7: {  	v15 =	vld.idx.msk [tilespmem:v63+s19+$0x0], $0xffff  }
0x1d8: {  	v14 =	vadd.s32 v7, v14;
	_ =	sdelay $0x1  }
0x1d9: {  	s13 =	sadd.s32 $0x1, s0  }
0x1da: {  	p1 =	sne.s32 s13, $0x10  }
0x1db: {  	p2 =	slt.s32 @!p1 s30, $0x1;
	[tilespmem:s14+$0x20] =	vst v15  }
0x1dc: {  	p2 =	por p1, p2;
	v14 =	vld.idx.msk [tilespmem:v14+s19+$0x0], $0xffff  }
.Ltmp46:
0x1dd: {  	_ = 	snop;
	(pc) =	sbr.rel @p2 .LBB2_47-.Ltmp46, $4  }
0x1de: {  	_ = 	snop  }
0x1df: {  	v15 =	vmov s0  }
0x1e0: {  	vm2 =	veq.s32 v15, v2  }
0x1e1: {  	v9 =	vsel vm2, v13, v9;
	[tilespmem:s14+$0x30] =	vst v14  }
0x1e2: {  	_ =	swait.ge [sflag:s24], $0x800  }
0x1e3: {  	[sflag:s24] =	ssyncset.done $0x0  }
0x1e4: {  	[sflag:s24] =	ssyncadd.s32 $0xFFFFF800  }
.LBB2_48:
.Ltmp47:
0x1e5: {  	_ = 	snop;
	(pc) =	sbr.rel .LBB2_49-.Ltmp47, $3  }
0x1e6: {  	_ =	sdelay $0x1  }
0x1e7: {  	s0 =	simm.s32 $0x0  }
0x1e8: {  	[hbm4b:s10+s0] =	stream.indirect_vreg.scatter [tilespmem:s12], [sflag:$0x3], $0x80, v9, vm1, $0xb8;
	[tilespmem:$0x1D200] =	vst v63  }
.LBB2_54:
0x1e9: {  	_ =	sfence.sel $0x180000  }
0x1ea: {  	[bflag:$0x0] =	sbarrier.arrive $0xFFFF  }
0x1eb: {  	_ =	strace $0x90000047  }
0x1ec: {  	s0 =	stileid.u32;
	[bflag:$0x2] =	sbarrier.arrive $0xFFFF  }
0x1ed: {  	p0 =	sne.s32 s0, $0x0;
	s0 =	rddreg [dreg:$0x5]  }
0x1ee: {  	s0 =	sadd.s32 @!p0 $0x100000, s0  }
0x1ef: {  	[sflag:s0] =	ssyncadd.tile.s32 @!p0 $0x1;
	_ =	shalt  }
.Lfunc_end2:
_tile_overlayer_lowered:
.L_overlay_start_2:
0x1f0: {  	(tag) =	ssettag $0x2  }
0x1f1: {  	s0 =	rddreg [dreg:$0x0];
	s2 =	stileid.u32  }
0x1f2: {  	s1 =	rddreg [dreg:$0x1];
	p0 =	sne.s32 s2, $0x0  }
0x1f3: {  	s3 =	rddreg [dreg:$0x2];
	[bflag:$0x3] =	sbarrier.arrive $0xFFFF;
	s2 =	simm.s32 @!p0 $0x1C04  }
0x1f4: {  	[timem:s3], [sflag:s2] =	dma.local @!p0 [hbm:s0], s1  }
0x1f5: {  	s0 =	simm.s32 @!p0 $0x4  }
0x1f6: {  	_ =	swait.ge @!p0 [sflag:s0], s1  }
0x1f7: {  	s1 =	ssub.s32 @!p0 $0x0, s1;
	[sflag:s0] =	ssyncset.done @!p0 $0x0  }
0x1f8: {  	[sflag:s0] =	ssyncadd.s32 @!p0 s1  }
0x1f9: {  	[bflag:$0x3] =	sbarrier.arrive $0xFFFF  }
0x1fa: {  	_ =	shalt  }

</sc_bundles>
